<compile_context>
chip_gen: v7x
topology: tpu7x:2x2x1
jax: 0.10.2.dev20260603
libtpu: 0.0.44.dev20260713+nightly
codegen_flags: <defaults>
</compile_context>

<pallas_src>
import functools

import jax
import jax.numpy as jnp
from jax import lax
from jax.experimental import pallas as pl
from jax.experimental.pallas import tpu as pltpu
from jax.experimental.pallas import tpu_sc as plsc

_EPS = 1e-5
_L = 16


def _build_sc_call(n_tok, hidden, out_dtype):
  NW = 32
  TPW = n_tok // NW
  C = 16
  NCHUNK = TPW // C
  J16 = hidden // _L

  mesh = plsc.VectorSubcoreMesh(core_axis_name="c", subcore_axis_name="s")

  def body(ids_hbm, table_hbm, w_hbm, out_hbm,
           idx_v, w_v, rows0, rows1, ob0, ob1,
           gsem0, gsem1, osem0, osem1):
    cid = lax.axis_index("c")
    sid = lax.axis_index("s")
    wid = sid * 2 + cid
    base = wid * TPW

    pltpu.sync_copy(ids_hbm.at[pl.ds(base, TPW)], idx_v)
    pltpu.sync_copy(w_hbm, w_v)

    rows = (rows0, rows1)
    obs = (ob0, ob1)
    gsems = (gsem0, gsem1)
    osems = (osem0, osem1)

    def start_gather(g, b):
      pltpu.async_copy(table_hbm.at[idx_v.at[pl.ds(g * C, C)]], rows[b],
                       gsems[b])

    def wait_gather(b):
      pltpu.make_async_copy(table_hbm.at[idx_v.at[pl.ds(0, C)]], rows[b],
                            gsems[b]).wait()

    def compute(rv, ob):
      z = jnp.zeros((_L,), jnp.float32)

      def ss_body(j, accs):
        cbase = j * _L
        return tuple(accs[r] + rv[r, pl.ds(cbase, _L)] *
                     rv[r, pl.ds(cbase, _L)] for r in range(C))

      accs = lax.fori_loop(0, J16, ss_body, (z,) * C)

      ys = []
      for r in range(C):
        s = jnp.sum(accs[r])
        m = s * (1.0 / hidden) + _EPS
        i = lax.bitcast_convert_type(m, jnp.int32)
        i = 0x5F3759DF - lax.shift_right_arithmetic(i, 1)
        y = lax.bitcast_convert_type(i, jnp.float32)
        y = y * (1.5 - 0.5 * m * y * y)
        y = y * (1.5 - 0.5 * m * y * y)
        y = y * (1.5 - 0.5 * m * y * y)
        ys.append(y)

      def col_body(k, _):
        for jj in range(2):
          j = 2 * k + jj
          wj = w_v[pl.ds(j * _L, _L)]
          for p in range(C // 2):
            a = rv[2 * p, pl.ds(j * _L, _L)] * ys[2 * p]
            b = rv[2 * p + 1, pl.ds(j * _L, _L)] * ys[2 * p + 1]
            packed = plsc.pack(a * wj, b * wj,
                               format=plsc.PackFormat.INTERLEAVED)
            ob[p, pl.ds(j * _L, _L)] = plsc.bitcast(packed, jnp.int32)
        return 0

      lax.fori_loop(0, J16 // 2, col_body, 0)

    start_gather(0, 0)

    def chunk_body(k, carry):
      for b in (0, 1):
        g = 2 * k + b
        wait_gather(b)

        @pl.when(g + 1 < NCHUNK)
        def _():
          start_gather(g + 1, 1 - b)

        @pl.when(g >= 2)
        def _():
          pltpu.make_async_copy(obs[b].bitcast(out_dtype),
                                out_hbm.at[pl.ds(base, C)],
                                osems[b]).wait()

        compute(rows[b], obs[b])
        pltpu.async_copy(obs[b].bitcast(out_dtype),
                         out_hbm.at[pl.ds(base + g * C, C)],
                         osems[b])
      return carry

    lax.fori_loop(0, NCHUNK // 2, chunk_body, 0)
    pltpu.make_async_copy(ob0.bitcast(out_dtype),
                          out_hbm.at[pl.ds(base, C)], osem0).wait()
    pltpu.make_async_copy(ob1.bitcast(out_dtype),
                          out_hbm.at[pl.ds(base, C)], osem1).wait()

  return pl.kernel(
      body,
      out_type=jax.ShapeDtypeStruct((n_tok, hidden), out_dtype),
      mesh=mesh,
      compiler_params=pltpu.CompilerParams(needs_layout_passes=False),
      scratch_types=[
          pltpu.VMEM((TPW,), jnp.int32),
          pltpu.VMEM((hidden,), jnp.float32),
          pltpu.VMEM((C, hidden), jnp.float32),
          pltpu.VMEM((C, hidden), jnp.float32),
          pltpu.VMEM((C // 2, hidden), jnp.int32),
          pltpu.VMEM((C // 2, hidden), jnp.int32),
          pltpu.SemaphoreType.DMA,
          pltpu.SemaphoreType.DMA,
          pltpu.SemaphoreType.DMA,
          pltpu.SemaphoreType.DMA,
      ],
  )


@functools.partial(jax.jit, static_argnames=())
def kernel(input_ids, tok_emb, norm_weight):
  b, s = input_ids.shape
  vocab, hidden = tok_emb.shape
  ids = input_ids.reshape(-1).astype(jnp.int32)
  call = _build_sc_call(b * s, hidden, jnp.bfloat16)
  out = call(ids, tok_emb, norm_weight)
  return out.reshape(b, s, hidden)

# --- scband reference (transcript-rebuilt; emitter-appended) ---
"""Pipeline reference for scband-modern-bert-embeddings-74904229642335 (READ-ONLY COPY).

The authoritative reference and input builder live on the scoring server;
editing this copy changes nothing except your own understanding.
"""

import jax, jax.numpy as jnp
import numpy as np

VOCAB = 50368
HIDDEN = 2048
EPS = 1e-05
PAD_IDX = 0


def setup_inputs(seed: int = 0) -> dict:
    key = jax.random.key(seed)
    k1, k2 = jax.random.split(key, 2)
    input_ids = jax.random.randint(k1, (4, 4096), 0, VOCAB, dtype=jnp.int64) if jax.config.jax_enable_x64 else jax.random.randint(k1, (4, 4096), 0, VOCAB, dtype=jnp.int32)
    tok_emb = jax.random.normal(k2, (VOCAB, HIDDEN), dtype=jnp.float32) * 0.02
    # padding_idx row is zero-initialized in nn.Embedding with padding_idx set
    tok_emb = tok_emb.at[PAD_IDX].set(0.0)
    norm_weight = jnp.ones((HIDDEN,), dtype=jnp.float32)
    return {"input_ids": input_ids, "tok_emb": tok_emb, "norm_weight": norm_weight}


def reference(input_ids, tok_emb, norm_weight):
    # tok_embeddings: gather rows from embedding table
    x = jnp.take(tok_emb, input_ids, axis=0)  # [B, S, H]
    # RMSNorm: x / sqrt(mean(x^2) + eps) * weight
    var = jnp.mean(jnp.square(x), axis=-1, keepdims=True)
    x = x * jax.lax.rsqrt(var + EPS) * norm_weight
    # dropout is identity in eval mode; cast to bfloat16 as in the module
    return x.astype(jnp.bfloat16)

if __name__ == "__main__":
    import jax
    _d = setup_inputs()
    print(jax.jit(kernel)(*tuple(_d.values())))

</pallas_src>

<mosaic_0001>
#map = affine_map<(d0, d1) -> (0)>
#map1 = affine_map<(d0, d1) -> (0, 0)>
module attributes {stable_mosaic.version = 14 : i64} {
  func.func @body(%arg0: i32, %arg1: i32, %arg2: memref<16384xi32, #tpu.memory_space<hbm>>, %arg3: memref<50368x2048xf32, #tpu.memory_space<hbm>>, %arg4: memref<2048xf32, #tpu.memory_space<hbm>>, %arg5: memref<16384x2048xbf16, #tpu.memory_space<hbm>>, %arg6: memref<512xi32, #tpu.memory_space<vmem>>, %arg7: memref<2048xf32, #tpu.memory_space<vmem>>, %arg8: memref<16x2048xf32, #tpu.memory_space<vmem>>, %arg9: memref<16x2048xf32, #tpu.memory_space<vmem>>, %arg10: memref<8x2048xi32, #tpu.memory_space<vmem>>, %arg11: memref<8x2048xi32, #tpu.memory_space<vmem>>, %arg12: memref<!tpu.dma_semaphore, #tpu.memory_space<semaphore_mem>>, %arg13: memref<!tpu.dma_semaphore, #tpu.memory_space<semaphore_mem>>, %arg14: memref<!tpu.dma_semaphore, #tpu.memory_space<semaphore_mem>>, %arg15: memref<!tpu.dma_semaphore, #tpu.memory_space<semaphore_mem>>) attributes {dimension_semantics = [#tpu.dimension_semantics<core_parallel>, #tpu.dimension_semantics<subcore_parallel>], iteration_bounds = array<i64: 2, 16>, scalar_prefetch = 0 : i64, scratch_operands = 10 : i64, tpu.core_type = #tpu.core_type<sc_vector_subcore>, window_params = [{transform_indices = #map}, {transform_indices = #map1}, {transform_indices = #map}, {transform_indices = #map1}]} {
    %mul3A = arith.constant 2 : i32
    %mul3A_0 = arith.muli %arg1, %mul3A : i32
    %add3A = arith.addi %mul3A_0, %arg0 : i32
    %mul3A_1 = arith.constant 512 : i32
    %mul3A_2 = arith.muli %add3A, %mul3A_1 : i32
    "tpu.region"() ({
      %run_scoped3A = tpu.sem_alloc : memref<!tpu.dma_semaphore, #tpu.memory_space<semaphore_mem>>
      %dma_start3A_23 = tpu.memref_slice %arg2[%mul3A_2] : memref<16384xi32, #tpu.memory_space<hbm>> -> memref<512xi32, #tpu.memory_space<hbm>>
      %dma_start3A_24 = tpu.memref_slice %arg2[%mul3A_2] : memref<16384xi32, #tpu.memory_space<hbm>> -> memref<512xi32, #tpu.memory_space<hbm>>
      tpu.enqueue_dma source(%dma_start3A_24 : memref<512xi32, #tpu.memory_space<hbm>>) target(%arg6 : memref<512xi32, #tpu.memory_space<vmem>>) target_semaphore(%run_scoped3A : memref<!tpu.dma_semaphore, #tpu.memory_space<semaphore_mem>>)
      %dma_wait3A_25 = tpu.memref_slice %arg2[%mul3A_2] : memref<16384xi32, #tpu.memory_space<hbm>> -> memref<512xi32, #tpu.memory_space<hbm>>
      %dma_wait3A_26 = tpu.memref_slice %arg2[%mul3A_2] : memref<16384xi32, #tpu.memory_space<hbm>> -> memref<512xi32, #tpu.memory_space<hbm>>
      tpu.wait_dma2 semaphore(%run_scoped3A : memref<!tpu.dma_semaphore, #tpu.memory_space<semaphore_mem>>) src(%dma_wait3A_26 : memref<512xi32, #tpu.memory_space<hbm>>) dst(%arg6 : memref<512xi32, #tpu.memory_space<vmem>>)
      tpu.yield
    }) : () -> ()
    "tpu.region"() ({
      %run_scoped3A = tpu.sem_alloc : memref<!tpu.dma_semaphore, #tpu.memory_space<semaphore_mem>>
      tpu.enqueue_dma source(%arg4 : memref<2048xf32, #tpu.memory_space<hbm>>) target(%arg7 : memref<2048xf32, #tpu.memory_space<vmem>>) target_semaphore(%run_scoped3A : memref<!tpu.dma_semaphore, #tpu.memory_space<semaphore_mem>>)
      tpu.wait_dma2 semaphore(%run_scoped3A : memref<!tpu.dma_semaphore, #tpu.memory_space<semaphore_mem>>) src(%arg4 : memref<2048xf32, #tpu.memory_space<hbm>>) dst(%arg7 : memref<2048xf32, #tpu.memory_space<vmem>>)
      tpu.yield
    }) : () -> ()
    %dma_start3A = arith.constant 0 : i32
    %dma_start3A_3 = tpu.memref_slice %arg6[%dma_start3A] : memref<512xi32, #tpu.memory_space<vmem>> -> memref<16xi32, #tpu.memory_space<vmem>>
    %dma_start3A_4 = arith.constant 0 : i32
    %dma_start3A_5 = arith.constant 0 : i32
    %dma_start3A_6 = tpu.memref_slice %arg3[%dma_start3A_4, %dma_start3A_5] : memref<50368x2048xf32, #tpu.memory_space<hbm>> -> memref<50368x2048xf32, #tpu.memory_space<hbm>>
    tpu.enqueue_indirect_dma source(%dma_start3A_6 : memref<50368x2048xf32, #tpu.memory_space<hbm>>) target(%arg8 : memref<16x2048xf32, #tpu.memory_space<vmem>>) offsets(%dma_start3A_3 : memref<16xi32, #tpu.memory_space<vmem>>) semaphore(%arg12 : memref<!tpu.dma_semaphore, #tpu.memory_space<semaphore_mem>>)
    %scan3A = arith.constant 0 : i32
    %scan3A_7 = arith.constant 0 : i32
    %scan3A_8 = arith.constant 16 : i32
    %scan3A_9 = arith.addi %scan3A_7, %scan3A_8 : i32
    %scan3A_10 = arith.constant 1 : i32
    scf.for %scan3A_23 = %scan3A_7 to %scan3A_9 step %scan3A_10  : i32 {
      %mul3A_24 = arith.constant 2 : i32
      %mul3A_25 = arith.muli %mul3A_24, %scan3A_23 : i32
      %add3A_26 = arith.constant 0 : i32
      %add3A_27 = arith.addi %mul3A_25, %add3A_26 : i32
      %dma_wait3A_28 = arith.constant 0 : i32
      %dma_wait3A_29 = tpu.memref_slice %arg6[%dma_wait3A_28] : memref<512xi32, #tpu.memory_space<vmem>> -> memref<16xi32, #tpu.memory_space<vmem>>
      %dma_wait3A_30 = arith.constant 0 : i32
      %dma_wait3A_31 = arith.constant 0 : i32
      %dma_wait3A_32 = tpu.memref_slice %arg3[%dma_wait3A_30, %dma_wait3A_31] : memref<50368x2048xf32, #tpu.memory_space<hbm>> -> memref<50368x2048xf32, #tpu.memory_space<hbm>>
      tpu.wait_indirect_dma semaphore(%arg12 : memref<!tpu.dma_semaphore, #tpu.memory_space<semaphore_mem>>) src(%dma_wait3A_32 : memref<50368x2048xf32, #tpu.memory_space<hbm>>) dst(%arg8 : memref<16x2048xf32, #tpu.memory_space<vmem>>)
      %add3A_33 = arith.constant 1 : i32
      %add3A_34 = arith.addi %add3A_27, %add3A_33 : i32
      %lt3A = arith.constant 32 : i32
      %lt3A_35 = arith.cmpi slt, %add3A_34, %lt3A : i32
      %convert_element_type3A = arith.extui %lt3A_35 : i1 to i32
      %cond3A = arith.constant 0 : i32
      %cond3A_36 = arith.cmpi ne, %convert_element_type3A, %cond3A : i32
      scf.if %cond3A_36 {
        %add3A_1225 = arith.constant 1 : i32
        %add3A_1226 = arith.addi %add3A_27, %add3A_1225 : i32
        %mul3A_1227 = arith.constant 16 : i32
        %mul3A_1228 = arith.muli %add3A_1226, %mul3A_1227 : i32
        %dma_start3A_1229 = tpu.memref_slice %arg6[%mul3A_1228] : memref<512xi32, #tpu.memory_space<vmem>> -> memref<16xi32, #tpu.memory_space<vmem>>
        %dma_start3A_1230 = arith.constant 0 : i32
        %dma_start3A_1231 = arith.constant 0 : i32
        %dma_start3A_1232 = tpu.memref_slice %arg3[%dma_start3A_1230, %dma_start3A_1231] : memref<50368x2048xf32, #tpu.memory_space<hbm>> -> memref<50368x2048xf32, #tpu.memory_space<hbm>>
        tpu.enqueue_indirect_dma source(%dma_start3A_1232 : memref<50368x2048xf32, #tpu.memory_space<hbm>>) target(%arg9 : memref<16x2048xf32, #tpu.memory_space<vmem>>) offsets(%dma_start3A_1229 : memref<16xi32, #tpu.memory_space<vmem>>) semaphore(%arg13 : memref<!tpu.dma_semaphore, #tpu.memory_space<semaphore_mem>>)
      } else {
      }
      %ge3A = arith.constant 2 : i32
      %ge3A_37 = arith.cmpi sge, %add3A_27, %ge3A : i32
      %convert_element_type3A_38 = arith.extui %ge3A_37 : i1 to i32
      %cond3A_39 = arith.constant 0 : i32
      %cond3A_40 = arith.cmpi ne, %convert_element_type3A_38, %cond3A_39 : i32
      scf.if %cond3A_40 {
        %dma_wait3A_1225 = tpu.memref_bitcast %arg10 : memref<8x2048xi32, #tpu.memory_space<vmem>> -> memref<16x2048xbf16, #tpu.memory_space<vmem>>
        %dma_wait3A_1226 = arith.constant 0 : i32
        %dma_wait3A_1227 = tpu.memref_slice %arg5[%mul3A_2, %dma_wait3A_1226] : memref<16384x2048xbf16, #tpu.memory_space<hbm>> -> memref<16x2048xbf16, #tpu.memory_space<hbm>>
        %dma_wait3A_1228 = arith.constant 0 : i32
        %dma_wait3A_1229 = tpu.memref_slice %arg5[%mul3A_2, %dma_wait3A_1228] : memref<16384x2048xbf16, #tpu.memory_space<hbm>> -> memref<16x2048xbf16, #tpu.memory_space<hbm>>
        %dma_wait3A_1230 = tpu.memref_bitcast %arg10 : memref<8x2048xi32, #tpu.memory_space<vmem>> -> memref<16x2048xbf16, #tpu.memory_space<vmem>>
        tpu.wait_dma2 semaphore(%arg14 : memref<!tpu.dma_semaphore, #tpu.memory_space<semaphore_mem>>) src(%dma_wait3A_1230 : memref<16x2048xbf16, #tpu.memory_space<vmem>>) dst(%dma_wait3A_1229 : memref<16x2048xbf16, #tpu.memory_space<hbm>>)
      } else {
      }
      %broadcast_in_dim3A = arith.constant 0.000000e+00 : f32
      %broadcast_in_dim3A_41 = vector.broadcast %broadcast_in_dim3A : f32 to vector<16xf32>
      %scan3A_42 = arith.constant 0 : i32
      %scan3A_43 = arith.constant 128 : i32
      %scan3A_44 = arith.addi %scan3A_42, %scan3A_43 : i32
      %scan3A_45 = arith.constant 1 : i32
      %scan3A_46:16 = scf.for %scan3A_1225 = %scan3A_42 to %scan3A_44 step %scan3A_45 iter_args(%scan3A_1226 = %broadcast_in_dim3A_41, %scan3A_1227 = %broadcast_in_dim3A_41, %scan3A_1228 = %broadcast_in_dim3A_41, %scan3A_1229 = %broadcast_in_dim3A_41, %scan3A_1230 = %broadcast_in_dim3A_41, %scan3A_1231 = %broadcast_in_dim3A_41, %scan3A_1232 = %broadcast_in_dim3A_41, %scan3A_1233 = %broadcast_in_dim3A_41, %scan3A_1234 = %broadcast_in_dim3A_41, %scan3A_1235 = %broadcast_in_dim3A_41, %scan3A_1236 = %broadcast_in_dim3A_41, %scan3A_1237 = %broadcast_in_dim3A_41, %scan3A_1238 = %broadcast_in_dim3A_41, %scan3A_1239 = %broadcast_in_dim3A_41, %scan3A_1240 = %broadcast_in_dim3A_41, %scan3A_1241 = %broadcast_in_dim3A_41) -> (vector<16xf32>, vector<16xf32>, vector<16xf32>, vector<16xf32>, vector<16xf32>, vector<16xf32>, vector<16xf32>, vector<16xf32>, vector<16xf32>, vector<16xf32>, vector<16xf32>, vector<16xf32>, vector<16xf32>, vector<16xf32>, vector<16xf32>, vector<16xf32>)  : i32 {
        %mul3A_1242 = arith.constant 16 : i32
        %mul3A_1243 = arith.muli %scan3A_1225, %mul3A_1242 : i32
        %get3A = arith.constant 0 : i32
        %get3A_1244 = arith.index_cast %get3A : i32 to index
        %get3A_1245 = arith.index_cast %mul3A_1243 : i32 to index
        %get3A_1246 = tpu.vector_load %arg8[%get3A_1244, %get3A_1245] {strides = array<i32>} : memref<16x2048xf32, #tpu.memory_space<vmem>>, vector<16xf32>,
        %get3A_1247 = arith.constant 0 : i32
        %get3A_1248 = arith.index_cast %get3A_1247 : i32 to index
        %get3A_1249 = arith.index_cast %mul3A_1243 : i32 to index
        %get3A_1250 = tpu.vector_load %arg8[%get3A_1248, %get3A_1249] {strides = array<i32>} : memref<16x2048xf32, #tpu.memory_space<vmem>>, vector<16xf32>,
        %mul3A_1251 = arith.mulf %get3A_1246, %get3A_1250 : vector<16xf32>
        %add3A_1252 = arith.addf %scan3A_1226, %mul3A_1251 : vector<16xf32>
        %get3A_1253 = arith.constant 1 : i32
        %get3A_1254 = arith.index_cast %get3A_1253 : i32 to index
        %get3A_1255 = arith.index_cast %mul3A_1243 : i32 to index
        %get3A_1256 = tpu.vector_load %arg8[%get3A_1254, %get3A_1255] {strides = array<i32>} : memref<16x2048xf32, #tpu.memory_space<vmem>>, vector<16xf32>,
        %get3A_1257 = arith.constant 1 : i32
        %get3A_1258 = arith.index_cast %get3A_1257 : i32 to index
        %get3A_1259 = arith.index_cast %mul3A_1243 : i32 to index
        %get3A_1260 = tpu.vector_load %arg8[%get3A_1258, %get3A_1259] {strides = array<i32>} : memref<16x2048xf32, #tpu.memory_space<vmem>>, vector<16xf32>,
        %mul3A_1261 = arith.mulf %get3A_1256, %get3A_1260 : vector<16xf32>
        %add3A_1262 = arith.addf %scan3A_1227, %mul3A_1261 : vector<16xf32>
        %get3A_1263 = arith.constant 2 : i32
        %get3A_1264 = arith.index_cast %get3A_1263 : i32 to index
        %get3A_1265 = arith.index_cast %mul3A_1243 : i32 to index
        %get3A_1266 = tpu.vector_load %arg8[%get3A_1264, %get3A_1265] {strides = array<i32>} : memref<16x2048xf32, #tpu.memory_space<vmem>>, vector<16xf32>,
        %get3A_1267 = arith.constant 2 : i32
        %get3A_1268 = arith.index_cast %get3A_1267 : i32 to index
        %get3A_1269 = arith.index_cast %mul3A_1243 : i32 to index
        %get3A_1270 = tpu.vector_load %arg8[%get3A_1268, %get3A_1269] {strides = array<i32>} : memref<16x2048xf32, #tpu.memory_space<vmem>>, vector<16xf32>,
        %mul3A_1271 = arith.mulf %get3A_1266, %get3A_1270 : vector<16xf32>
        %add3A_1272 = arith.addf %scan3A_1228, %mul3A_1271 : vector<16xf32>
        %get3A_1273 = arith.constant 3 : i32
        %get3A_1274 = arith.index_cast %get3A_1273 : i32 to index
        %get3A_1275 = arith.index_cast %mul3A_1243 : i32 to index
        %get3A_1276 = tpu.vector_load %arg8[%get3A_1274, %get3A_1275] {strides = array<i32>} : memref<16x2048xf32, #tpu.memory_space<vmem>>, vector<16xf32>,
        %get3A_1277 = arith.constant 3 : i32
        %get3A_1278 = arith.index_cast %get3A_1277 : i32 to index
        %get3A_1279 = arith.index_cast %mul3A_1243 : i32 to index
        %get3A_1280 = tpu.vector_load %arg8[%get3A_1278, %get3A_1279] {strides = array<i32>} : memref<16x2048xf32, #tpu.memory_space<vmem>>, vector<16xf32>,
        %mul3A_1281 = arith.mulf %get3A_1276, %get3A_1280 : vector<16xf32>
        %add3A_1282 = arith.addf %scan3A_1229, %mul3A_1281 : vector<16xf32>
        %get3A_1283 = arith.constant 4 : i32
        %get3A_1284 = arith.index_cast %get3A_1283 : i32 to index
        %get3A_1285 = arith.index_cast %mul3A_1243 : i32 to index
        %get3A_1286 = tpu.vector_load %arg8[%get3A_1284, %get3A_1285] {strides = array<i32>} : memref<16x2048xf32, #tpu.memory_space<vmem>>, vector<16xf32>,
        %get3A_1287 = arith.constant 4 : i32
        %get3A_1288 = arith.index_cast %get3A_1287 : i32 to index
        %get3A_1289 = arith.index_cast %mul3A_1243 : i32 to index
        %get3A_1290 = tpu.vector_load %arg8[%get3A_1288, %get3A_1289] {strides = array<i32>} : memref<16x2048xf32, #tpu.memory_space<vmem>>, vector<16xf32>,
        %mul3A_1291 = arith.mulf %get3A_1286, %get3A_1290 : vector<16xf32>
        %add3A_1292 = arith.addf %scan3A_1230, %mul3A_1291 : vector<16xf32>
        %get3A_1293 = arith.constant 5 : i32
        %get3A_1294 = arith.index_cast %get3A_1293 : i32 to index
        %get3A_1295 = arith.index_cast %mul3A_1243 : i32 to index
        %get3A_1296 = tpu.vector_load %arg8[%get3A_1294, %get3A_1295] {strides = array<i32>} : memref<16x2048xf32, #tpu.memory_space<vmem>>, vector<16xf32>,
        %get3A_1297 = arith.constant 5 : i32
        %get3A_1298 = arith.index_cast %get3A_1297 : i32 to index
        %get3A_1299 = arith.index_cast %mul3A_1243 : i32 to index
        %get3A_1300 = tpu.vector_load %arg8[%get3A_1298, %get3A_1299] {strides = array<i32>} : memref<16x2048xf32, #tpu.memory_space<vmem>>, vector<16xf32>,
        %mul3A_1301 = arith.mulf %get3A_1296, %get3A_1300 : vector<16xf32>
        %add3A_1302 = arith.addf %scan3A_1231, %mul3A_1301 : vector<16xf32>
        %get3A_1303 = arith.constant 6 : i32
        %get3A_1304 = arith.index_cast %get3A_1303 : i32 to index
        %get3A_1305 = arith.index_cast %mul3A_1243 : i32 to index
        %get3A_1306 = tpu.vector_load %arg8[%get3A_1304, %get3A_1305] {strides = array<i32>} : memref<16x2048xf32, #tpu.memory_space<vmem>>, vector<16xf32>,
        %get3A_1307 = arith.constant 6 : i32
        %get3A_1308 = arith.index_cast %get3A_1307 : i32 to index
        %get3A_1309 = arith.index_cast %mul3A_1243 : i32 to index
        %get3A_1310 = tpu.vector_load %arg8[%get3A_1308, %get3A_1309] {strides = array<i32>} : memref<16x2048xf32, #tpu.memory_space<vmem>>, vector<16xf32>,
        %mul3A_1311 = arith.mulf %get3A_1306, %get3A_1310 : vector<16xf32>
        %add3A_1312 = arith.addf %scan3A_1232, %mul3A_1311 : vector<16xf32>
        %get3A_1313 = arith.constant 7 : i32
        %get3A_1314 = arith.index_cast %get3A_1313 : i32 to index
        %get3A_1315 = arith.index_cast %mul3A_1243 : i32 to index
        %get3A_1316 = tpu.vector_load %arg8[%get3A_1314, %get3A_1315] {strides = array<i32>} : memref<16x2048xf32, #tpu.memory_space<vmem>>, vector<16xf32>,
        %get3A_1317 = arith.constant 7 : i32
        %get3A_1318 = arith.index_cast %get3A_1317 : i32 to index
        %get3A_1319 = arith.index_cast %mul3A_1243 : i32 to index
        %get3A_1320 = tpu.vector_load %arg8[%get3A_1318, %get3A_1319] {strides = array<i32>} : memref<16x2048xf32, #tpu.memory_space<vmem>>, vector<16xf32>,
        %mul3A_1321 = arith.mulf %get3A_1316, %get3A_1320 : vector<16xf32>
        %add3A_1322 = arith.addf %scan3A_1233, %mul3A_1321 : vector<16xf32>
        %get3A_1323 = arith.constant 8 : i32
        %get3A_1324 = arith.index_cast %get3A_1323 : i32 to index
        %get3A_1325 = arith.index_cast %mul3A_1243 : i32 to index
        %get3A_1326 = tpu.vector_load %arg8[%get3A_1324, %get3A_1325] {strides = array<i32>} : memref<16x2048xf32, #tpu.memory_space<vmem>>, vector<16xf32>,
        %get3A_1327 = arith.constant 8 : i32
        %get3A_1328 = arith.index_cast %get3A_1327 : i32 to index
        %get3A_1329 = arith.index_cast %mul3A_1243 : i32 to index
        %get3A_1330 = tpu.vector_load %arg8[%get3A_1328, %get3A_1329] {strides = array<i32>} : memref<16x2048xf32, #tpu.memory_space<vmem>>, vector<16xf32>,
        %mul3A_1331 = arith.mulf %get3A_1326, %get3A_1330 : vector<16xf32>
        %add3A_1332 = arith.addf %scan3A_1234, %mul3A_1331 : vector<16xf32>
        %get3A_1333 = arith.constant 9 : i32
        %get3A_1334 = arith.index_cast %get3A_1333 : i32 to index
        %get3A_1335 = arith.index_cast %mul3A_1243 : i32 to index
        %get3A_1336 = tpu.vector_load %arg8[%get3A_1334, %get3A_1335] {strides = array<i32>} : memref<16x2048xf32, #tpu.memory_space<vmem>>, vector<16xf32>,
        %get3A_1337 = arith.constant 9 : i32
        %get3A_1338 = arith.index_cast %get3A_1337 : i32 to index
        %get3A_1339 = arith.index_cast %mul3A_1243 : i32 to index
        %get3A_1340 = tpu.vector_load %arg8[%get3A_1338, %get3A_1339] {strides = array<i32>} : memref<16x2048xf32, #tpu.memory_space<vmem>>, vector<16xf32>,
        %mul3A_1341 = arith.mulf %get3A_1336, %get3A_1340 : vector<16xf32>
        %add3A_1342 = arith.addf %scan3A_1235, %mul3A_1341 : vector<16xf32>
        %get3A_1343 = arith.constant 10 : i32
        %get3A_1344 = arith.index_cast %get3A_1343 : i32 to index
        %get3A_1345 = arith.index_cast %mul3A_1243 : i32 to index
        %get3A_1346 = tpu.vector_load %arg8[%get3A_1344, %get3A_1345] {strides = array<i32>} : memref<16x2048xf32, #tpu.memory_space<vmem>>, vector<16xf32>,
        %get3A_1347 = arith.constant 10 : i32
        %get3A_1348 = arith.index_cast %get3A_1347 : i32 to index
        %get3A_1349 = arith.index_cast %mul3A_1243 : i32 to index
        %get3A_1350 = tpu.vector_load %arg8[%get3A_1348, %get3A_1349] {strides = array<i32>} : memref<16x2048xf32, #tpu.memory_space<vmem>>, vector<16xf32>,
        %mul3A_1351 = arith.mulf %get3A_1346, %get3A_1350 : vector<16xf32>
        %add3A_1352 = arith.addf %scan3A_1236, %mul3A_1351 : vector<16xf32>
        %get3A_1353 = arith.constant 11 : i32
        %get3A_1354 = arith.index_cast %get3A_1353 : i32 to index
        %get3A_1355 = arith.index_cast %mul3A_1243 : i32 to index
        %get3A_1356 = tpu.vector_load %arg8[%get3A_1354, %get3A_1355] {strides = array<i32>} : memref<16x2048xf32, #tpu.memory_space<vmem>>, vector<16xf32>,
        %get3A_1357 = arith.constant 11 : i32
        %get3A_1358 = arith.index_cast %get3A_1357 : i32 to index
        %get3A_1359 = arith.index_cast %mul3A_1243 : i32 to index
        %get3A_1360 = tpu.vector_load %arg8[%get3A_1358, %get3A_1359] {strides = array<i32>} : memref<16x2048xf32, #tpu.memory_space<vmem>>, vector<16xf32>,
        %mul3A_1361 = arith.mulf %get3A_1356, %get3A_1360 : vector<16xf32>
        %add3A_1362 = arith.addf %scan3A_1237, %mul3A_1361 : vector<16xf32>
        %get3A_1363 = arith.constant 12 : i32
        %get3A_1364 = arith.index_cast %get3A_1363 : i32 to index
        %get3A_1365 = arith.index_cast %mul3A_1243 : i32 to index
        %get3A_1366 = tpu.vector_load %arg8[%get3A_1364, %get3A_1365] {strides = array<i32>} : memref<16x2048xf32, #tpu.memory_space<vmem>>, vector<16xf32>,
        %get3A_1367 = arith.constant 12 : i32
        %get3A_1368 = arith.index_cast %get3A_1367 : i32 to index
        %get3A_1369 = arith.index_cast %mul3A_1243 : i32 to index
        %get3A_1370 = tpu.vector_load %arg8[%get3A_1368, %get3A_1369] {strides = array<i32>} : memref<16x2048xf32, #tpu.memory_space<vmem>>, vector<16xf32>,
        %mul3A_1371 = arith.mulf %get3A_1366, %get3A_1370 : vector<16xf32>
        %add3A_1372 = arith.addf %scan3A_1238, %mul3A_1371 : vector<16xf32>
        %get3A_1373 = arith.constant 13 : i32
        %get3A_1374 = arith.index_cast %get3A_1373 : i32 to index
        %get3A_1375 = arith.index_cast %mul3A_1243 : i32 to index
        %get3A_1376 = tpu.vector_load %arg8[%get3A_1374, %get3A_1375] {strides = array<i32>} : memref<16x2048xf32, #tpu.memory_space<vmem>>, vector<16xf32>,
        %get3A_1377 = arith.constant 13 : i32
        %get3A_1378 = arith.index_cast %get3A_1377 : i32 to index
        %get3A_1379 = arith.index_cast %mul3A_1243 : i32 to index
        %get3A_1380 = tpu.vector_load %arg8[%get3A_1378, %get3A_1379] {strides = array<i32>} : memref<16x2048xf32, #tpu.memory_space<vmem>>, vector<16xf32>,
        %mul3A_1381 = arith.mulf %get3A_1376, %get3A_1380 : vector<16xf32>
        %add3A_1382 = arith.addf %scan3A_1239, %mul3A_1381 : vector<16xf32>
        %get3A_1383 = arith.constant 14 : i32
        %get3A_1384 = arith.index_cast %get3A_1383 : i32 to index
        %get3A_1385 = arith.index_cast %mul3A_1243 : i32 to index
        %get3A_1386 = tpu.vector_load %arg8[%get3A_1384, %get3A_1385] {strides = array<i32>} : memref<16x2048xf32, #tpu.memory_space<vmem>>, vector<16xf32>,
        %get3A_1387 = arith.constant 14 : i32
        %get3A_1388 = arith.index_cast %get3A_1387 : i32 to index
        %get3A_1389 = arith.index_cast %mul3A_1243 : i32 to index
        %get3A_1390 = tpu.vector_load %arg8[%get3A_1388, %get3A_1389] {strides = array<i32>} : memref<16x2048xf32, #tpu.memory_space<vmem>>, vector<16xf32>,
        %mul3A_1391 = arith.mulf %get3A_1386, %get3A_1390 : vector<16xf32>
        %add3A_1392 = arith.addf %scan3A_1240, %mul3A_1391 : vector<16xf32>
        %get3A_1393 = arith.constant 15 : i32
        %get3A_1394 = arith.index_cast %get3A_1393 : i32 to index
        %get3A_1395 = arith.index_cast %mul3A_1243 : i32 to index
        %get3A_1396 = tpu.vector_load %arg8[%get3A_1394, %get3A_1395] {strides = array<i32>} : memref<16x2048xf32, #tpu.memory_space<vmem>>, vector<16xf32>,
        %get3A_1397 = arith.constant 15 : i32
        %get3A_1398 = arith.index_cast %get3A_1397 : i32 to index
        %get3A_1399 = arith.index_cast %mul3A_1243 : i32 to index
        %get3A_1400 = tpu.vector_load %arg8[%get3A_1398, %get3A_1399] {strides = array<i32>} : memref<16x2048xf32, #tpu.memory_space<vmem>>, vector<16xf32>,
        %mul3A_1401 = arith.mulf %get3A_1396, %get3A_1400 : vector<16xf32>
        %add3A_1402 = arith.addf %scan3A_1241, %mul3A_1401 : vector<16xf32>
        scf.yield %add3A_1252, %add3A_1262, %add3A_1272, %add3A_1282, %add3A_1292, %add3A_1302, %add3A_1312, %add3A_1322, %add3A_1332, %add3A_1342, %add3A_1352, %add3A_1362, %add3A_1372, %add3A_1382, %add3A_1392, %add3A_1402 : vector<16xf32>, vector<16xf32>, vector<16xf32>, vector<16xf32>, vector<16xf32>, vector<16xf32>, vector<16xf32>, vector<16xf32>, vector<16xf32>, vector<16xf32>, vector<16xf32>, vector<16xf32>, vector<16xf32>, vector<16xf32>, vector<16xf32>, vector<16xf32>
      }
      %scan3A_47 = arith.constant 128 : i32
      %reduce_sum3A = arith.constant true
      %reduce_sum3A_48 = vector.broadcast %reduce_sum3A : i1 to vector<16xi1>
      %reduce_sum3A_49 = tpu.scan <sum>, %scan3A_46#0 masked %reduce_sum3A_48 : vector<16xf32>, vector<16xi1> -> vector<16xf32>
      %reduce_sum3A_50 = vector.extract %reduce_sum3A_49[15] : f32 from vector<16xf32>
      %mul3A_51 = arith.constant 4.8828125E-4 : f32
      %mul3A_52 = arith.mulf %reduce_sum3A_50, %mul3A_51 : f32
      %add3A_53 = arith.constant 9.99999974E-6 : f32
      %add3A_54 = arith.addf %mul3A_52, %add3A_53 : f32
      %bitcast_convert_type3A = arith.bitcast %add3A_54 : f32 to i32
      %shift_right_arithmetic3A = arith.constant 1 : i32
      %shift_right_arithmetic3A_55 = arith.shrsi %bitcast_convert_type3A, %shift_right_arithmetic3A : i32
      %sub3A = arith.constant 1597463007 : i32
      %sub3A_56 = arith.subi %sub3A, %shift_right_arithmetic3A_55 : i32
      %bitcast_convert_type3A_57 = arith.bitcast %sub3A_56 : i32 to f32
      %mul3A_58 = arith.constant 5.000000e-01 : f32
      %mul3A_59 = arith.mulf %mul3A_58, %add3A_54 : f32
      %mul3A_60 = arith.mulf %mul3A_59, %bitcast_convert_type3A_57 : f32
      %mul3A_61 = arith.mulf %mul3A_60, %bitcast_convert_type3A_57 : f32
      %sub3A_62 = arith.constant 1.500000e+00 : f32
      %sub3A_63 = arith.subf %sub3A_62, %mul3A_61 : f32
      %mul3A_64 = arith.mulf %bitcast_convert_type3A_57, %sub3A_63 : f32
      %mul3A_65 = arith.constant 5.000000e-01 : f32
      %mul3A_66 = arith.mulf %mul3A_65, %add3A_54 : f32
      %mul3A_67 = arith.mulf %mul3A_66, %mul3A_64 : f32
      %mul3A_68 = arith.mulf %mul3A_67, %mul3A_64 : f32
      %sub3A_69 = arith.constant 1.500000e+00 : f32
      %sub3A_70 = arith.subf %sub3A_69, %mul3A_68 : f32
      %mul3A_71 = arith.mulf %mul3A_64, %sub3A_70 : f32
      %mul3A_72 = arith.constant 5.000000e-01 : f32
      %mul3A_73 = arith.mulf %mul3A_72, %add3A_54 : f32
      %mul3A_74 = arith.mulf %mul3A_73, %mul3A_71 : f32
      %mul3A_75 = arith.mulf %mul3A_74, %mul3A_71 : f32
      %sub3A_76 = arith.constant 1.500000e+00 : f32
      %sub3A_77 = arith.subf %sub3A_76, %mul3A_75 : f32
      %mul3A_78 = arith.mulf %mul3A_71, %sub3A_77 : f32
      %reduce_sum3A_79 = arith.constant true
      %reduce_sum3A_80 = vector.broadcast %reduce_sum3A_79 : i1 to vector<16xi1>
      %reduce_sum3A_81 = tpu.scan <sum>, %scan3A_46#1 masked %reduce_sum3A_80 : vector<16xf32>, vector<16xi1> -> vector<16xf32>
      %reduce_sum3A_82 = vector.extract %reduce_sum3A_81[15] : f32 from vector<16xf32>
      %mul3A_83 = arith.constant 4.8828125E-4 : f32
      %mul3A_84 = arith.mulf %reduce_sum3A_82, %mul3A_83 : f32
      %add3A_85 = arith.constant 9.99999974E-6 : f32
      %add3A_86 = arith.addf %mul3A_84, %add3A_85 : f32
      %bitcast_convert_type3A_87 = arith.bitcast %add3A_86 : f32 to i32
      %shift_right_arithmetic3A_88 = arith.constant 1 : i32
      %shift_right_arithmetic3A_89 = arith.shrsi %bitcast_convert_type3A_87, %shift_right_arithmetic3A_88 : i32
      %sub3A_90 = arith.constant 1597463007 : i32
      %sub3A_91 = arith.subi %sub3A_90, %shift_right_arithmetic3A_89 : i32
      %bitcast_convert_type3A_92 = arith.bitcast %sub3A_91 : i32 to f32
      %mul3A_93 = arith.constant 5.000000e-01 : f32
      %mul3A_94 = arith.mulf %mul3A_93, %add3A_86 : f32
      %mul3A_95 = arith.mulf %mul3A_94, %bitcast_convert_type3A_92 : f32
      %mul3A_96 = arith.mulf %mul3A_95, %bitcast_convert_type3A_92 : f32
      %sub3A_97 = arith.constant 1.500000e+00 : f32
      %sub3A_98 = arith.subf %sub3A_97, %mul3A_96 : f32
      %mul3A_99 = arith.mulf %bitcast_convert_type3A_92, %sub3A_98 : f32
      %mul3A_100 = arith.constant 5.000000e-01 : f32
      %mul3A_101 = arith.mulf %mul3A_100, %add3A_86 : f32
      %mul3A_102 = arith.mulf %mul3A_101, %mul3A_99 : f32
      %mul3A_103 = arith.mulf %mul3A_102, %mul3A_99 : f32
      %sub3A_104 = arith.constant 1.500000e+00 : f32
      %sub3A_105 = arith.subf %sub3A_104, %mul3A_103 : f32
      %mul3A_106 = arith.mulf %mul3A_99, %sub3A_105 : f32
      %mul3A_107 = arith.constant 5.000000e-01 : f32
      %mul3A_108 = arith.mulf %mul3A_107, %add3A_86 : f32
      %mul3A_109 = arith.mulf %mul3A_108, %mul3A_106 : f32
      %mul3A_110 = arith.mulf %mul3A_109, %mul3A_106 : f32
      %sub3A_111 = arith.constant 1.500000e+00 : f32
      %sub3A_112 = arith.subf %sub3A_111, %mul3A_110 : f32
      %mul3A_113 = arith.mulf %mul3A_106, %sub3A_112 : f32
      %reduce_sum3A_114 = arith.constant true
      %reduce_sum3A_115 = vector.broadcast %reduce_sum3A_114 : i1 to vector<16xi1>
      %reduce_sum3A_116 = tpu.scan <sum>, %scan3A_46#2 masked %reduce_sum3A_115 : vector<16xf32>, vector<16xi1> -> vector<16xf32>
      %reduce_sum3A_117 = vector.extract %reduce_sum3A_116[15] : f32 from vector<16xf32>
      %mul3A_118 = arith.constant 4.8828125E-4 : f32
      %mul3A_119 = arith.mulf %reduce_sum3A_117, %mul3A_118 : f32
      %add3A_120 = arith.constant 9.99999974E-6 : f32
      %add3A_121 = arith.addf %mul3A_119, %add3A_120 : f32
      %bitcast_convert_type3A_122 = arith.bitcast %add3A_121 : f32 to i32
      %shift_right_arithmetic3A_123 = arith.constant 1 : i32
      %shift_right_arithmetic3A_124 = arith.shrsi %bitcast_convert_type3A_122, %shift_right_arithmetic3A_123 : i32
      %sub3A_125 = arith.constant 1597463007 : i32
      %sub3A_126 = arith.subi %sub3A_125, %shift_right_arithmetic3A_124 : i32
      %bitcast_convert_type3A_127 = arith.bitcast %sub3A_126 : i32 to f32
      %mul3A_128 = arith.constant 5.000000e-01 : f32
      %mul3A_129 = arith.mulf %mul3A_128, %add3A_121 : f32
      %mul3A_130 = arith.mulf %mul3A_129, %bitcast_convert_type3A_127 : f32
      %mul3A_131 = arith.mulf %mul3A_130, %bitcast_convert_type3A_127 : f32
      %sub3A_132 = arith.constant 1.500000e+00 : f32
      %sub3A_133 = arith.subf %sub3A_132, %mul3A_131 : f32
      %mul3A_134 = arith.mulf %bitcast_convert_type3A_127, %sub3A_133 : f32
      %mul3A_135 = arith.constant 5.000000e-01 : f32
      %mul3A_136 = arith.mulf %mul3A_135, %add3A_121 : f32
      %mul3A_137 = arith.mulf %mul3A_136, %mul3A_134 : f32
      %mul3A_138 = arith.mulf %mul3A_137, %mul3A_134 : f32
      %sub3A_139 = arith.constant 1.500000e+00 : f32
      %sub3A_140 = arith.subf %sub3A_139, %mul3A_138 : f32
      %mul3A_141 = arith.mulf %mul3A_134, %sub3A_140 : f32
      %mul3A_142 = arith.constant 5.000000e-01 : f32
      %mul3A_143 = arith.mulf %mul3A_142, %add3A_121 : f32
      %mul3A_144 = arith.mulf %mul3A_143, %mul3A_141 : f32
      %mul3A_145 = arith.mulf %mul3A_144, %mul3A_141 : f32
      %sub3A_146 = arith.constant 1.500000e+00 : f32
      %sub3A_147 = arith.subf %sub3A_146, %mul3A_145 : f32
      %mul3A_148 = arith.mulf %mul3A_141, %sub3A_147 : f32
      %reduce_sum3A_149 = arith.constant true
      %reduce_sum3A_150 = vector.broadcast %reduce_sum3A_149 : i1 to vector<16xi1>
      %reduce_sum3A_151 = tpu.scan <sum>, %scan3A_46#3 masked %reduce_sum3A_150 : vector<16xf32>, vector<16xi1> -> vector<16xf32>
      %reduce_sum3A_152 = vector.extract %reduce_sum3A_151[15] : f32 from vector<16xf32>
      %mul3A_153 = arith.constant 4.8828125E-4 : f32
      %mul3A_154 = arith.mulf %reduce_sum3A_152, %mul3A_153 : f32
      %add3A_155 = arith.constant 9.99999974E-6 : f32
      %add3A_156 = arith.addf %mul3A_154, %add3A_155 : f32
      %bitcast_convert_type3A_157 = arith.bitcast %add3A_156 : f32 to i32
      %shift_right_arithmetic3A_158 = arith.constant 1 : i32
      %shift_right_arithmetic3A_159 = arith.shrsi %bitcast_convert_type3A_157, %shift_right_arithmetic3A_158 : i32
      %sub3A_160 = arith.constant 1597463007 : i32
      %sub3A_161 = arith.subi %sub3A_160, %shift_right_arithmetic3A_159 : i32
      %bitcast_convert_type3A_162 = arith.bitcast %sub3A_161 : i32 to f32
      %mul3A_163 = arith.constant 5.000000e-01 : f32
      %mul3A_164 = arith.mulf %mul3A_163, %add3A_156 : f32
      %mul3A_165 = arith.mulf %mul3A_164, %bitcast_convert_type3A_162 : f32
      %mul3A_166 = arith.mulf %mul3A_165, %bitcast_convert_type3A_162 : f32
      %sub3A_167 = arith.constant 1.500000e+00 : f32
      %sub3A_168 = arith.subf %sub3A_167, %mul3A_166 : f32
      %mul3A_169 = arith.mulf %bitcast_convert_type3A_162, %sub3A_168 : f32
      %mul3A_170 = arith.constant 5.000000e-01 : f32
      %mul3A_171 = arith.mulf %mul3A_170, %add3A_156 : f32
      %mul3A_172 = arith.mulf %mul3A_171, %mul3A_169 : f32
      %mul3A_173 = arith.mulf %mul3A_172, %mul3A_169 : f32
      %sub3A_174 = arith.constant 1.500000e+00 : f32
      %sub3A_175 = arith.subf %sub3A_174, %mul3A_173 : f32
      %mul3A_176 = arith.mulf %mul3A_169, %sub3A_175 : f32
      %mul3A_177 = arith.constant 5.000000e-01 : f32
      %mul3A_178 = arith.mulf %mul3A_177, %add3A_156 : f32
      %mul3A_179 = arith.mulf %mul3A_178, %mul3A_176 : f32
      %mul3A_180 = arith.mulf %mul3A_179, %mul3A_176 : f32
      %sub3A_181 = arith.constant 1.500000e+00 : f32
      %sub3A_182 = arith.subf %sub3A_181, %mul3A_180 : f32
      %mul3A_183 = arith.mulf %mul3A_176, %sub3A_182 : f32
      %reduce_sum3A_184 = arith.constant true
      %reduce_sum3A_185 = vector.broadcast %reduce_sum3A_184 : i1 to vector<16xi1>
      %reduce_sum3A_186 = tpu.scan <sum>, %scan3A_46#4 masked %reduce_sum3A_185 : vector<16xf32>, vector<16xi1> -> vector<16xf32>
      %reduce_sum3A_187 = vector.extract %reduce_sum3A_186[15] : f32 from vector<16xf32>
      %mul3A_188 = arith.constant 4.8828125E-4 : f32
      %mul3A_189 = arith.mulf %reduce_sum3A_187, %mul3A_188 : f32
      %add3A_190 = arith.constant 9.99999974E-6 : f32
      %add3A_191 = arith.addf %mul3A_189, %add3A_190 : f32
      %bitcast_convert_type3A_192 = arith.bitcast %add3A_191 : f32 to i32
      %shift_right_arithmetic3A_193 = arith.constant 1 : i32
      %shift_right_arithmetic3A_194 = arith.shrsi %bitcast_convert_type3A_192, %shift_right_arithmetic3A_193 : i32
      %sub3A_195 = arith.constant 1597463007 : i32
      %sub3A_196 = arith.subi %sub3A_195, %shift_right_arithmetic3A_194 : i32
      %bitcast_convert_type3A_197 = arith.bitcast %sub3A_196 : i32 to f32
      %mul3A_198 = arith.constant 5.000000e-01 : f32
      %mul3A_199 = arith.mulf %mul3A_198, %add3A_191 : f32
      %mul3A_200 = arith.mulf %mul3A_199, %bitcast_convert_type3A_197 : f32
      %mul3A_201 = arith.mulf %mul3A_200, %bitcast_convert_type3A_197 : f32
      %sub3A_202 = arith.constant 1.500000e+00 : f32
      %sub3A_203 = arith.subf %sub3A_202, %mul3A_201 : f32
      %mul3A_204 = arith.mulf %bitcast_convert_type3A_197, %sub3A_203 : f32
      %mul3A_205 = arith.constant 5.000000e-01 : f32
      %mul3A_206 = arith.mulf %mul3A_205, %add3A_191 : f32
      %mul3A_207 = arith.mulf %mul3A_206, %mul3A_204 : f32
      %mul3A_208 = arith.mulf %mul3A_207, %mul3A_204 : f32
      %sub3A_209 = arith.constant 1.500000e+00 : f32
      %sub3A_210 = arith.subf %sub3A_209, %mul3A_208 : f32
      %mul3A_211 = arith.mulf %mul3A_204, %sub3A_210 : f32
      %mul3A_212 = arith.constant 5.000000e-01 : f32
      %mul3A_213 = arith.mulf %mul3A_212, %add3A_191 : f32
      %mul3A_214 = arith.mulf %mul3A_213, %mul3A_211 : f32
      %mul3A_215 = arith.mulf %mul3A_214, %mul3A_211 : f32
      %sub3A_216 = arith.constant 1.500000e+00 : f32
      %sub3A_217 = arith.subf %sub3A_216, %mul3A_215 : f32
      %mul3A_218 = arith.mulf %mul3A_211, %sub3A_217 : f32
      %reduce_sum3A_219 = arith.constant true
      %reduce_sum3A_220 = vector.broadcast %reduce_sum3A_219 : i1 to vector<16xi1>
      %reduce_sum3A_221 = tpu.scan <sum>, %scan3A_46#5 masked %reduce_sum3A_220 : vector<16xf32>, vector<16xi1> -> vector<16xf32>
      %reduce_sum3A_222 = vector.extract %reduce_sum3A_221[15] : f32 from vector<16xf32>
      %mul3A_223 = arith.constant 4.8828125E-4 : f32
      %mul3A_224 = arith.mulf %reduce_sum3A_222, %mul3A_223 : f32
      %add3A_225 = arith.constant 9.99999974E-6 : f32
      %add3A_226 = arith.addf %mul3A_224, %add3A_225 : f32
      %bitcast_convert_type3A_227 = arith.bitcast %add3A_226 : f32 to i32
      %shift_right_arithmetic3A_228 = arith.constant 1 : i32
      %shift_right_arithmetic3A_229 = arith.shrsi %bitcast_convert_type3A_227, %shift_right_arithmetic3A_228 : i32
      %sub3A_230 = arith.constant 1597463007 : i32
      %sub3A_231 = arith.subi %sub3A_230, %shift_right_arithmetic3A_229 : i32
      %bitcast_convert_type3A_232 = arith.bitcast %sub3A_231 : i32 to f32
      %mul3A_233 = arith.constant 5.000000e-01 : f32
      %mul3A_234 = arith.mulf %mul3A_233, %add3A_226 : f32
      %mul3A_235 = arith.mulf %mul3A_234, %bitcast_convert_type3A_232 : f32
      %mul3A_236 = arith.mulf %mul3A_235, %bitcast_convert_type3A_232 : f32
      %sub3A_237 = arith.constant 1.500000e+00 : f32
      %sub3A_238 = arith.subf %sub3A_237, %mul3A_236 : f32
      %mul3A_239 = arith.mulf %bitcast_convert_type3A_232, %sub3A_238 : f32
      %mul3A_240 = arith.constant 5.000000e-01 : f32
      %mul3A_241 = arith.mulf %mul3A_240, %add3A_226 : f32
      %mul3A_242 = arith.mulf %mul3A_241, %mul3A_239 : f32
      %mul3A_243 = arith.mulf %mul3A_242, %mul3A_239 : f32
      %sub3A_244 = arith.constant 1.500000e+00 : f32
      %sub3A_245 = arith.subf %sub3A_244, %mul3A_243 : f32
      %mul3A_246 = arith.mulf %mul3A_239, %sub3A_245 : f32
      %mul3A_247 = arith.constant 5.000000e-01 : f32
      %mul3A_248 = arith.mulf %mul3A_247, %add3A_226 : f32
      %mul3A_249 = arith.mulf %mul3A_248, %mul3A_246 : f32
      %mul3A_250 = arith.mulf %mul3A_249, %mul3A_246 : f32
      %sub3A_251 = arith.constant 1.500000e+00 : f32
      %sub3A_252 = arith.subf %sub3A_251, %mul3A_250 : f32
      %mul3A_253 = arith.mulf %mul3A_246, %sub3A_252 : f32
      %reduce_sum3A_254 = arith.constant true
      %reduce_sum3A_255 = vector.broadcast %reduce_sum3A_254 : i1 to vector<16xi1>
      %reduce_sum3A_256 = tpu.scan <sum>, %scan3A_46#6 masked %reduce_sum3A_255 : vector<16xf32>, vector<16xi1> -> vector<16xf32>
      %reduce_sum3A_257 = vector.extract %reduce_sum3A_256[15] : f32 from vector<16xf32>
      %mul3A_258 = arith.constant 4.8828125E-4 : f32
      %mul3A_259 = arith.mulf %reduce_sum3A_257, %mul3A_258 : f32
      %add3A_260 = arith.constant 9.99999974E-6 : f32
      %add3A_261 = arith.addf %mul3A_259, %add3A_260 : f32
      %bitcast_convert_type3A_262 = arith.bitcast %add3A_261 : f32 to i32
      %shift_right_arithmetic3A_263 = arith.constant 1 : i32
      %shift_right_arithmetic3A_264 = arith.shrsi %bitcast_convert_type3A_262, %shift_right_arithmetic3A_263 : i32
      %sub3A_265 = arith.constant 1597463007 : i32
      %sub3A_266 = arith.subi %sub3A_265, %shift_right_arithmetic3A_264 : i32
      %bitcast_convert_type3A_267 = arith.bitcast %sub3A_266 : i32 to f32
      %mul3A_268 = arith.constant 5.000000e-01 : f32
      %mul3A_269 = arith.mulf %mul3A_268, %add3A_261 : f32
      %mul3A_270 = arith.mulf %mul3A_269, %bitcast_convert_type3A_267 : f32
      %mul3A_271 = arith.mulf %mul3A_270, %bitcast_convert_type3A_267 : f32
      %sub3A_272 = arith.constant 1.500000e+00 : f32
      %sub3A_273 = arith.subf %sub3A_272, %mul3A_271 : f32
      %mul3A_274 = arith.mulf %bitcast_convert_type3A_267, %sub3A_273 : f32
      %mul3A_275 = arith.constant 5.000000e-01 : f32
      %mul3A_276 = arith.mulf %mul3A_275, %add3A_261 : f32
      %mul3A_277 = arith.mulf %mul3A_276, %mul3A_274 : f32
      %mul3A_278 = arith.mulf %mul3A_277, %mul3A_274 : f32
      %sub3A_279 = arith.constant 1.500000e+00 : f32
      %sub3A_280 = arith.subf %sub3A_279, %mul3A_278 : f32
      %mul3A_281 = arith.mulf %mul3A_274, %sub3A_280 : f32
      %mul3A_282 = arith.constant 5.000000e-01 : f32
      %mul3A_283 = arith.mulf %mul3A_282, %add3A_261 : f32
      %mul3A_284 = arith.mulf %mul3A_283, %mul3A_281 : f32
      %mul3A_285 = arith.mulf %mul3A_284, %mul3A_281 : f32
      %sub3A_286 = arith.constant 1.500000e+00 : f32
      %sub3A_287 = arith.subf %sub3A_286, %mul3A_285 : f32
      %mul3A_288 = arith.mulf %mul3A_281, %sub3A_287 : f32
      %reduce_sum3A_289 = arith.constant true
      %reduce_sum3A_290 = vector.broadcast %reduce_sum3A_289 : i1 to vector<16xi1>
      %reduce_sum3A_291 = tpu.scan <sum>, %scan3A_46#7 masked %reduce_sum3A_290 : vector<16xf32>, vector<16xi1> -> vector<16xf32>
      %reduce_sum3A_292 = vector.extract %reduce_sum3A_291[15] : f32 from vector<16xf32>
      %mul3A_293 = arith.constant 4.8828125E-4 : f32
      %mul3A_294 = arith.mulf %reduce_sum3A_292, %mul3A_293 : f32
      %add3A_295 = arith.constant 9.99999974E-6 : f32
      %add3A_296 = arith.addf %mul3A_294, %add3A_295 : f32
      %bitcast_convert_type3A_297 = arith.bitcast %add3A_296 : f32 to i32
      %shift_right_arithmetic3A_298 = arith.constant 1 : i32
      %shift_right_arithmetic3A_299 = arith.shrsi %bitcast_convert_type3A_297, %shift_right_arithmetic3A_298 : i32
      %sub3A_300 = arith.constant 1597463007 : i32
      %sub3A_301 = arith.subi %sub3A_300, %shift_right_arithmetic3A_299 : i32
      %bitcast_convert_type3A_302 = arith.bitcast %sub3A_301 : i32 to f32
      %mul3A_303 = arith.constant 5.000000e-01 : f32
      %mul3A_304 = arith.mulf %mul3A_303, %add3A_296 : f32
      %mul3A_305 = arith.mulf %mul3A_304, %bitcast_convert_type3A_302 : f32
      %mul3A_306 = arith.mulf %mul3A_305, %bitcast_convert_type3A_302 : f32
      %sub3A_307 = arith.constant 1.500000e+00 : f32
      %sub3A_308 = arith.subf %sub3A_307, %mul3A_306 : f32
      %mul3A_309 = arith.mulf %bitcast_convert_type3A_302, %sub3A_308 : f32
      %mul3A_310 = arith.constant 5.000000e-01 : f32
      %mul3A_311 = arith.mulf %mul3A_310, %add3A_296 : f32
      %mul3A_312 = arith.mulf %mul3A_311, %mul3A_309 : f32
      %mul3A_313 = arith.mulf %mul3A_312, %mul3A_309 : f32
      %sub3A_314 = arith.constant 1.500000e+00 : f32
      %sub3A_315 = arith.subf %sub3A_314, %mul3A_313 : f32
      %mul3A_316 = arith.mulf %mul3A_309, %sub3A_315 : f32
      %mul3A_317 = arith.constant 5.000000e-01 : f32
      %mul3A_318 = arith.mulf %mul3A_317, %add3A_296 : f32
      %mul3A_319 = arith.mulf %mul3A_318, %mul3A_316 : f32
      %mul3A_320 = arith.mulf %mul3A_319, %mul3A_316 : f32
      %sub3A_321 = arith.constant 1.500000e+00 : f32
      %sub3A_322 = arith.subf %sub3A_321, %mul3A_320 : f32
      %mul3A_323 = arith.mulf %mul3A_316, %sub3A_322 : f32
      %reduce_sum3A_324 = arith.constant true
      %reduce_sum3A_325 = vector.broadcast %reduce_sum3A_324 : i1 to vector<16xi1>
      %reduce_sum3A_326 = tpu.scan <sum>, %scan3A_46#8 masked %reduce_sum3A_325 : vector<16xf32>, vector<16xi1> -> vector<16xf32>
      %reduce_sum3A_327 = vector.extract %reduce_sum3A_326[15] : f32 from vector<16xf32>
      %mul3A_328 = arith.constant 4.8828125E-4 : f32
      %mul3A_329 = arith.mulf %reduce_sum3A_327, %mul3A_328 : f32
      %add3A_330 = arith.constant 9.99999974E-6 : f32
      %add3A_331 = arith.addf %mul3A_329, %add3A_330 : f32
      %bitcast_convert_type3A_332 = arith.bitcast %add3A_331 : f32 to i32
      %shift_right_arithmetic3A_333 = arith.constant 1 : i32
      %shift_right_arithmetic3A_334 = arith.shrsi %bitcast_convert_type3A_332, %shift_right_arithmetic3A_333 : i32
      %sub3A_335 = arith.constant 1597463007 : i32
      %sub3A_336 = arith.subi %sub3A_335, %shift_right_arithmetic3A_334 : i32
      %bitcast_convert_type3A_337 = arith.bitcast %sub3A_336 : i32 to f32
      %mul3A_338 = arith.constant 5.000000e-01 : f32
      %mul3A_339 = arith.mulf %mul3A_338, %add3A_331 : f32
      %mul3A_340 = arith.mulf %mul3A_339, %bitcast_convert_type3A_337 : f32
      %mul3A_341 = arith.mulf %mul3A_340, %bitcast_convert_type3A_337 : f32
      %sub3A_342 = arith.constant 1.500000e+00 : f32
      %sub3A_343 = arith.subf %sub3A_342, %mul3A_341 : f32
      %mul3A_344 = arith.mulf %bitcast_convert_type3A_337, %sub3A_343 : f32
      %mul3A_345 = arith.constant 5.000000e-01 : f32
      %mul3A_346 = arith.mulf %mul3A_345, %add3A_331 : f32
      %mul3A_347 = arith.mulf %mul3A_346, %mul3A_344 : f32
      %mul3A_348 = arith.mulf %mul3A_347, %mul3A_344 : f32
      %sub3A_349 = arith.constant 1.500000e+00 : f32
      %sub3A_350 = arith.subf %sub3A_349, %mul3A_348 : f32
      %mul3A_351 = arith.mulf %mul3A_344, %sub3A_350 : f32
      %mul3A_352 = arith.constant 5.000000e-01 : f32
      %mul3A_353 = arith.mulf %mul3A_352, %add3A_331 : f32
      %mul3A_354 = arith.mulf %mul3A_353, %mul3A_351 : f32
      %mul3A_355 = arith.mulf %mul3A_354, %mul3A_351 : f32
      %sub3A_356 = arith.constant 1.500000e+00 : f32
      %sub3A_357 = arith.subf %sub3A_356, %mul3A_355 : f32
      %mul3A_358 = arith.mulf %mul3A_351, %sub3A_357 : f32
      %reduce_sum3A_359 = arith.constant true
      %reduce_sum3A_360 = vector.broadcast %reduce_sum3A_359 : i1 to vector<16xi1>
      %reduce_sum3A_361 = tpu.scan <sum>, %scan3A_46#9 masked %reduce_sum3A_360 : vector<16xf32>, vector<16xi1> -> vector<16xf32>
      %reduce_sum3A_362 = vector.extract %reduce_sum3A_361[15] : f32 from vector<16xf32>
      %mul3A_363 = arith.constant 4.8828125E-4 : f32
      %mul3A_364 = arith.mulf %reduce_sum3A_362, %mul3A_363 : f32
      %add3A_365 = arith.constant 9.99999974E-6 : f32
      %add3A_366 = arith.addf %mul3A_364, %add3A_365 : f32
      %bitcast_convert_type3A_367 = arith.bitcast %add3A_366 : f32 to i32
      %shift_right_arithmetic3A_368 = arith.constant 1 : i32
      %shift_right_arithmetic3A_369 = arith.shrsi %bitcast_convert_type3A_367, %shift_right_arithmetic3A_368 : i32
      %sub3A_370 = arith.constant 1597463007 : i32
      %sub3A_371 = arith.subi %sub3A_370, %shift_right_arithmetic3A_369 : i32
      %bitcast_convert_type3A_372 = arith.bitcast %sub3A_371 : i32 to f32
      %mul3A_373 = arith.constant 5.000000e-01 : f32
      %mul3A_374 = arith.mulf %mul3A_373, %add3A_366 : f32
      %mul3A_375 = arith.mulf %mul3A_374, %bitcast_convert_type3A_372 : f32
      %mul3A_376 = arith.mulf %mul3A_375, %bitcast_convert_type3A_372 : f32
      %sub3A_377 = arith.constant 1.500000e+00 : f32
      %sub3A_378 = arith.subf %sub3A_377, %mul3A_376 : f32
      %mul3A_379 = arith.mulf %bitcast_convert_type3A_372, %sub3A_378 : f32
      %mul3A_380 = arith.constant 5.000000e-01 : f32
      %mul3A_381 = arith.mulf %mul3A_380, %add3A_366 : f32
      %mul3A_382 = arith.mulf %mul3A_381, %mul3A_379 : f32
      %mul3A_383 = arith.mulf %mul3A_382, %mul3A_379 : f32
      %sub3A_384 = arith.constant 1.500000e+00 : f32
      %sub3A_385 = arith.subf %sub3A_384, %mul3A_383 : f32
      %mul3A_386 = arith.mulf %mul3A_379, %sub3A_385 : f32
      %mul3A_387 = arith.constant 5.000000e-01 : f32
      %mul3A_388 = arith.mulf %mul3A_387, %add3A_366 : f32
      %mul3A_389 = arith.mulf %mul3A_388, %mul3A_386 : f32
      %mul3A_390 = arith.mulf %mul3A_389, %mul3A_386 : f32
      %sub3A_391 = arith.constant 1.500000e+00 : f32
      %sub3A_392 = arith.subf %sub3A_391, %mul3A_390 : f32
      %mul3A_393 = arith.mulf %mul3A_386, %sub3A_392 : f32
      %reduce_sum3A_394 = arith.constant true
      %reduce_sum3A_395 = vector.broadcast %reduce_sum3A_394 : i1 to vector<16xi1>
      %reduce_sum3A_396 = tpu.scan <sum>, %scan3A_46#10 masked %reduce_sum3A_395 : vector<16xf32>, vector<16xi1> -> vector<16xf32>
      %reduce_sum3A_397 = vector.extract %reduce_sum3A_396[15] : f32 from vector<16xf32>
      %mul3A_398 = arith.constant 4.8828125E-4 : f32
      %mul3A_399 = arith.mulf %reduce_sum3A_397, %mul3A_398 : f32
      %add3A_400 = arith.constant 9.99999974E-6 : f32
      %add3A_401 = arith.addf %mul3A_399, %add3A_400 : f32
      %bitcast_convert_type3A_402 = arith.bitcast %add3A_401 : f32 to i32
      %shift_right_arithmetic3A_403 = arith.constant 1 : i32
      %shift_right_arithmetic3A_404 = arith.shrsi %bitcast_convert_type3A_402, %shift_right_arithmetic3A_403 : i32
      %sub3A_405 = arith.constant 1597463007 : i32
      %sub3A_406 = arith.subi %sub3A_405, %shift_right_arithmetic3A_404 : i32
      %bitcast_convert_type3A_407 = arith.bitcast %sub3A_406 : i32 to f32
      %mul3A_408 = arith.constant 5.000000e-01 : f32
      %mul3A_409 = arith.mulf %mul3A_408, %add3A_401 : f32
      %mul3A_410 = arith.mulf %mul3A_409, %bitcast_convert_type3A_407 : f32
      %mul3A_411 = arith.mulf %mul3A_410, %bitcast_convert_type3A_407 : f32
      %sub3A_412 = arith.constant 1.500000e+00 : f32
      %sub3A_413 = arith.subf %sub3A_412, %mul3A_411 : f32
      %mul3A_414 = arith.mulf %bitcast_convert_type3A_407, %sub3A_413 : f32
      %mul3A_415 = arith.constant 5.000000e-01 : f32
      %mul3A_416 = arith.mulf %mul3A_415, %add3A_401 : f32
      %mul3A_417 = arith.mulf %mul3A_416, %mul3A_414 : f32
      %mul3A_418 = arith.mulf %mul3A_417, %mul3A_414 : f32
      %sub3A_419 = arith.constant 1.500000e+00 : f32
      %sub3A_420 = arith.subf %sub3A_419, %mul3A_418 : f32
      %mul3A_421 = arith.mulf %mul3A_414, %sub3A_420 : f32
      %mul3A_422 = arith.constant 5.000000e-01 : f32
      %mul3A_423 = arith.mulf %mul3A_422, %add3A_401 : f32
      %mul3A_424 = arith.mulf %mul3A_423, %mul3A_421 : f32
      %mul3A_425 = arith.mulf %mul3A_424, %mul3A_421 : f32
      %sub3A_426 = arith.constant 1.500000e+00 : f32
      %sub3A_427 = arith.subf %sub3A_426, %mul3A_425 : f32
      %mul3A_428 = arith.mulf %mul3A_421, %sub3A_427 : f32
      %reduce_sum3A_429 = arith.constant true
      %reduce_sum3A_430 = vector.broadcast %reduce_sum3A_429 : i1 to vector<16xi1>
      %reduce_sum3A_431 = tpu.scan <sum>, %scan3A_46#11 masked %reduce_sum3A_430 : vector<16xf32>, vector<16xi1> -> vector<16xf32>
      %reduce_sum3A_432 = vector.extract %reduce_sum3A_431[15] : f32 from vector<16xf32>
      %mul3A_433 = arith.constant 4.8828125E-4 : f32
      %mul3A_434 = arith.mulf %reduce_sum3A_432, %mul3A_433 : f32
      %add3A_435 = arith.constant 9.99999974E-6 : f32
      %add3A_436 = arith.addf %mul3A_434, %add3A_435 : f32
      %bitcast_convert_type3A_437 = arith.bitcast %add3A_436 : f32 to i32
      %shift_right_arithmetic3A_438 = arith.constant 1 : i32
      %shift_right_arithmetic3A_439 = arith.shrsi %bitcast_convert_type3A_437, %shift_right_arithmetic3A_438 : i32
      %sub3A_440 = arith.constant 1597463007 : i32
      %sub3A_441 = arith.subi %sub3A_440, %shift_right_arithmetic3A_439 : i32
      %bitcast_convert_type3A_442 = arith.bitcast %sub3A_441 : i32 to f32
      %mul3A_443 = arith.constant 5.000000e-01 : f32
      %mul3A_444 = arith.mulf %mul3A_443, %add3A_436 : f32
      %mul3A_445 = arith.mulf %mul3A_444, %bitcast_convert_type3A_442 : f32
      %mul3A_446 = arith.mulf %mul3A_445, %bitcast_convert_type3A_442 : f32
      %sub3A_447 = arith.constant 1.500000e+00 : f32
      %sub3A_448 = arith.subf %sub3A_447, %mul3A_446 : f32
      %mul3A_449 = arith.mulf %bitcast_convert_type3A_442, %sub3A_448 : f32
      %mul3A_450 = arith.constant 5.000000e-01 : f32
      %mul3A_451 = arith.mulf %mul3A_450, %add3A_436 : f32
      %mul3A_452 = arith.mulf %mul3A_451, %mul3A_449 : f32
      %mul3A_453 = arith.mulf %mul3A_452, %mul3A_449 : f32
      %sub3A_454 = arith.constant 1.500000e+00 : f32
      %sub3A_455 = arith.subf %sub3A_454, %mul3A_453 : f32
      %mul3A_456 = arith.mulf %mul3A_449, %sub3A_455 : f32
      %mul3A_457 = arith.constant 5.000000e-01 : f32
      %mul3A_458 = arith.mulf %mul3A_457, %add3A_436 : f32
      %mul3A_459 = arith.mulf %mul3A_458, %mul3A_456 : f32
      %mul3A_460 = arith.mulf %mul3A_459, %mul3A_456 : f32
      %sub3A_461 = arith.constant 1.500000e+00 : f32
      %sub3A_462 = arith.subf %sub3A_461, %mul3A_460 : f32
      %mul3A_463 = arith.mulf %mul3A_456, %sub3A_462 : f32
      %reduce_sum3A_464 = arith.constant true
      %reduce_sum3A_465 = vector.broadcast %reduce_sum3A_464 : i1 to vector<16xi1>
      %reduce_sum3A_466 = tpu.scan <sum>, %scan3A_46#12 masked %reduce_sum3A_465 : vector<16xf32>, vector<16xi1> -> vector<16xf32>
      %reduce_sum3A_467 = vector.extract %reduce_sum3A_466[15] : f32 from vector<16xf32>
      %mul3A_468 = arith.constant 4.8828125E-4 : f32
      %mul3A_469 = arith.mulf %reduce_sum3A_467, %mul3A_468 : f32
      %add3A_470 = arith.constant 9.99999974E-6 : f32
      %add3A_471 = arith.addf %mul3A_469, %add3A_470 : f32
      %bitcast_convert_type3A_472 = arith.bitcast %add3A_471 : f32 to i32
      %shift_right_arithmetic3A_473 = arith.constant 1 : i32
      %shift_right_arithmetic3A_474 = arith.shrsi %bitcast_convert_type3A_472, %shift_right_arithmetic3A_473 : i32
      %sub3A_475 = arith.constant 1597463007 : i32
      %sub3A_476 = arith.subi %sub3A_475, %shift_right_arithmetic3A_474 : i32
      %bitcast_convert_type3A_477 = arith.bitcast %sub3A_476 : i32 to f32
      %mul3A_478 = arith.constant 5.000000e-01 : f32
      %mul3A_479 = arith.mulf %mul3A_478, %add3A_471 : f32
      %mul3A_480 = arith.mulf %mul3A_479, %bitcast_convert_type3A_477 : f32
      %mul3A_481 = arith.mulf %mul3A_480, %bitcast_convert_type3A_477 : f32
      %sub3A_482 = arith.constant 1.500000e+00 : f32
      %sub3A_483 = arith.subf %sub3A_482, %mul3A_481 : f32
      %mul3A_484 = arith.mulf %bitcast_convert_type3A_477, %sub3A_483 : f32
      %mul3A_485 = arith.constant 5.000000e-01 : f32
      %mul3A_486 = arith.mulf %mul3A_485, %add3A_471 : f32
      %mul3A_487 = arith.mulf %mul3A_486, %mul3A_484 : f32
      %mul3A_488 = arith.mulf %mul3A_487, %mul3A_484 : f32
      %sub3A_489 = arith.constant 1.500000e+00 : f32
      %sub3A_490 = arith.subf %sub3A_489, %mul3A_488 : f32
      %mul3A_491 = arith.mulf %mul3A_484, %sub3A_490 : f32
      %mul3A_492 = arith.constant 5.000000e-01 : f32
      %mul3A_493 = arith.mulf %mul3A_492, %add3A_471 : f32
      %mul3A_494 = arith.mulf %mul3A_493, %mul3A_491 : f32
      %mul3A_495 = arith.mulf %mul3A_494, %mul3A_491 : f32
      %sub3A_496 = arith.constant 1.500000e+00 : f32
      %sub3A_497 = arith.subf %sub3A_496, %mul3A_495 : f32
      %mul3A_498 = arith.mulf %mul3A_491, %sub3A_497 : f32
      %reduce_sum3A_499 = arith.constant true
      %reduce_sum3A_500 = vector.broadcast %reduce_sum3A_499 : i1 to vector<16xi1>
      %reduce_sum3A_501 = tpu.scan <sum>, %scan3A_46#13 masked %reduce_sum3A_500 : vector<16xf32>, vector<16xi1> -> vector<16xf32>
      %reduce_sum3A_502 = vector.extract %reduce_sum3A_501[15] : f32 from vector<16xf32>
      %mul3A_503 = arith.constant 4.8828125E-4 : f32
      %mul3A_504 = arith.mulf %reduce_sum3A_502, %mul3A_503 : f32
      %add3A_505 = arith.constant 9.99999974E-6 : f32
      %add3A_506 = arith.addf %mul3A_504, %add3A_505 : f32
      %bitcast_convert_type3A_507 = arith.bitcast %add3A_506 : f32 to i32
      %shift_right_arithmetic3A_508 = arith.constant 1 : i32
      %shift_right_arithmetic3A_509 = arith.shrsi %bitcast_convert_type3A_507, %shift_right_arithmetic3A_508 : i32
      %sub3A_510 = arith.constant 1597463007 : i32
      %sub3A_511 = arith.subi %sub3A_510, %shift_right_arithmetic3A_509 : i32
      %bitcast_convert_type3A_512 = arith.bitcast %sub3A_511 : i32 to f32
      %mul3A_513 = arith.constant 5.000000e-01 : f32
      %mul3A_514 = arith.mulf %mul3A_513, %add3A_506 : f32
      %mul3A_515 = arith.mulf %mul3A_514, %bitcast_convert_type3A_512 : f32
      %mul3A_516 = arith.mulf %mul3A_515, %bitcast_convert_type3A_512 : f32
      %sub3A_517 = arith.constant 1.500000e+00 : f32
      %sub3A_518 = arith.subf %sub3A_517, %mul3A_516 : f32
      %mul3A_519 = arith.mulf %bitcast_convert_type3A_512, %sub3A_518 : f32
      %mul3A_520 = arith.constant 5.000000e-01 : f32
      %mul3A_521 = arith.mulf %mul3A_520, %add3A_506 : f32
      %mul3A_522 = arith.mulf %mul3A_521, %mul3A_519 : f32
      %mul3A_523 = arith.mulf %mul3A_522, %mul3A_519 : f32
      %sub3A_524 = arith.constant 1.500000e+00 : f32
      %sub3A_525 = arith.subf %sub3A_524, %mul3A_523 : f32
      %mul3A_526 = arith.mulf %mul3A_519, %sub3A_525 : f32
      %mul3A_527 = arith.constant 5.000000e-01 : f32
      %mul3A_528 = arith.mulf %mul3A_527, %add3A_506 : f32
      %mul3A_529 = arith.mulf %mul3A_528, %mul3A_526 : f32
      %mul3A_530 = arith.mulf %mul3A_529, %mul3A_526 : f32
      %sub3A_531 = arith.constant 1.500000e+00 : f32
      %sub3A_532 = arith.subf %sub3A_531, %mul3A_530 : f32
      %mul3A_533 = arith.mulf %mul3A_526, %sub3A_532 : f32
      %reduce_sum3A_534 = arith.constant true
      %reduce_sum3A_535 = vector.broadcast %reduce_sum3A_534 : i1 to vector<16xi1>
      %reduce_sum3A_536 = tpu.scan <sum>, %scan3A_46#14 masked %reduce_sum3A_535 : vector<16xf32>, vector<16xi1> -> vector<16xf32>
      %reduce_sum3A_537 = vector.extract %reduce_sum3A_536[15] : f32 from vector<16xf32>
      %mul3A_538 = arith.constant 4.8828125E-4 : f32
      %mul3A_539 = arith.mulf %reduce_sum3A_537, %mul3A_538 : f32
      %add3A_540 = arith.constant 9.99999974E-6 : f32
      %add3A_541 = arith.addf %mul3A_539, %add3A_540 : f32
      %bitcast_convert_type3A_542 = arith.bitcast %add3A_541 : f32 to i32
      %shift_right_arithmetic3A_543 = arith.constant 1 : i32
      %shift_right_arithmetic3A_544 = arith.shrsi %bitcast_convert_type3A_542, %shift_right_arithmetic3A_543 : i32
      %sub3A_545 = arith.constant 1597463007 : i32
      %sub3A_546 = arith.subi %sub3A_545, %shift_right_arithmetic3A_544 : i32
      %bitcast_convert_type3A_547 = arith.bitcast %sub3A_546 : i32 to f32
      %mul3A_548 = arith.constant 5.000000e-01 : f32
      %mul3A_549 = arith.mulf %mul3A_548, %add3A_541 : f32
      %mul3A_550 = arith.mulf %mul3A_549, %bitcast_convert_type3A_547 : f32
      %mul3A_551 = arith.mulf %mul3A_550, %bitcast_convert_type3A_547 : f32
      %sub3A_552 = arith.constant 1.500000e+00 : f32
      %sub3A_553 = arith.subf %sub3A_552, %mul3A_551 : f32
      %mul3A_554 = arith.mulf %bitcast_convert_type3A_547, %sub3A_553 : f32
      %mul3A_555 = arith.constant 5.000000e-01 : f32
      %mul3A_556 = arith.mulf %mul3A_555, %add3A_541 : f32
      %mul3A_557 = arith.mulf %mul3A_556, %mul3A_554 : f32
      %mul3A_558 = arith.mulf %mul3A_557, %mul3A_554 : f32
      %sub3A_559 = arith.constant 1.500000e+00 : f32
      %sub3A_560 = arith.subf %sub3A_559, %mul3A_558 : f32
      %mul3A_561 = arith.mulf %mul3A_554, %sub3A_560 : f32
      %mul3A_562 = arith.constant 5.000000e-01 : f32
      %mul3A_563 = arith.mulf %mul3A_562, %add3A_541 : f32
      %mul3A_564 = arith.mulf %mul3A_563, %mul3A_561 : f32
      %mul3A_565 = arith.mulf %mul3A_564, %mul3A_561 : f32
      %sub3A_566 = arith.constant 1.500000e+00 : f32
      %sub3A_567 = arith.subf %sub3A_566, %mul3A_565 : f32
      %mul3A_568 = arith.mulf %mul3A_561, %sub3A_567 : f32
      %reduce_sum3A_569 = arith.constant true
      %reduce_sum3A_570 = vector.broadcast %reduce_sum3A_569 : i1 to vector<16xi1>
      %reduce_sum3A_571 = tpu.scan <sum>, %scan3A_46#15 masked %reduce_sum3A_570 : vector<16xf32>, vector<16xi1> -> vector<16xf32>
      %reduce_sum3A_572 = vector.extract %reduce_sum3A_571[15] : f32 from vector<16xf32>
      %mul3A_573 = arith.constant 4.8828125E-4 : f32
      %mul3A_574 = arith.mulf %reduce_sum3A_572, %mul3A_573 : f32
      %add3A_575 = arith.constant 9.99999974E-6 : f32
      %add3A_576 = arith.addf %mul3A_574, %add3A_575 : f32
      %bitcast_convert_type3A_577 = arith.bitcast %add3A_576 : f32 to i32
      %shift_right_arithmetic3A_578 = arith.constant 1 : i32
      %shift_right_arithmetic3A_579 = arith.shrsi %bitcast_convert_type3A_577, %shift_right_arithmetic3A_578 : i32
      %sub3A_580 = arith.constant 1597463007 : i32
      %sub3A_581 = arith.subi %sub3A_580, %shift_right_arithmetic3A_579 : i32
      %bitcast_convert_type3A_582 = arith.bitcast %sub3A_581 : i32 to f32
      %mul3A_583 = arith.constant 5.000000e-01 : f32
      %mul3A_584 = arith.mulf %mul3A_583, %add3A_576 : f32
      %mul3A_585 = arith.mulf %mul3A_584, %bitcast_convert_type3A_582 : f32
      %mul3A_586 = arith.mulf %mul3A_585, %bitcast_convert_type3A_582 : f32
      %sub3A_587 = arith.constant 1.500000e+00 : f32
      %sub3A_588 = arith.subf %sub3A_587, %mul3A_586 : f32
      %mul3A_589 = arith.mulf %bitcast_convert_type3A_582, %sub3A_588 : f32
      %mul3A_590 = arith.constant 5.000000e-01 : f32
      %mul3A_591 = arith.mulf %mul3A_590, %add3A_576 : f32
      %mul3A_592 = arith.mulf %mul3A_591, %mul3A_589 : f32
      %mul3A_593 = arith.mulf %mul3A_592, %mul3A_589 : f32
      %sub3A_594 = arith.constant 1.500000e+00 : f32
      %sub3A_595 = arith.subf %sub3A_594, %mul3A_593 : f32
      %mul3A_596 = arith.mulf %mul3A_589, %sub3A_595 : f32
      %mul3A_597 = arith.constant 5.000000e-01 : f32
      %mul3A_598 = arith.mulf %mul3A_597, %add3A_576 : f32
      %mul3A_599 = arith.mulf %mul3A_598, %mul3A_596 : f32
      %mul3A_600 = arith.mulf %mul3A_599, %mul3A_596 : f32
      %sub3A_601 = arith.constant 1.500000e+00 : f32
      %sub3A_602 = arith.subf %sub3A_601, %mul3A_600 : f32
      %mul3A_603 = arith.mulf %mul3A_596, %sub3A_602 : f32
      %scan3A_604 = arith.constant 0 : i32
      %scan3A_605 = arith.constant 0 : i32
      %scan3A_606 = arith.constant 64 : i32
      %scan3A_607 = arith.addi %scan3A_605, %scan3A_606 : i32
      %scan3A_608 = arith.constant 1 : i32
      %scan3A_609 = scf.for %scan3A_1225 = %scan3A_605 to %scan3A_607 step %scan3A_608 iter_args(%scan3A_1226 = %scan3A_604) -> (i32)  : i32 {
        %mul3A_1227 = arith.constant 2 : i32
        %mul3A_1228 = arith.muli %mul3A_1227, %scan3A_1225 : i32
        %add3A_1229 = arith.constant 0 : i32
        %add3A_1230 = arith.addi %mul3A_1228, %add3A_1229 : i32
        %mul3A_1231 = arith.constant 16 : i32
        %mul3A_1232 = arith.muli %add3A_1230, %mul3A_1231 : i32
        %get3A = arith.index_cast %mul3A_1232 : i32 to index
        %get3A_1233 = tpu.vector_load %arg7[%get3A] {strides = array<i32>} : memref<2048xf32, #tpu.memory_space<vmem>>, vector<16xf32>,
        %mul3A_1234 = arith.constant 16 : i32
        %mul3A_1235 = arith.muli %add3A_1230, %mul3A_1234 : i32
        %get3A_1236 = arith.constant 0 : i32
        %get3A_1237 = arith.index_cast %get3A_1236 : i32 to index
        %get3A_1238 = arith.index_cast %mul3A_1235 : i32 to index
        %get3A_1239 = tpu.vector_load %arg8[%get3A_1237, %get3A_1238] {strides = array<i32>} : memref<16x2048xf32, #tpu.memory_space<vmem>>, vector<16xf32>,
        %mul3A_1240 = vector.broadcast %mul3A_78 : f32 to vector<16xf32>
        %mul3A_1241 = arith.mulf %get3A_1239, %mul3A_1240 : vector<16xf32>
        %mul3A_1242 = arith.constant 16 : i32
        %mul3A_1243 = arith.muli %add3A_1230, %mul3A_1242 : i32
        %get3A_1244 = arith.constant 1 : i32
        %get3A_1245 = arith.index_cast %get3A_1244 : i32 to index
        %get3A_1246 = arith.index_cast %mul3A_1243 : i32 to index
        %get3A_1247 = tpu.vector_load %arg8[%get3A_1245, %get3A_1246] {strides = array<i32>} : memref<16x2048xf32, #tpu.memory_space<vmem>>, vector<16xf32>,
        %mul3A_1248 = vector.broadcast %mul3A_113 : f32 to vector<16xf32>
        %mul3A_1249 = arith.mulf %get3A_1247, %mul3A_1248 : vector<16xf32>
        %mul3A_1250 = arith.mulf %mul3A_1241, %get3A_1233 : vector<16xf32>
        %mul3A_1251 = arith.mulf %mul3A_1249, %get3A_1233 : vector<16xf32>
        %pack3A = tpu.pack_subelements %mul3A_1250, %mul3A_1251 {pack_format = #tpu.pack_format<interleaved>, positions = array<i32: 0, 1>} : vector<16xf32>, vector<16xf32> -> vector<32xbf16>
        %bitcast3A = vector.bitcast %pack3A : vector<32xbf16> to vector<16xi32>
        %mul3A_1252 = arith.constant 16 : i32
        %mul3A_1253 = arith.muli %add3A_1230, %mul3A_1252 : i32
        %swap3A = arith.constant 0 : i32
        %swap3A_1254 = arith.index_cast %swap3A : i32 to index
        %swap3A_1255 = arith.index_cast %mul3A_1253 : i32 to index
        %swap3A_1256 = tpu.vector_load %arg10[%swap3A_1254, %swap3A_1255] {strides = array<i32>} : memref<8x2048xi32, #tpu.memory_space<vmem>>, vector<16xi32>,
        tpu.vector_store %arg10[%swap3A_1254, %swap3A_1255], %bitcast3A {strides = array<i32>} : memref<8x2048xi32, #tpu.memory_space<vmem>>, vector<16xi32>,
        %mul3A_1257 = arith.constant 16 : i32
        %mul3A_1258 = arith.muli %add3A_1230, %mul3A_1257 : i32
        %get3A_1259 = arith.constant 2 : i32
        %get3A_1260 = arith.index_cast %get3A_1259 : i32 to index
        %get3A_1261 = arith.index_cast %mul3A_1258 : i32 to index
        %get3A_1262 = tpu.vector_load %arg8[%get3A_1260, %get3A_1261] {strides = array<i32>} : memref<16x2048xf32, #tpu.memory_space<vmem>>, vector<16xf32>,
        %mul3A_1263 = vector.broadcast %mul3A_148 : f32 to vector<16xf32>
        %mul3A_1264 = arith.mulf %get3A_1262, %mul3A_1263 : vector<16xf32>
        %mul3A_1265 = arith.constant 16 : i32
        %mul3A_1266 = arith.muli %add3A_1230, %mul3A_1265 : i32
        %get3A_1267 = arith.constant 3 : i32
        %get3A_1268 = arith.index_cast %get3A_1267 : i32 to index
        %get3A_1269 = arith.index_cast %mul3A_1266 : i32 to index
        %get3A_1270 = tpu.vector_load %arg8[%get3A_1268, %get3A_1269] {strides = array<i32>} : memref<16x2048xf32, #tpu.memory_space<vmem>>, vector<16xf32>,
        %mul3A_1271 = vector.broadcast %mul3A_183 : f32 to vector<16xf32>
        %mul3A_1272 = arith.mulf %get3A_1270, %mul3A_1271 : vector<16xf32>
        %mul3A_1273 = arith.mulf %mul3A_1264, %get3A_1233 : vector<16xf32>
        %mul3A_1274 = arith.mulf %mul3A_1272, %get3A_1233 : vector<16xf32>
        %pack3A_1275 = tpu.pack_subelements %mul3A_1273, %mul3A_1274 {pack_format = #tpu.pack_format<interleaved>, positions = array<i32: 0, 1>} : vector<16xf32>, vector<16xf32> -> vector<32xbf16>
        %bitcast3A_1276 = vector.bitcast %pack3A_1275 : vector<32xbf16> to vector<16xi32>
        %mul3A_1277 = arith.constant 16 : i32
        %mul3A_1278 = arith.muli %add3A_1230, %mul3A_1277 : i32
        %swap3A_1279 = arith.constant 1 : i32
        %swap3A_1280 = arith.index_cast %swap3A_1279 : i32 to index
        %swap3A_1281 = arith.index_cast %mul3A_1278 : i32 to index
        %swap3A_1282 = tpu.vector_load %arg10[%swap3A_1280, %swap3A_1281] {strides = array<i32>} : memref<8x2048xi32, #tpu.memory_space<vmem>>, vector<16xi32>,
        tpu.vector_store %arg10[%swap3A_1280, %swap3A_1281], %bitcast3A_1276 {strides = array<i32>} : memref<8x2048xi32, #tpu.memory_space<vmem>>, vector<16xi32>,
        %mul3A_1283 = arith.constant 16 : i32
        %mul3A_1284 = arith.muli %add3A_1230, %mul3A_1283 : i32
        %get3A_1285 = arith.constant 4 : i32
        %get3A_1286 = arith.index_cast %get3A_1285 : i32 to index
        %get3A_1287 = arith.index_cast %mul3A_1284 : i32 to index
        %get3A_1288 = tpu.vector_load %arg8[%get3A_1286, %get3A_1287] {strides = array<i32>} : memref<16x2048xf32, #tpu.memory_space<vmem>>, vector<16xf32>,
        %mul3A_1289 = vector.broadcast %mul3A_218 : f32 to vector<16xf32>
        %mul3A_1290 = arith.mulf %get3A_1288, %mul3A_1289 : vector<16xf32>
        %mul3A_1291 = arith.constant 16 : i32
        %mul3A_1292 = arith.muli %add3A_1230, %mul3A_1291 : i32
        %get3A_1293 = arith.constant 5 : i32
        %get3A_1294 = arith.index_cast %get3A_1293 : i32 to index
        %get3A_1295 = arith.index_cast %mul3A_1292 : i32 to index
        %get3A_1296 = tpu.vector_load %arg8[%get3A_1294, %get3A_1295] {strides = array<i32>} : memref<16x2048xf32, #tpu.memory_space<vmem>>, vector<16xf32>,
        %mul3A_1297 = vector.broadcast %mul3A_253 : f32 to vector<16xf32>
        %mul3A_1298 = arith.mulf %get3A_1296, %mul3A_1297 : vector<16xf32>
        %mul3A_1299 = arith.mulf %mul3A_1290, %get3A_1233 : vector<16xf32>
        %mul3A_1300 = arith.mulf %mul3A_1298, %get3A_1233 : vector<16xf32>
        %pack3A_1301 = tpu.pack_subelements %mul3A_1299, %mul3A_1300 {pack_format = #tpu.pack_format<interleaved>, positions = array<i32: 0, 1>} : vector<16xf32>, vector<16xf32> -> vector<32xbf16>
        %bitcast3A_1302 = vector.bitcast %pack3A_1301 : vector<32xbf16> to vector<16xi32>
        %mul3A_1303 = arith.constant 16 : i32
        %mul3A_1304 = arith.muli %add3A_1230, %mul3A_1303 : i32
        %swap3A_1305 = arith.constant 2 : i32
        %swap3A_1306 = arith.index_cast %swap3A_1305 : i32 to index
        %swap3A_1307 = arith.index_cast %mul3A_1304 : i32 to index
        %swap3A_1308 = tpu.vector_load %arg10[%swap3A_1306, %swap3A_1307] {strides = array<i32>} : memref<8x2048xi32, #tpu.memory_space<vmem>>, vector<16xi32>,
        tpu.vector_store %arg10[%swap3A_1306, %swap3A_1307], %bitcast3A_1302 {strides = array<i32>} : memref<8x2048xi32, #tpu.memory_space<vmem>>, vector<16xi32>,
        %mul3A_1309 = arith.constant 16 : i32
        %mul3A_1310 = arith.muli %add3A_1230, %mul3A_1309 : i32
        %get3A_1311 = arith.constant 6 : i32
        %get3A_1312 = arith.index_cast %get3A_1311 : i32 to index
        %get3A_1313 = arith.index_cast %mul3A_1310 : i32 to index
        %get3A_1314 = tpu.vector_load %arg8[%get3A_1312, %get3A_1313] {strides = array<i32>} : memref<16x2048xf32, #tpu.memory_space<vmem>>, vector<16xf32>,
        %mul3A_1315 = vector.broadcast %mul3A_288 : f32 to vector<16xf32>
        %mul3A_1316 = arith.mulf %get3A_1314, %mul3A_1315 : vector<16xf32>
        %mul3A_1317 = arith.constant 16 : i32
        %mul3A_1318 = arith.muli %add3A_1230, %mul3A_1317 : i32
        %get3A_1319 = arith.constant 7 : i32
        %get3A_1320 = arith.index_cast %get3A_1319 : i32 to index
        %get3A_1321 = arith.index_cast %mul3A_1318 : i32 to index
        %get3A_1322 = tpu.vector_load %arg8[%get3A_1320, %get3A_1321] {strides = array<i32>} : memref<16x2048xf32, #tpu.memory_space<vmem>>, vector<16xf32>,
        %mul3A_1323 = vector.broadcast %mul3A_323 : f32 to vector<16xf32>
        %mul3A_1324 = arith.mulf %get3A_1322, %mul3A_1323 : vector<16xf32>
        %mul3A_1325 = arith.mulf %mul3A_1316, %get3A_1233 : vector<16xf32>
        %mul3A_1326 = arith.mulf %mul3A_1324, %get3A_1233 : vector<16xf32>
        %pack3A_1327 = tpu.pack_subelements %mul3A_1325, %mul3A_1326 {pack_format = #tpu.pack_format<interleaved>, positions = array<i32: 0, 1>} : vector<16xf32>, vector<16xf32> -> vector<32xbf16>
        %bitcast3A_1328 = vector.bitcast %pack3A_1327 : vector<32xbf16> to vector<16xi32>
        %mul3A_1329 = arith.constant 16 : i32
        %mul3A_1330 = arith.muli %add3A_1230, %mul3A_1329 : i32
        %swap3A_1331 = arith.constant 3 : i32
        %swap3A_1332 = arith.index_cast %swap3A_1331 : i32 to index
        %swap3A_1333 = arith.index_cast %mul3A_1330 : i32 to index
        %swap3A_1334 = tpu.vector_load %arg10[%swap3A_1332, %swap3A_1333] {strides = array<i32>} : memref<8x2048xi32, #tpu.memory_space<vmem>>, vector<16xi32>,
        tpu.vector_store %arg10[%swap3A_1332, %swap3A_1333], %bitcast3A_1328 {strides = array<i32>} : memref<8x2048xi32, #tpu.memory_space<vmem>>, vector<16xi32>,
        %mul3A_1335 = arith.constant 16 : i32
        %mul3A_1336 = arith.muli %add3A_1230, %mul3A_1335 : i32
        %get3A_1337 = arith.constant 8 : i32
        %get3A_1338 = arith.index_cast %get3A_1337 : i32 to index
        %get3A_1339 = arith.index_cast %mul3A_1336 : i32 to index
        %get3A_1340 = tpu.vector_load %arg8[%get3A_1338, %get3A_1339] {strides = array<i32>} : memref<16x2048xf32, #tpu.memory_space<vmem>>, vector<16xf32>,
        %mul3A_1341 = vector.broadcast %mul3A_358 : f32 to vector<16xf32>
        %mul3A_1342 = arith.mulf %get3A_1340, %mul3A_1341 : vector<16xf32>
        %mul3A_1343 = arith.constant 16 : i32
        %mul3A_1344 = arith.muli %add3A_1230, %mul3A_1343 : i32
        %get3A_1345 = arith.constant 9 : i32
        %get3A_1346 = arith.index_cast %get3A_1345 : i32 to index
        %get3A_1347 = arith.index_cast %mul3A_1344 : i32 to index
        %get3A_1348 = tpu.vector_load %arg8[%get3A_1346, %get3A_1347] {strides = array<i32>} : memref<16x2048xf32, #tpu.memory_space<vmem>>, vector<16xf32>,
        %mul3A_1349 = vector.broadcast %mul3A_393 : f32 to vector<16xf32>
        %mul3A_1350 = arith.mulf %get3A_1348, %mul3A_1349 : vector<16xf32>
        %mul3A_1351 = arith.mulf %mul3A_1342, %get3A_1233 : vector<16xf32>
        %mul3A_1352 = arith.mulf %mul3A_1350, %get3A_1233 : vector<16xf32>
        %pack3A_1353 = tpu.pack_subelements %mul3A_1351, %mul3A_1352 {pack_format = #tpu.pack_format<interleaved>, positions = array<i32: 0, 1>} : vector<16xf32>, vector<16xf32> -> vector<32xbf16>
        %bitcast3A_1354 = vector.bitcast %pack3A_1353 : vector<32xbf16> to vector<16xi32>
        %mul3A_1355 = arith.constant 16 : i32
        %mul3A_1356 = arith.muli %add3A_1230, %mul3A_1355 : i32
        %swap3A_1357 = arith.constant 4 : i32
        %swap3A_1358 = arith.index_cast %swap3A_1357 : i32 to index
        %swap3A_1359 = arith.index_cast %mul3A_1356 : i32 to index
        %swap3A_1360 = tpu.vector_load %arg10[%swap3A_1358, %swap3A_1359] {strides = array<i32>} : memref<8x2048xi32, #tpu.memory_space<vmem>>, vector<16xi32>,
        tpu.vector_store %arg10[%swap3A_1358, %swap3A_1359], %bitcast3A_1354 {strides = array<i32>} : memref<8x2048xi32, #tpu.memory_space<vmem>>, vector<16xi32>,
        %mul3A_1361 = arith.constant 16 : i32
        %mul3A_1362 = arith.muli %add3A_1230, %mul3A_1361 : i32
        %get3A_1363 = arith.constant 10 : i32
        %get3A_1364 = arith.index_cast %get3A_1363 : i32 to index
        %get3A_1365 = arith.index_cast %mul3A_1362 : i32 to index
        %get3A_1366 = tpu.vector_load %arg8[%get3A_1364, %get3A_1365] {strides = array<i32>} : memref<16x2048xf32, #tpu.memory_space<vmem>>, vector<16xf32>,
        %mul3A_1367 = vector.broadcast %mul3A_428 : f32 to vector<16xf32>
        %mul3A_1368 = arith.mulf %get3A_1366, %mul3A_1367 : vector<16xf32>
        %mul3A_1369 = arith.constant 16 : i32
        %mul3A_1370 = arith.muli %add3A_1230, %mul3A_1369 : i32
        %get3A_1371 = arith.constant 11 : i32
        %get3A_1372 = arith.index_cast %get3A_1371 : i32 to index
        %get3A_1373 = arith.index_cast %mul3A_1370 : i32 to index
        %get3A_1374 = tpu.vector_load %arg8[%get3A_1372, %get3A_1373] {strides = array<i32>} : memref<16x2048xf32, #tpu.memory_space<vmem>>, vector<16xf32>,
        %mul3A_1375 = vector.broadcast %mul3A_463 : f32 to vector<16xf32>
        %mul3A_1376 = arith.mulf %get3A_1374, %mul3A_1375 : vector<16xf32>
        %mul3A_1377 = arith.mulf %mul3A_1368, %get3A_1233 : vector<16xf32>
        %mul3A_1378 = arith.mulf %mul3A_1376, %get3A_1233 : vector<16xf32>
        %pack3A_1379 = tpu.pack_subelements %mul3A_1377, %mul3A_1378 {pack_format = #tpu.pack_format<interleaved>, positions = array<i32: 0, 1>} : vector<16xf32>, vector<16xf32> -> vector<32xbf16>
        %bitcast3A_1380 = vector.bitcast %pack3A_1379 : vector<32xbf16> to vector<16xi32>
        %mul3A_1381 = arith.constant 16 : i32
        %mul3A_1382 = arith.muli %add3A_1230, %mul3A_1381 : i32
        %swap3A_1383 = arith.constant 5 : i32
        %swap3A_1384 = arith.index_cast %swap3A_1383 : i32 to index
        %swap3A_1385 = arith.index_cast %mul3A_1382 : i32 to index
        %swap3A_1386 = tpu.vector_load %arg10[%swap3A_1384, %swap3A_1385] {strides = array<i32>} : memref<8x2048xi32, #tpu.memory_space<vmem>>, vector<16xi32>,
        tpu.vector_store %arg10[%swap3A_1384, %swap3A_1385], %bitcast3A_1380 {strides = array<i32>} : memref<8x2048xi32, #tpu.memory_space<vmem>>, vector<16xi32>,
        %mul3A_1387 = arith.constant 16 : i32
        %mul3A_1388 = arith.muli %add3A_1230, %mul3A_1387 : i32
        %get3A_1389 = arith.constant 12 : i32
        %get3A_1390 = arith.index_cast %get3A_1389 : i32 to index
        %get3A_1391 = arith.index_cast %mul3A_1388 : i32 to index
        %get3A_1392 = tpu.vector_load %arg8[%get3A_1390, %get3A_1391] {strides = array<i32>} : memref<16x2048xf32, #tpu.memory_space<vmem>>, vector<16xf32>,
        %mul3A_1393 = vector.broadcast %mul3A_498 : f32 to vector<16xf32>
        %mul3A_1394 = arith.mulf %get3A_1392, %mul3A_1393 : vector<16xf32>
        %mul3A_1395 = arith.constant 16 : i32
        %mul3A_1396 = arith.muli %add3A_1230, %mul3A_1395 : i32
        %get3A_1397 = arith.constant 13 : i32
        %get3A_1398 = arith.index_cast %get3A_1397 : i32 to index
        %get3A_1399 = arith.index_cast %mul3A_1396 : i32 to index
        %get3A_1400 = tpu.vector_load %arg8[%get3A_1398, %get3A_1399] {strides = array<i32>} : memref<16x2048xf32, #tpu.memory_space<vmem>>, vector<16xf32>,
        %mul3A_1401 = vector.broadcast %mul3A_533 : f32 to vector<16xf32>
        %mul3A_1402 = arith.mulf %get3A_1400, %mul3A_1401 : vector<16xf32>
        %mul3A_1403 = arith.mulf %mul3A_1394, %get3A_1233 : vector<16xf32>
        %mul3A_1404 = arith.mulf %mul3A_1402, %get3A_1233 : vector<16xf32>
        %pack3A_1405 = tpu.pack_subelements %mul3A_1403, %mul3A_1404 {pack_format = #tpu.pack_format<interleaved>, positions = array<i32: 0, 1>} : vector<16xf32>, vector<16xf32> -> vector<32xbf16>
        %bitcast3A_1406 = vector.bitcast %pack3A_1405 : vector<32xbf16> to vector<16xi32>
        %mul3A_1407 = arith.constant 16 : i32
        %mul3A_1408 = arith.muli %add3A_1230, %mul3A_1407 : i32
        %swap3A_1409 = arith.constant 6 : i32
        %swap3A_1410 = arith.index_cast %swap3A_1409 : i32 to index
        %swap3A_1411 = arith.index_cast %mul3A_1408 : i32 to index
        %swap3A_1412 = tpu.vector_load %arg10[%swap3A_1410, %swap3A_1411] {strides = array<i32>} : memref<8x2048xi32, #tpu.memory_space<vmem>>, vector<16xi32>,
        tpu.vector_store %arg10[%swap3A_1410, %swap3A_1411], %bitcast3A_1406 {strides = array<i32>} : memref<8x2048xi32, #tpu.memory_space<vmem>>, vector<16xi32>,
        %mul3A_1413 = arith.constant 16 : i32
        %mul3A_1414 = arith.muli %add3A_1230, %mul3A_1413 : i32
        %get3A_1415 = arith.constant 14 : i32
        %get3A_1416 = arith.index_cast %get3A_1415 : i32 to index
        %get3A_1417 = arith.index_cast %mul3A_1414 : i32 to index
        %get3A_1418 = tpu.vector_load %arg8[%get3A_1416, %get3A_1417] {strides = array<i32>} : memref<16x2048xf32, #tpu.memory_space<vmem>>, vector<16xf32>,
        %mul3A_1419 = vector.broadcast %mul3A_568 : f32 to vector<16xf32>
        %mul3A_1420 = arith.mulf %get3A_1418, %mul3A_1419 : vector<16xf32>
        %mul3A_1421 = arith.constant 16 : i32
        %mul3A_1422 = arith.muli %add3A_1230, %mul3A_1421 : i32
        %get3A_1423 = arith.constant 15 : i32
        %get3A_1424 = arith.index_cast %get3A_1423 : i32 to index
        %get3A_1425 = arith.index_cast %mul3A_1422 : i32 to index
        %get3A_1426 = tpu.vector_load %arg8[%get3A_1424, %get3A_1425] {strides = array<i32>} : memref<16x2048xf32, #tpu.memory_space<vmem>>, vector<16xf32>,
        %mul3A_1427 = vector.broadcast %mul3A_603 : f32 to vector<16xf32>
        %mul3A_1428 = arith.mulf %get3A_1426, %mul3A_1427 : vector<16xf32>
        %mul3A_1429 = arith.mulf %mul3A_1420, %get3A_1233 : vector<16xf32>
        %mul3A_1430 = arith.mulf %mul3A_1428, %get3A_1233 : vector<16xf32>
        %pack3A_1431 = tpu.pack_subelements %mul3A_1429, %mul3A_1430 {pack_format = #tpu.pack_format<interleaved>, positions = array<i32: 0, 1>} : vector<16xf32>, vector<16xf32> -> vector<32xbf16>
        %bitcast3A_1432 = vector.bitcast %pack3A_1431 : vector<32xbf16> to vector<16xi32>
        %mul3A_1433 = arith.constant 16 : i32
        %mul3A_1434 = arith.muli %add3A_1230, %mul3A_1433 : i32
        %swap3A_1435 = arith.constant 7 : i32
        %swap3A_1436 = arith.index_cast %swap3A_1435 : i32 to index
        %swap3A_1437 = arith.index_cast %mul3A_1434 : i32 to index
        %swap3A_1438 = tpu.vector_load %arg10[%swap3A_1436, %swap3A_1437] {strides = array<i32>} : memref<8x2048xi32, #tpu.memory_space<vmem>>, vector<16xi32>,
        tpu.vector_store %arg10[%swap3A_1436, %swap3A_1437], %bitcast3A_1432 {strides = array<i32>} : memref<8x2048xi32, #tpu.memory_space<vmem>>, vector<16xi32>,
        %mul3A_1439 = arith.constant 2 : i32
        %mul3A_1440 = arith.muli %mul3A_1439, %scan3A_1225 : i32
        %add3A_1441 = arith.constant 1 : i32
        %add3A_1442 = arith.addi %mul3A_1440, %add3A_1441 : i32
        %mul3A_1443 = arith.constant 16 : i32
        %mul3A_1444 = arith.muli %add3A_1442, %mul3A_1443 : i32
        %get3A_1445 = arith.index_cast %mul3A_1444 : i32 to index
        %get3A_1446 = tpu.vector_load %arg7[%get3A_1445] {strides = array<i32>} : memref<2048xf32, #tpu.memory_space<vmem>>, vector<16xf32>,
        %mul3A_1447 = arith.constant 16 : i32
        %mul3A_1448 = arith.muli %add3A_1442, %mul3A_1447 : i32
        %get3A_1449 = arith.constant 0 : i32
        %get3A_1450 = arith.index_cast %get3A_1449 : i32 to index
        %get3A_1451 = arith.index_cast %mul3A_1448 : i32 to index
        %get3A_1452 = tpu.vector_load %arg8[%get3A_1450, %get3A_1451] {strides = array<i32>} : memref<16x2048xf32, #tpu.memory_space<vmem>>, vector<16xf32>,
        %mul3A_1453 = vector.broadcast %mul3A_78 : f32 to vector<16xf32>
        %mul3A_1454 = arith.mulf %get3A_1452, %mul3A_1453 : vector<16xf32>
        %mul3A_1455 = arith.constant 16 : i32
        %mul3A_1456 = arith.muli %add3A_1442, %mul3A_1455 : i32
        %get3A_1457 = arith.constant 1 : i32
        %get3A_1458 = arith.index_cast %get3A_1457 : i32 to index
        %get3A_1459 = arith.index_cast %mul3A_1456 : i32 to index
        %get3A_1460 = tpu.vector_load %arg8[%get3A_1458, %get3A_1459] {strides = array<i32>} : memref<16x2048xf32, #tpu.memory_space<vmem>>, vector<16xf32>,
        %mul3A_1461 = vector.broadcast %mul3A_113 : f32 to vector<16xf32>
        %mul3A_1462 = arith.mulf %get3A_1460, %mul3A_1461 : vector<16xf32>
        %mul3A_1463 = arith.mulf %mul3A_1454, %get3A_1446 : vector<16xf32>
        %mul3A_1464 = arith.mulf %mul3A_1462, %get3A_1446 : vector<16xf32>
        %pack3A_1465 = tpu.pack_subelements %mul3A_1463, %mul3A_1464 {pack_format = #tpu.pack_format<interleaved>, positions = array<i32: 0, 1>} : vector<16xf32>, vector<16xf32> -> vector<32xbf16>
        %bitcast3A_1466 = vector.bitcast %pack3A_1465 : vector<32xbf16> to vector<16xi32>
        %mul3A_1467 = arith.constant 16 : i32
        %mul3A_1468 = arith.muli %add3A_1442, %mul3A_1467 : i32
        %swap3A_1469 = arith.constant 0 : i32
        %swap3A_1470 = arith.index_cast %swap3A_1469 : i32 to index
        %swap3A_1471 = arith.index_cast %mul3A_1468 : i32 to index
        %swap3A_1472 = tpu.vector_load %arg10[%swap3A_1470, %swap3A_1471] {strides = array<i32>} : memref<8x2048xi32, #tpu.memory_space<vmem>>, vector<16xi32>,
        tpu.vector_store %arg10[%swap3A_1470, %swap3A_1471], %bitcast3A_1466 {strides = array<i32>} : memref<8x2048xi32, #tpu.memory_space<vmem>>, vector<16xi32>,
        %mul3A_1473 = arith.constant 16 : i32
        %mul3A_1474 = arith.muli %add3A_1442, %mul3A_1473 : i32
        %get3A_1475 = arith.constant 2 : i32
        %get3A_1476 = arith.index_cast %get3A_1475 : i32 to index
        %get3A_1477 = arith.index_cast %mul3A_1474 : i32 to index
        %get3A_1478 = tpu.vector_load %arg8[%get3A_1476, %get3A_1477] {strides = array<i32>} : memref<16x2048xf32, #tpu.memory_space<vmem>>, vector<16xf32>,
        %mul3A_1479 = vector.broadcast %mul3A_148 : f32 to vector<16xf32>
        %mul3A_1480 = arith.mulf %get3A_1478, %mul3A_1479 : vector<16xf32>
        %mul3A_1481 = arith.constant 16 : i32
        %mul3A_1482 = arith.muli %add3A_1442, %mul3A_1481 : i32
        %get3A_1483 = arith.constant 3 : i32
        %get3A_1484 = arith.index_cast %get3A_1483 : i32 to index
        %get3A_1485 = arith.index_cast %mul3A_1482 : i32 to index
        %get3A_1486 = tpu.vector_load %arg8[%get3A_1484, %get3A_1485] {strides = array<i32>} : memref<16x2048xf32, #tpu.memory_space<vmem>>, vector<16xf32>,
        %mul3A_1487 = vector.broadcast %mul3A_183 : f32 to vector<16xf32>
        %mul3A_1488 = arith.mulf %get3A_1486, %mul3A_1487 : vector<16xf32>
        %mul3A_1489 = arith.mulf %mul3A_1480, %get3A_1446 : vector<16xf32>
        %mul3A_1490 = arith.mulf %mul3A_1488, %get3A_1446 : vector<16xf32>
        %pack3A_1491 = tpu.pack_subelements %mul3A_1489, %mul3A_1490 {pack_format = #tpu.pack_format<interleaved>, positions = array<i32: 0, 1>} : vector<16xf32>, vector<16xf32> -> vector<32xbf16>
        %bitcast3A_1492 = vector.bitcast %pack3A_1491 : vector<32xbf16> to vector<16xi32>
        %mul3A_1493 = arith.constant 16 : i32
        %mul3A_1494 = arith.muli %add3A_1442, %mul3A_1493 : i32
        %swap3A_1495 = arith.constant 1 : i32
        %swap3A_1496 = arith.index_cast %swap3A_1495 : i32 to index
        %swap3A_1497 = arith.index_cast %mul3A_1494 : i32 to index
        %swap3A_1498 = tpu.vector_load %arg10[%swap3A_1496, %swap3A_1497] {strides = array<i32>} : memref<8x2048xi32, #tpu.memory_space<vmem>>, vector<16xi32>,
        tpu.vector_store %arg10[%swap3A_1496, %swap3A_1497], %bitcast3A_1492 {strides = array<i32>} : memref<8x2048xi32, #tpu.memory_space<vmem>>, vector<16xi32>,
        %mul3A_1499 = arith.constant 16 : i32
        %mul3A_1500 = arith.muli %add3A_1442, %mul3A_1499 : i32
        %get3A_1501 = arith.constant 4 : i32
        %get3A_1502 = arith.index_cast %get3A_1501 : i32 to index
        %get3A_1503 = arith.index_cast %mul3A_1500 : i32 to index
        %get3A_1504 = tpu.vector_load %arg8[%get3A_1502, %get3A_1503] {strides = array<i32>} : memref<16x2048xf32, #tpu.memory_space<vmem>>, vector<16xf32>,
        %mul3A_1505 = vector.broadcast %mul3A_218 : f32 to vector<16xf32>
        %mul3A_1506 = arith.mulf %get3A_1504, %mul3A_1505 : vector<16xf32>
        %mul3A_1507 = arith.constant 16 : i32
        %mul3A_1508 = arith.muli %add3A_1442, %mul3A_1507 : i32
        %get3A_1509 = arith.constant 5 : i32
        %get3A_1510 = arith.index_cast %get3A_1509 : i32 to index
        %get3A_1511 = arith.index_cast %mul3A_1508 : i32 to index
        %get3A_1512 = tpu.vector_load %arg8[%get3A_1510, %get3A_1511] {strides = array<i32>} : memref<16x2048xf32, #tpu.memory_space<vmem>>, vector<16xf32>,
        %mul3A_1513 = vector.broadcast %mul3A_253 : f32 to vector<16xf32>
        %mul3A_1514 = arith.mulf %get3A_1512, %mul3A_1513 : vector<16xf32>
        %mul3A_1515 = arith.mulf %mul3A_1506, %get3A_1446 : vector<16xf32>
        %mul3A_1516 = arith.mulf %mul3A_1514, %get3A_1446 : vector<16xf32>
        %pack3A_1517 = tpu.pack_subelements %mul3A_1515, %mul3A_1516 {pack_format = #tpu.pack_format<interleaved>, positions = array<i32: 0, 1>} : vector<16xf32>, vector<16xf32> -> vector<32xbf16>
        %bitcast3A_1518 = vector.bitcast %pack3A_1517 : vector<32xbf16> to vector<16xi32>
        %mul3A_1519 = arith.constant 16 : i32
        %mul3A_1520 = arith.muli %add3A_1442, %mul3A_1519 : i32
        %swap3A_1521 = arith.constant 2 : i32
        %swap3A_1522 = arith.index_cast %swap3A_1521 : i32 to index
        %swap3A_1523 = arith.index_cast %mul3A_1520 : i32 to index
        %swap3A_1524 = tpu.vector_load %arg10[%swap3A_1522, %swap3A_1523] {strides = array<i32>} : memref<8x2048xi32, #tpu.memory_space<vmem>>, vector<16xi32>,
        tpu.vector_store %arg10[%swap3A_1522, %swap3A_1523], %bitcast3A_1518 {strides = array<i32>} : memref<8x2048xi32, #tpu.memory_space<vmem>>, vector<16xi32>,
        %mul3A_1525 = arith.constant 16 : i32
        %mul3A_1526 = arith.muli %add3A_1442, %mul3A_1525 : i32
        %get3A_1527 = arith.constant 6 : i32
        %get3A_1528 = arith.index_cast %get3A_1527 : i32 to index
        %get3A_1529 = arith.index_cast %mul3A_1526 : i32 to index
        %get3A_1530 = tpu.vector_load %arg8[%get3A_1528, %get3A_1529] {strides = array<i32>} : memref<16x2048xf32, #tpu.memory_space<vmem>>, vector<16xf32>,
        %mul3A_1531 = vector.broadcast %mul3A_288 : f32 to vector<16xf32>
        %mul3A_1532 = arith.mulf %get3A_1530, %mul3A_1531 : vector<16xf32>
        %mul3A_1533 = arith.constant 16 : i32
        %mul3A_1534 = arith.muli %add3A_1442, %mul3A_1533 : i32
        %get3A_1535 = arith.constant 7 : i32
        %get3A_1536 = arith.index_cast %get3A_1535 : i32 to index
        %get3A_1537 = arith.index_cast %mul3A_1534 : i32 to index
        %get3A_1538 = tpu.vector_load %arg8[%get3A_1536, %get3A_1537] {strides = array<i32>} : memref<16x2048xf32, #tpu.memory_space<vmem>>, vector<16xf32>,
        %mul3A_1539 = vector.broadcast %mul3A_323 : f32 to vector<16xf32>
        %mul3A_1540 = arith.mulf %get3A_1538, %mul3A_1539 : vector<16xf32>
        %mul3A_1541 = arith.mulf %mul3A_1532, %get3A_1446 : vector<16xf32>
        %mul3A_1542 = arith.mulf %mul3A_1540, %get3A_1446 : vector<16xf32>
        %pack3A_1543 = tpu.pack_subelements %mul3A_1541, %mul3A_1542 {pack_format = #tpu.pack_format<interleaved>, positions = array<i32: 0, 1>} : vector<16xf32>, vector<16xf32> -> vector<32xbf16>
        %bitcast3A_1544 = vector.bitcast %pack3A_1543 : vector<32xbf16> to vector<16xi32>
        %mul3A_1545 = arith.constant 16 : i32
        %mul3A_1546 = arith.muli %add3A_1442, %mul3A_1545 : i32
        %swap3A_1547 = arith.constant 3 : i32
        %swap3A_1548 = arith.index_cast %swap3A_1547 : i32 to index
        %swap3A_1549 = arith.index_cast %mul3A_1546 : i32 to index
        %swap3A_1550 = tpu.vector_load %arg10[%swap3A_1548, %swap3A_1549] {strides = array<i32>} : memref<8x2048xi32, #tpu.memory_space<vmem>>, vector<16xi32>,
        tpu.vector_store %arg10[%swap3A_1548, %swap3A_1549], %bitcast3A_1544 {strides = array<i32>} : memref<8x2048xi32, #tpu.memory_space<vmem>>, vector<16xi32>,
        %mul3A_1551 = arith.constant 16 : i32
        %mul3A_1552 = arith.muli %add3A_1442, %mul3A_1551 : i32
        %get3A_1553 = arith.constant 8 : i32
        %get3A_1554 = arith.index_cast %get3A_1553 : i32 to index
        %get3A_1555 = arith.index_cast %mul3A_1552 : i32 to index
        %get3A_1556 = tpu.vector_load %arg8[%get3A_1554, %get3A_1555] {strides = array<i32>} : memref<16x2048xf32, #tpu.memory_space<vmem>>, vector<16xf32>,
        %mul3A_1557 = vector.broadcast %mul3A_358 : f32 to vector<16xf32>
        %mul3A_1558 = arith.mulf %get3A_1556, %mul3A_1557 : vector<16xf32>
        %mul3A_1559 = arith.constant 16 : i32
        %mul3A_1560 = arith.muli %add3A_1442, %mul3A_1559 : i32
        %get3A_1561 = arith.constant 9 : i32
        %get3A_1562 = arith.index_cast %get3A_1561 : i32 to index
        %get3A_1563 = arith.index_cast %mul3A_1560 : i32 to index
        %get3A_1564 = tpu.vector_load %arg8[%get3A_1562, %get3A_1563] {strides = array<i32>} : memref<16x2048xf32, #tpu.memory_space<vmem>>, vector<16xf32>,
        %mul3A_1565 = vector.broadcast %mul3A_393 : f32 to vector<16xf32>
        %mul3A_1566 = arith.mulf %get3A_1564, %mul3A_1565 : vector<16xf32>
        %mul3A_1567 = arith.mulf %mul3A_1558, %get3A_1446 : vector<16xf32>
        %mul3A_1568 = arith.mulf %mul3A_1566, %get3A_1446 : vector<16xf32>
        %pack3A_1569 = tpu.pack_subelements %mul3A_1567, %mul3A_1568 {pack_format = #tpu.pack_format<interleaved>, positions = array<i32: 0, 1>} : vector<16xf32>, vector<16xf32> -> vector<32xbf16>
        %bitcast3A_1570 = vector.bitcast %pack3A_1569 : vector<32xbf16> to vector<16xi32>
        %mul3A_1571 = arith.constant 16 : i32
        %mul3A_1572 = arith.muli %add3A_1442, %mul3A_1571 : i32
        %swap3A_1573 = arith.constant 4 : i32
        %swap3A_1574 = arith.index_cast %swap3A_1573 : i32 to index
        %swap3A_1575 = arith.index_cast %mul3A_1572 : i32 to index
        %swap3A_1576 = tpu.vector_load %arg10[%swap3A_1574, %swap3A_1575] {strides = array<i32>} : memref<8x2048xi32, #tpu.memory_space<vmem>>, vector<16xi32>,
        tpu.vector_store %arg10[%swap3A_1574, %swap3A_1575], %bitcast3A_1570 {strides = array<i32>} : memref<8x2048xi32, #tpu.memory_space<vmem>>, vector<16xi32>,
        %mul3A_1577 = arith.constant 16 : i32
        %mul3A_1578 = arith.muli %add3A_1442, %mul3A_1577 : i32
        %get3A_1579 = arith.constant 10 : i32
        %get3A_1580 = arith.index_cast %get3A_1579 : i32 to index
        %get3A_1581 = arith.index_cast %mul3A_1578 : i32 to index
        %get3A_1582 = tpu.vector_load %arg8[%get3A_1580, %get3A_1581] {strides = array<i32>} : memref<16x2048xf32, #tpu.memory_space<vmem>>, vector<16xf32>,
        %mul3A_1583 = vector.broadcast %mul3A_428 : f32 to vector<16xf32>
        %mul3A_1584 = arith.mulf %get3A_1582, %mul3A_1583 : vector<16xf32>
        %mul3A_1585 = arith.constant 16 : i32
        %mul3A_1586 = arith.muli %add3A_1442, %mul3A_1585 : i32
        %get3A_1587 = arith.constant 11 : i32
        %get3A_1588 = arith.index_cast %get3A_1587 : i32 to index
        %get3A_1589 = arith.index_cast %mul3A_1586 : i32 to index
        %get3A_1590 = tpu.vector_load %arg8[%get3A_1588, %get3A_1589] {strides = array<i32>} : memref<16x2048xf32, #tpu.memory_space<vmem>>, vector<16xf32>,
        %mul3A_1591 = vector.broadcast %mul3A_463 : f32 to vector<16xf32>
        %mul3A_1592 = arith.mulf %get3A_1590, %mul3A_1591 : vector<16xf32>
        %mul3A_1593 = arith.mulf %mul3A_1584, %get3A_1446 : vector<16xf32>
        %mul3A_1594 = arith.mulf %mul3A_1592, %get3A_1446 : vector<16xf32>
        %pack3A_1595 = tpu.pack_subelements %mul3A_1593, %mul3A_1594 {pack_format = #tpu.pack_format<interleaved>, positions = array<i32: 0, 1>} : vector<16xf32>, vector<16xf32> -> vector<32xbf16>
        %bitcast3A_1596 = vector.bitcast %pack3A_1595 : vector<32xbf16> to vector<16xi32>
        %mul3A_1597 = arith.constant 16 : i32
        %mul3A_1598 = arith.muli %add3A_1442, %mul3A_1597 : i32
        %swap3A_1599 = arith.constant 5 : i32
        %swap3A_1600 = arith.index_cast %swap3A_1599 : i32 to index
        %swap3A_1601 = arith.index_cast %mul3A_1598 : i32 to index
        %swap3A_1602 = tpu.vector_load %arg10[%swap3A_1600, %swap3A_1601] {strides = array<i32>} : memref<8x2048xi32, #tpu.memory_space<vmem>>, vector<16xi32>,
        tpu.vector_store %arg10[%swap3A_1600, %swap3A_1601], %bitcast3A_1596 {strides = array<i32>} : memref<8x2048xi32, #tpu.memory_space<vmem>>, vector<16xi32>,
        %mul3A_1603 = arith.constant 16 : i32
        %mul3A_1604 = arith.muli %add3A_1442, %mul3A_1603 : i32
        %get3A_1605 = arith.constant 12 : i32
        %get3A_1606 = arith.index_cast %get3A_1605 : i32 to index
        %get3A_1607 = arith.index_cast %mul3A_1604 : i32 to index
        %get3A_1608 = tpu.vector_load %arg8[%get3A_1606, %get3A_1607] {strides = array<i32>} : memref<16x2048xf32, #tpu.memory_space<vmem>>, vector<16xf32>,
        %mul3A_1609 = vector.broadcast %mul3A_498 : f32 to vector<16xf32>
        %mul3A_1610 = arith.mulf %get3A_1608, %mul3A_1609 : vector<16xf32>
        %mul3A_1611 = arith.constant 16 : i32
        %mul3A_1612 = arith.muli %add3A_1442, %mul3A_1611 : i32
        %get3A_1613 = arith.constant 13 : i32
        %get3A_1614 = arith.index_cast %get3A_1613 : i32 to index
        %get3A_1615 = arith.index_cast %mul3A_1612 : i32 to index
        %get3A_1616 = tpu.vector_load %arg8[%get3A_1614, %get3A_1615] {strides = array<i32>} : memref<16x2048xf32, #tpu.memory_space<vmem>>, vector<16xf32>,
        %mul3A_1617 = vector.broadcast %mul3A_533 : f32 to vector<16xf32>
        %mul3A_1618 = arith.mulf %get3A_1616, %mul3A_1617 : vector<16xf32>
        %mul3A_1619 = arith.mulf %mul3A_1610, %get3A_1446 : vector<16xf32>
        %mul3A_1620 = arith.mulf %mul3A_1618, %get3A_1446 : vector<16xf32>
        %pack3A_1621 = tpu.pack_subelements %mul3A_1619, %mul3A_1620 {pack_format = #tpu.pack_format<interleaved>, positions = array<i32: 0, 1>} : vector<16xf32>, vector<16xf32> -> vector<32xbf16>
        %bitcast3A_1622 = vector.bitcast %pack3A_1621 : vector<32xbf16> to vector<16xi32>
        %mul3A_1623 = arith.constant 16 : i32
        %mul3A_1624 = arith.muli %add3A_1442, %mul3A_1623 : i32
        %swap3A_1625 = arith.constant 6 : i32
        %swap3A_1626 = arith.index_cast %swap3A_1625 : i32 to index
        %swap3A_1627 = arith.index_cast %mul3A_1624 : i32 to index
        %swap3A_1628 = tpu.vector_load %arg10[%swap3A_1626, %swap3A_1627] {strides = array<i32>} : memref<8x2048xi32, #tpu.memory_space<vmem>>, vector<16xi32>,
        tpu.vector_store %arg10[%swap3A_1626, %swap3A_1627], %bitcast3A_1622 {strides = array<i32>} : memref<8x2048xi32, #tpu.memory_space<vmem>>, vector<16xi32>,
        %mul3A_1629 = arith.constant 16 : i32
        %mul3A_1630 = arith.muli %add3A_1442, %mul3A_1629 : i32
        %get3A_1631 = arith.constant 14 : i32
        %get3A_1632 = arith.index_cast %get3A_1631 : i32 to index
        %get3A_1633 = arith.index_cast %mul3A_1630 : i32 to index
        %get3A_1634 = tpu.vector_load %arg8[%get3A_1632, %get3A_1633] {strides = array<i32>} : memref<16x2048xf32, #tpu.memory_space<vmem>>, vector<16xf32>,
        %mul3A_1635 = vector.broadcast %mul3A_568 : f32 to vector<16xf32>
        %mul3A_1636 = arith.mulf %get3A_1634, %mul3A_1635 : vector<16xf32>
        %mul3A_1637 = arith.constant 16 : i32
        %mul3A_1638 = arith.muli %add3A_1442, %mul3A_1637 : i32
        %get3A_1639 = arith.constant 15 : i32
        %get3A_1640 = arith.index_cast %get3A_1639 : i32 to index
        %get3A_1641 = arith.index_cast %mul3A_1638 : i32 to index
        %get3A_1642 = tpu.vector_load %arg8[%get3A_1640, %get3A_1641] {strides = array<i32>} : memref<16x2048xf32, #tpu.memory_space<vmem>>, vector<16xf32>,
        %mul3A_1643 = vector.broadcast %mul3A_603 : f32 to vector<16xf32>
        %mul3A_1644 = arith.mulf %get3A_1642, %mul3A_1643 : vector<16xf32>
        %mul3A_1645 = arith.mulf %mul3A_1636, %get3A_1446 : vector<16xf32>
        %mul3A_1646 = arith.mulf %mul3A_1644, %get3A_1446 : vector<16xf32>
        %pack3A_1647 = tpu.pack_subelements %mul3A_1645, %mul3A_1646 {pack_format = #tpu.pack_format<interleaved>, positions = array<i32: 0, 1>} : vector<16xf32>, vector<16xf32> -> vector<32xbf16>
        %bitcast3A_1648 = vector.bitcast %pack3A_1647 : vector<32xbf16> to vector<16xi32>
        %mul3A_1649 = arith.constant 16 : i32
        %mul3A_1650 = arith.muli %add3A_1442, %mul3A_1649 : i32
        %swap3A_1651 = arith.constant 7 : i32
        %swap3A_1652 = arith.index_cast %swap3A_1651 : i32 to index
        %swap3A_1653 = arith.index_cast %mul3A_1650 : i32 to index
        %swap3A_1654 = tpu.vector_load %arg10[%swap3A_1652, %swap3A_1653] {strides = array<i32>} : memref<8x2048xi32, #tpu.memory_space<vmem>>, vector<16xi32>,
        tpu.vector_store %arg10[%swap3A_1652, %swap3A_1653], %bitcast3A_1648 {strides = array<i32>} : memref<8x2048xi32, #tpu.memory_space<vmem>>, vector<16xi32>,
        %scan3A_1655 = arith.constant 0 : i32
        scf.yield %scan3A_1655 : i32
      }
      %scan3A_610 = arith.constant 64 : i32
      %mul3A_611 = arith.constant 16 : i32
      %mul3A_612 = arith.muli %add3A_27, %mul3A_611 : i32
      %add3A_613 = arith.addi %mul3A_2, %mul3A_612 : i32
      %dma_start3A_614 = tpu.memref_bitcast %arg10 : memref<8x2048xi32, #tpu.memory_space<vmem>> -> memref<16x2048xbf16, #tpu.memory_space<vmem>>
      %dma_start3A_615 = arith.constant 0 : i32
      %dma_start3A_616 = tpu.memref_slice %arg5[%add3A_613, %dma_start3A_615] : memref<16384x2048xbf16, #tpu.memory_space<hbm>> -> memref<16x2048xbf16, #tpu.memory_space<hbm>>
      %dma_start3A_617 = arith.constant 0 : i32
      %dma_start3A_618 = tpu.memref_slice %arg5[%add3A_613, %dma_start3A_617] : memref<16384x2048xbf16, #tpu.memory_space<hbm>> -> memref<16x2048xbf16, #tpu.memory_space<hbm>>
      %dma_start3A_619 = tpu.memref_bitcast %arg10 : memref<8x2048xi32, #tpu.memory_space<vmem>> -> memref<16x2048xbf16, #tpu.memory_space<vmem>>
      tpu.enqueue_dma source(%dma_start3A_619 : memref<16x2048xbf16, #tpu.memory_space<vmem>>) target(%dma_start3A_618 : memref<16x2048xbf16, #tpu.memory_space<hbm>>) target_semaphore(%arg14 : memref<!tpu.dma_semaphore, #tpu.memory_space<semaphore_mem>>)
      %mul3A_620 = arith.constant 2 : i32
      %mul3A_621 = arith.muli %mul3A_620, %scan3A_23 : i32
      %add3A_622 = arith.constant 1 : i32
      %add3A_623 = arith.addi %mul3A_621, %add3A_622 : i32
      %dma_wait3A_624 = arith.constant 0 : i32
      %dma_wait3A_625 = tpu.memref_slice %arg6[%dma_wait3A_624] : memref<512xi32, #tpu.memory_space<vmem>> -> memref<16xi32, #tpu.memory_space<vmem>>
      %dma_wait3A_626 = arith.constant 0 : i32
      %dma_wait3A_627 = arith.constant 0 : i32
      %dma_wait3A_628 = tpu.memref_slice %arg3[%dma_wait3A_626, %dma_wait3A_627] : memref<50368x2048xf32, #tpu.memory_space<hbm>> -> memref<50368x2048xf32, #tpu.memory_space<hbm>>
      tpu.wait_indirect_dma semaphore(%arg13 : memref<!tpu.dma_semaphore, #tpu.memory_space<semaphore_mem>>) src(%dma_wait3A_628 : memref<50368x2048xf32, #tpu.memory_space<hbm>>) dst(%arg9 : memref<16x2048xf32, #tpu.memory_space<vmem>>)
      %add3A_629 = arith.constant 1 : i32
      %add3A_630 = arith.addi %add3A_623, %add3A_629 : i32
      %lt3A_631 = arith.constant 32 : i32
      %lt3A_632 = arith.cmpi slt, %add3A_630, %lt3A_631 : i32
      %convert_element_type3A_633 = arith.extui %lt3A_632 : i1 to i32
      %cond3A_634 = arith.constant 0 : i32
      %cond3A_635 = arith.cmpi ne, %convert_element_type3A_633, %cond3A_634 : i32
      scf.if %cond3A_635 {
        %add3A_1225 = arith.constant 1 : i32
        %add3A_1226 = arith.addi %add3A_623, %add3A_1225 : i32
        %mul3A_1227 = arith.constant 16 : i32
        %mul3A_1228 = arith.muli %add3A_1226, %mul3A_1227 : i32
        %dma_start3A_1229 = tpu.memref_slice %arg6[%mul3A_1228] : memref<512xi32, #tpu.memory_space<vmem>> -> memref<16xi32, #tpu.memory_space<vmem>>
        %dma_start3A_1230 = arith.constant 0 : i32
        %dma_start3A_1231 = arith.constant 0 : i32
        %dma_start3A_1232 = tpu.memref_slice %arg3[%dma_start3A_1230, %dma_start3A_1231] : memref<50368x2048xf32, #tpu.memory_space<hbm>> -> memref<50368x2048xf32, #tpu.memory_space<hbm>>
        tpu.enqueue_indirect_dma source(%dma_start3A_1232 : memref<50368x2048xf32, #tpu.memory_space<hbm>>) target(%arg8 : memref<16x2048xf32, #tpu.memory_space<vmem>>) offsets(%dma_start3A_1229 : memref<16xi32, #tpu.memory_space<vmem>>) semaphore(%arg12 : memref<!tpu.dma_semaphore, #tpu.memory_space<semaphore_mem>>)
      } else {
      }
      %ge3A_636 = arith.constant 2 : i32
      %ge3A_637 = arith.cmpi sge, %add3A_623, %ge3A_636 : i32
      %convert_element_type3A_638 = arith.extui %ge3A_637 : i1 to i32
      %cond3A_639 = arith.constant 0 : i32
      %cond3A_640 = arith.cmpi ne, %convert_element_type3A_638, %cond3A_639 : i32
      scf.if %cond3A_640 {
        %dma_wait3A_1225 = tpu.memref_bitcast %arg11 : memref<8x2048xi32, #tpu.memory_space<vmem>> -> memref<16x2048xbf16, #tpu.memory_space<vmem>>
        %dma_wait3A_1226 = arith.constant 0 : i32
        %dma_wait3A_1227 = tpu.memref_slice %arg5[%mul3A_2, %dma_wait3A_1226] : memref<16384x2048xbf16, #tpu.memory_space<hbm>> -> memref<16x2048xbf16, #tpu.memory_space<hbm>>
        %dma_wait3A_1228 = arith.constant 0 : i32
        %dma_wait3A_1229 = tpu.memref_slice %arg5[%mul3A_2, %dma_wait3A_1228] : memref<16384x2048xbf16, #tpu.memory_space<hbm>> -> memref<16x2048xbf16, #tpu.memory_space<hbm>>
        %dma_wait3A_1230 = tpu.memref_bitcast %arg11 : memref<8x2048xi32, #tpu.memory_space<vmem>> -> memref<16x2048xbf16, #tpu.memory_space<vmem>>
        tpu.wait_dma2 semaphore(%arg15 : memref<!tpu.dma_semaphore, #tpu.memory_space<semaphore_mem>>) src(%dma_wait3A_1230 : memref<16x2048xbf16, #tpu.memory_space<vmem>>) dst(%dma_wait3A_1229 : memref<16x2048xbf16, #tpu.memory_space<hbm>>)
      } else {
      }
      %broadcast_in_dim3A_641 = arith.constant 0.000000e+00 : f32
      %broadcast_in_dim3A_642 = vector.broadcast %broadcast_in_dim3A_641 : f32 to vector<16xf32>
      %scan3A_643 = arith.constant 0 : i32
      %scan3A_644 = arith.constant 128 : i32
      %scan3A_645 = arith.addi %scan3A_643, %scan3A_644 : i32
      %scan3A_646 = arith.constant 1 : i32
      %scan3A_647:16 = scf.for %scan3A_1225 = %scan3A_643 to %scan3A_645 step %scan3A_646 iter_args(%scan3A_1226 = %broadcast_in_dim3A_642, %scan3A_1227 = %broadcast_in_dim3A_642, %scan3A_1228 = %broadcast_in_dim3A_642, %scan3A_1229 = %broadcast_in_dim3A_642, %scan3A_1230 = %broadcast_in_dim3A_642, %scan3A_1231 = %broadcast_in_dim3A_642, %scan3A_1232 = %broadcast_in_dim3A_642, %scan3A_1233 = %broadcast_in_dim3A_642, %scan3A_1234 = %broadcast_in_dim3A_642, %scan3A_1235 = %broadcast_in_dim3A_642, %scan3A_1236 = %broadcast_in_dim3A_642, %scan3A_1237 = %broadcast_in_dim3A_642, %scan3A_1238 = %broadcast_in_dim3A_642, %scan3A_1239 = %broadcast_in_dim3A_642, %scan3A_1240 = %broadcast_in_dim3A_642, %scan3A_1241 = %broadcast_in_dim3A_642) -> (vector<16xf32>, vector<16xf32>, vector<16xf32>, vector<16xf32>, vector<16xf32>, vector<16xf32>, vector<16xf32>, vector<16xf32>, vector<16xf32>, vector<16xf32>, vector<16xf32>, vector<16xf32>, vector<16xf32>, vector<16xf32>, vector<16xf32>, vector<16xf32>)  : i32 {
        %mul3A_1242 = arith.constant 16 : i32
        %mul3A_1243 = arith.muli %scan3A_1225, %mul3A_1242 : i32
        %get3A = arith.constant 0 : i32
        %get3A_1244 = arith.index_cast %get3A : i32 to index
        %get3A_1245 = arith.index_cast %mul3A_1243 : i32 to index
        %get3A_1246 = tpu.vector_load %arg9[%get3A_1244, %get3A_1245] {strides = array<i32>} : memref<16x2048xf32, #tpu.memory_space<vmem>>, vector<16xf32>,
        %get3A_1247 = arith.constant 0 : i32
        %get3A_1248 = arith.index_cast %get3A_1247 : i32 to index
        %get3A_1249 = arith.index_cast %mul3A_1243 : i32 to index
        %get3A_1250 = tpu.vector_load %arg9[%get3A_1248, %get3A_1249] {strides = array<i32>} : memref<16x2048xf32, #tpu.memory_space<vmem>>, vector<16xf32>,
        %mul3A_1251 = arith.mulf %get3A_1246, %get3A_1250 : vector<16xf32>
        %add3A_1252 = arith.addf %scan3A_1226, %mul3A_1251 : vector<16xf32>
        %get3A_1253 = arith.constant 1 : i32
        %get3A_1254 = arith.index_cast %get3A_1253 : i32 to index
        %get3A_1255 = arith.index_cast %mul3A_1243 : i32 to index
        %get3A_1256 = tpu.vector_load %arg9[%get3A_1254, %get3A_1255] {strides = array<i32>} : memref<16x2048xf32, #tpu.memory_space<vmem>>, vector<16xf32>,
        %get3A_1257 = arith.constant 1 : i32
        %get3A_1258 = arith.index_cast %get3A_1257 : i32 to index
        %get3A_1259 = arith.index_cast %mul3A_1243 : i32 to index
        %get3A_1260 = tpu.vector_load %arg9[%get3A_1258, %get3A_1259] {strides = array<i32>} : memref<16x2048xf32, #tpu.memory_space<vmem>>, vector<16xf32>,
        %mul3A_1261 = arith.mulf %get3A_1256, %get3A_1260 : vector<16xf32>
        %add3A_1262 = arith.addf %scan3A_1227, %mul3A_1261 : vector<16xf32>
        %get3A_1263 = arith.constant 2 : i32
        %get3A_1264 = arith.index_cast %get3A_1263 : i32 to index
        %get3A_1265 = arith.index_cast %mul3A_1243 : i32 to index
        %get3A_1266 = tpu.vector_load %arg9[%get3A_1264, %get3A_1265] {strides = array<i32>} : memref<16x2048xf32, #tpu.memory_space<vmem>>, vector<16xf32>,
        %get3A_1267 = arith.constant 2 : i32
        %get3A_1268 = arith.index_cast %get3A_1267 : i32 to index
        %get3A_1269 = arith.index_cast %mul3A_1243 : i32 to index
        %get3A_1270 = tpu.vector_load %arg9[%get3A_1268, %get3A_1269] {strides = array<i32>} : memref<16x2048xf32, #tpu.memory_space<vmem>>, vector<16xf32>,
        %mul3A_1271 = arith.mulf %get3A_1266, %get3A_1270 : vector<16xf32>
        %add3A_1272 = arith.addf %scan3A_1228, %mul3A_1271 : vector<16xf32>
        %get3A_1273 = arith.constant 3 : i32
        %get3A_1274 = arith.index_cast %get3A_1273 : i32 to index
        %get3A_1275 = arith.index_cast %mul3A_1243 : i32 to index
        %get3A_1276 = tpu.vector_load %arg9[%get3A_1274, %get3A_1275] {strides = array<i32>} : memref<16x2048xf32, #tpu.memory_space<vmem>>, vector<16xf32>,
        %get3A_1277 = arith.constant 3 : i32
        %get3A_1278 = arith.index_cast %get3A_1277 : i32 to index
        %get3A_1279 = arith.index_cast %mul3A_1243 : i32 to index
        %get3A_1280 = tpu.vector_load %arg9[%get3A_1278, %get3A_1279] {strides = array<i32>} : memref<16x2048xf32, #tpu.memory_space<vmem>>, vector<16xf32>,
        %mul3A_1281 = arith.mulf %get3A_1276, %get3A_1280 : vector<16xf32>
        %add3A_1282 = arith.addf %scan3A_1229, %mul3A_1281 : vector<16xf32>
        %get3A_1283 = arith.constant 4 : i32
        %get3A_1284 = arith.index_cast %get3A_1283 : i32 to index
        %get3A_1285 = arith.index_cast %mul3A_1243 : i32 to index
        %get3A_1286 = tpu.vector_load %arg9[%get3A_1284, %get3A_1285] {strides = array<i32>} : memref<16x2048xf32, #tpu.memory_space<vmem>>, vector<16xf32>,
        %get3A_1287 = arith.constant 4 : i32
        %get3A_1288 = arith.index_cast %get3A_1287 : i32 to index
        %get3A_1289 = arith.index_cast %mul3A_1243 : i32 to index
        %get3A_1290 = tpu.vector_load %arg9[%get3A_1288, %get3A_1289] {strides = array<i32>} : memref<16x2048xf32, #tpu.memory_space<vmem>>, vector<16xf32>,
        %mul3A_1291 = arith.mulf %get3A_1286, %get3A_1290 : vector<16xf32>
        %add3A_1292 = arith.addf %scan3A_1230, %mul3A_1291 : vector<16xf32>
        %get3A_1293 = arith.constant 5 : i32
        %get3A_1294 = arith.index_cast %get3A_1293 : i32 to index
        %get3A_1295 = arith.index_cast %mul3A_1243 : i32 to index
        %get3A_1296 = tpu.vector_load %arg9[%get3A_1294, %get3A_1295] {strides = array<i32>} : memref<16x2048xf32, #tpu.memory_space<vmem>>, vector<16xf32>,
        %get3A_1297 = arith.constant 5 : i32
        %get3A_1298 = arith.index_cast %get3A_1297 : i32 to index
        %get3A_1299 = arith.index_cast %mul3A_1243 : i32 to index
        %get3A_1300 = tpu.vector_load %arg9[%get3A_1298, %get3A_1299] {strides = array<i32>} : memref<16x2048xf32, #tpu.memory_space<vmem>>, vector<16xf32>,
        %mul3A_1301 = arith.mulf %get3A_1296, %get3A_1300 : vector<16xf32>
        %add3A_1302 = arith.addf %scan3A_1231, %mul3A_1301 : vector<16xf32>
        %get3A_1303 = arith.constant 6 : i32
        %get3A_1304 = arith.index_cast %get3A_1303 : i32 to index
        %get3A_1305 = arith.index_cast %mul3A_1243 : i32 to index
        %get3A_1306 = tpu.vector_load %arg9[%get3A_1304, %get3A_1305] {strides = array<i32>} : memref<16x2048xf32, #tpu.memory_space<vmem>>, vector<16xf32>,
        %get3A_1307 = arith.constant 6 : i32
        %get3A_1308 = arith.index_cast %get3A_1307 : i32 to index
        %get3A_1309 = arith.index_cast %mul3A_1243 : i32 to index
        %get3A_1310 = tpu.vector_load %arg9[%get3A_1308, %get3A_1309] {strides = array<i32>} : memref<16x2048xf32, #tpu.memory_space<vmem>>, vector<16xf32>,
        %mul3A_1311 = arith.mulf %get3A_1306, %get3A_1310 : vector<16xf32>
        %add3A_1312 = arith.addf %scan3A_1232, %mul3A_1311 : vector<16xf32>
        %get3A_1313 = arith.constant 7 : i32
        %get3A_1314 = arith.index_cast %get3A_1313 : i32 to index
        %get3A_1315 = arith.index_cast %mul3A_1243 : i32 to index
        %get3A_1316 = tpu.vector_load %arg9[%get3A_1314, %get3A_1315] {strides = array<i32>} : memref<16x2048xf32, #tpu.memory_space<vmem>>, vector<16xf32>,
        %get3A_1317 = arith.constant 7 : i32
        %get3A_1318 = arith.index_cast %get3A_1317 : i32 to index
        %get3A_1319 = arith.index_cast %mul3A_1243 : i32 to index
        %get3A_1320 = tpu.vector_load %arg9[%get3A_1318, %get3A_1319] {strides = array<i32>} : memref<16x2048xf32, #tpu.memory_space<vmem>>, vector<16xf32>,
        %mul3A_1321 = arith.mulf %get3A_1316, %get3A_1320 : vector<16xf32>
        %add3A_1322 = arith.addf %scan3A_1233, %mul3A_1321 : vector<16xf32>
        %get3A_1323 = arith.constant 8 : i32
        %get3A_1324 = arith.index_cast %get3A_1323 : i32 to index
        %get3A_1325 = arith.index_cast %mul3A_1243 : i32 to index
        %get3A_1326 = tpu.vector_load %arg9[%get3A_1324, %get3A_1325] {strides = array<i32>} : memref<16x2048xf32, #tpu.memory_space<vmem>>, vector<16xf32>,
        %get3A_1327 = arith.constant 8 : i32
        %get3A_1328 = arith.index_cast %get3A_1327 : i32 to index
        %get3A_1329 = arith.index_cast %mul3A_1243 : i32 to index
        %get3A_1330 = tpu.vector_load %arg9[%get3A_1328, %get3A_1329] {strides = array<i32>} : memref<16x2048xf32, #tpu.memory_space<vmem>>, vector<16xf32>,
        %mul3A_1331 = arith.mulf %get3A_1326, %get3A_1330 : vector<16xf32>
        %add3A_1332 = arith.addf %scan3A_1234, %mul3A_1331 : vector<16xf32>
        %get3A_1333 = arith.constant 9 : i32
        %get3A_1334 = arith.index_cast %get3A_1333 : i32 to index
        %get3A_1335 = arith.index_cast %mul3A_1243 : i32 to index
        %get3A_1336 = tpu.vector_load %arg9[%get3A_1334, %get3A_1335] {strides = array<i32>} : memref<16x2048xf32, #tpu.memory_space<vmem>>, vector<16xf32>,
        %get3A_1337 = arith.constant 9 : i32
        %get3A_1338 = arith.index_cast %get3A_1337 : i32 to index
        %get3A_1339 = arith.index_cast %mul3A_1243 : i32 to index
        %get3A_1340 = tpu.vector_load %arg9[%get3A_1338, %get3A_1339] {strides = array<i32>} : memref<16x2048xf32, #tpu.memory_space<vmem>>, vector<16xf32>,
        %mul3A_1341 = arith.mulf %get3A_1336, %get3A_1340 : vector<16xf32>
        %add3A_1342 = arith.addf %scan3A_1235, %mul3A_1341 : vector<16xf32>
        %get3A_1343 = arith.constant 10 : i32
        %get3A_1344 = arith.index_cast %get3A_1343 : i32 to index
        %get3A_1345 = arith.index_cast %mul3A_1243 : i32 to index
        %get3A_1346 = tpu.vector_load %arg9[%get3A_1344, %get3A_1345] {strides = array<i32>} : memref<16x2048xf32, #tpu.memory_space<vmem>>, vector<16xf32>,
        %get3A_1347 = arith.constant 10 : i32
        %get3A_1348 = arith.index_cast %get3A_1347 : i32 to index
        %get3A_1349 = arith.index_cast %mul3A_1243 : i32 to index
        %get3A_1350 = tpu.vector_load %arg9[%get3A_1348, %get3A_1349] {strides = array<i32>} : memref<16x2048xf32, #tpu.memory_space<vmem>>, vector<16xf32>,
        %mul3A_1351 = arith.mulf %get3A_1346, %get3A_1350 : vector<16xf32>
        %add3A_1352 = arith.addf %scan3A_1236, %mul3A_1351 : vector<16xf32>
        %get3A_1353 = arith.constant 11 : i32
        %get3A_1354 = arith.index_cast %get3A_1353 : i32 to index
        %get3A_1355 = arith.index_cast %mul3A_1243 : i32 to index
        %get3A_1356 = tpu.vector_load %arg9[%get3A_1354, %get3A_1355] {strides = array<i32>} : memref<16x2048xf32, #tpu.memory_space<vmem>>, vector<16xf32>,
        %get3A_1357 = arith.constant 11 : i32
        %get3A_1358 = arith.index_cast %get3A_1357 : i32 to index
        %get3A_1359 = arith.index_cast %mul3A_1243 : i32 to index
        %get3A_1360 = tpu.vector_load %arg9[%get3A_1358, %get3A_1359] {strides = array<i32>} : memref<16x2048xf32, #tpu.memory_space<vmem>>, vector<16xf32>,
        %mul3A_1361 = arith.mulf %get3A_1356, %get3A_1360 : vector<16xf32>
        %add3A_1362 = arith.addf %scan3A_1237, %mul3A_1361 : vector<16xf32>
        %get3A_1363 = arith.constant 12 : i32
        %get3A_1364 = arith.index_cast %get3A_1363 : i32 to index
        %get3A_1365 = arith.index_cast %mul3A_1243 : i32 to index
        %get3A_1366 = tpu.vector_load %arg9[%get3A_1364, %get3A_1365] {strides = array<i32>} : memref<16x2048xf32, #tpu.memory_space<vmem>>, vector<16xf32>,
        %get3A_1367 = arith.constant 12 : i32
        %get3A_1368 = arith.index_cast %get3A_1367 : i32 to index
        %get3A_1369 = arith.index_cast %mul3A_1243 : i32 to index
        %get3A_1370 = tpu.vector_load %arg9[%get3A_1368, %get3A_1369] {strides = array<i32>} : memref<16x2048xf32, #tpu.memory_space<vmem>>, vector<16xf32>,
        %mul3A_1371 = arith.mulf %get3A_1366, %get3A_1370 : vector<16xf32>
        %add3A_1372 = arith.addf %scan3A_1238, %mul3A_1371 : vector<16xf32>
        %get3A_1373 = arith.constant 13 : i32
        %get3A_1374 = arith.index_cast %get3A_1373 : i32 to index
        %get3A_1375 = arith.index_cast %mul3A_1243 : i32 to index
        %get3A_1376 = tpu.vector_load %arg9[%get3A_1374, %get3A_1375] {strides = array<i32>} : memref<16x2048xf32, #tpu.memory_space<vmem>>, vector<16xf32>,
        %get3A_1377 = arith.constant 13 : i32
        %get3A_1378 = arith.index_cast %get3A_1377 : i32 to index
        %get3A_1379 = arith.index_cast %mul3A_1243 : i32 to index
        %get3A_1380 = tpu.vector_load %arg9[%get3A_1378, %get3A_1379] {strides = array<i32>} : memref<16x2048xf32, #tpu.memory_space<vmem>>, vector<16xf32>,
        %mul3A_1381 = arith.mulf %get3A_1376, %get3A_1380 : vector<16xf32>
        %add3A_1382 = arith.addf %scan3A_1239, %mul3A_1381 : vector<16xf32>
        %get3A_1383 = arith.constant 14 : i32
        %get3A_1384 = arith.index_cast %get3A_1383 : i32 to index
        %get3A_1385 = arith.index_cast %mul3A_1243 : i32 to index
        %get3A_1386 = tpu.vector_load %arg9[%get3A_1384, %get3A_1385] {strides = array<i32>} : memref<16x2048xf32, #tpu.memory_space<vmem>>, vector<16xf32>,
        %get3A_1387 = arith.constant 14 : i32
        %get3A_1388 = arith.index_cast %get3A_1387 : i32 to index
        %get3A_1389 = arith.index_cast %mul3A_1243 : i32 to index
        %get3A_1390 = tpu.vector_load %arg9[%get3A_1388, %get3A_1389] {strides = array<i32>} : memref<16x2048xf32, #tpu.memory_space<vmem>>, vector<16xf32>,
        %mul3A_1391 = arith.mulf %get3A_1386, %get3A_1390 : vector<16xf32>
        %add3A_1392 = arith.addf %scan3A_1240, %mul3A_1391 : vector<16xf32>
        %get3A_1393 = arith.constant 15 : i32
        %get3A_1394 = arith.index_cast %get3A_1393 : i32 to index
        %get3A_1395 = arith.index_cast %mul3A_1243 : i32 to index
        %get3A_1396 = tpu.vector_load %arg9[%get3A_1394, %get3A_1395] {strides = array<i32>} : memref<16x2048xf32, #tpu.memory_space<vmem>>, vector<16xf32>,
        %get3A_1397 = arith.constant 15 : i32
        %get3A_1398 = arith.index_cast %get3A_1397 : i32 to index
        %get3A_1399 = arith.index_cast %mul3A_1243 : i32 to index
        %get3A_1400 = tpu.vector_load %arg9[%get3A_1398, %get3A_1399] {strides = array<i32>} : memref<16x2048xf32, #tpu.memory_space<vmem>>, vector<16xf32>,
        %mul3A_1401 = arith.mulf %get3A_1396, %get3A_1400 : vector<16xf32>
        %add3A_1402 = arith.addf %scan3A_1241, %mul3A_1401 : vector<16xf32>
        scf.yield %add3A_1252, %add3A_1262, %add3A_1272, %add3A_1282, %add3A_1292, %add3A_1302, %add3A_1312, %add3A_1322, %add3A_1332, %add3A_1342, %add3A_1352, %add3A_1362, %add3A_1372, %add3A_1382, %add3A_1392, %add3A_1402 : vector<16xf32>, vector<16xf32>, vector<16xf32>, vector<16xf32>, vector<16xf32>, vector<16xf32>, vector<16xf32>, vector<16xf32>, vector<16xf32>, vector<16xf32>, vector<16xf32>, vector<16xf32>, vector<16xf32>, vector<16xf32>, vector<16xf32>, vector<16xf32>
      }
      %scan3A_648 = arith.constant 128 : i32
      %reduce_sum3A_649 = arith.constant true
      %reduce_sum3A_650 = vector.broadcast %reduce_sum3A_649 : i1 to vector<16xi1>
      %reduce_sum3A_651 = tpu.scan <sum>, %scan3A_647#0 masked %reduce_sum3A_650 : vector<16xf32>, vector<16xi1> -> vector<16xf32>
      %reduce_sum3A_652 = vector.extract %reduce_sum3A_651[15] : f32 from vector<16xf32>
      %mul3A_653 = arith.constant 4.8828125E-4 : f32
      %mul3A_654 = arith.mulf %reduce_sum3A_652, %mul3A_653 : f32
      %add3A_655 = arith.constant 9.99999974E-6 : f32
      %add3A_656 = arith.addf %mul3A_654, %add3A_655 : f32
      %bitcast_convert_type3A_657 = arith.bitcast %add3A_656 : f32 to i32
      %shift_right_arithmetic3A_658 = arith.constant 1 : i32
      %shift_right_arithmetic3A_659 = arith.shrsi %bitcast_convert_type3A_657, %shift_right_arithmetic3A_658 : i32
      %sub3A_660 = arith.constant 1597463007 : i32
      %sub3A_661 = arith.subi %sub3A_660, %shift_right_arithmetic3A_659 : i32
      %bitcast_convert_type3A_662 = arith.bitcast %sub3A_661 : i32 to f32
      %mul3A_663 = arith.constant 5.000000e-01 : f32
      %mul3A_664 = arith.mulf %mul3A_663, %add3A_656 : f32
      %mul3A_665 = arith.mulf %mul3A_664, %bitcast_convert_type3A_662 : f32
      %mul3A_666 = arith.mulf %mul3A_665, %bitcast_convert_type3A_662 : f32
      %sub3A_667 = arith.constant 1.500000e+00 : f32
      %sub3A_668 = arith.subf %sub3A_667, %mul3A_666 : f32
      %mul3A_669 = arith.mulf %bitcast_convert_type3A_662, %sub3A_668 : f32
      %mul3A_670 = arith.constant 5.000000e-01 : f32
      %mul3A_671 = arith.mulf %mul3A_670, %add3A_656 : f32
      %mul3A_672 = arith.mulf %mul3A_671, %mul3A_669 : f32
      %mul3A_673 = arith.mulf %mul3A_672, %mul3A_669 : f32
      %sub3A_674 = arith.constant 1.500000e+00 : f32
      %sub3A_675 = arith.subf %sub3A_674, %mul3A_673 : f32
      %mul3A_676 = arith.mulf %mul3A_669, %sub3A_675 : f32
      %mul3A_677 = arith.constant 5.000000e-01 : f32
      %mul3A_678 = arith.mulf %mul3A_677, %add3A_656 : f32
      %mul3A_679 = arith.mulf %mul3A_678, %mul3A_676 : f32
      %mul3A_680 = arith.mulf %mul3A_679, %mul3A_676 : f32
      %sub3A_681 = arith.constant 1.500000e+00 : f32
      %sub3A_682 = arith.subf %sub3A_681, %mul3A_680 : f32
      %mul3A_683 = arith.mulf %mul3A_676, %sub3A_682 : f32
      %reduce_sum3A_684 = arith.constant true
      %reduce_sum3A_685 = vector.broadcast %reduce_sum3A_684 : i1 to vector<16xi1>
      %reduce_sum3A_686 = tpu.scan <sum>, %scan3A_647#1 masked %reduce_sum3A_685 : vector<16xf32>, vector<16xi1> -> vector<16xf32>
      %reduce_sum3A_687 = vector.extract %reduce_sum3A_686[15] : f32 from vector<16xf32>
      %mul3A_688 = arith.constant 4.8828125E-4 : f32
      %mul3A_689 = arith.mulf %reduce_sum3A_687, %mul3A_688 : f32
      %add3A_690 = arith.constant 9.99999974E-6 : f32
      %add3A_691 = arith.addf %mul3A_689, %add3A_690 : f32
      %bitcast_convert_type3A_692 = arith.bitcast %add3A_691 : f32 to i32
      %shift_right_arithmetic3A_693 = arith.constant 1 : i32
      %shift_right_arithmetic3A_694 = arith.shrsi %bitcast_convert_type3A_692, %shift_right_arithmetic3A_693 : i32
      %sub3A_695 = arith.constant 1597463007 : i32
      %sub3A_696 = arith.subi %sub3A_695, %shift_right_arithmetic3A_694 : i32
      %bitcast_convert_type3A_697 = arith.bitcast %sub3A_696 : i32 to f32
      %mul3A_698 = arith.constant 5.000000e-01 : f32
      %mul3A_699 = arith.mulf %mul3A_698, %add3A_691 : f32
      %mul3A_700 = arith.mulf %mul3A_699, %bitcast_convert_type3A_697 : f32
      %mul3A_701 = arith.mulf %mul3A_700, %bitcast_convert_type3A_697 : f32
      %sub3A_702 = arith.constant 1.500000e+00 : f32
      %sub3A_703 = arith.subf %sub3A_702, %mul3A_701 : f32
      %mul3A_704 = arith.mulf %bitcast_convert_type3A_697, %sub3A_703 : f32
      %mul3A_705 = arith.constant 5.000000e-01 : f32
      %mul3A_706 = arith.mulf %mul3A_705, %add3A_691 : f32
      %mul3A_707 = arith.mulf %mul3A_706, %mul3A_704 : f32
      %mul3A_708 = arith.mulf %mul3A_707, %mul3A_704 : f32
      %sub3A_709 = arith.constant 1.500000e+00 : f32
      %sub3A_710 = arith.subf %sub3A_709, %mul3A_708 : f32
      %mul3A_711 = arith.mulf %mul3A_704, %sub3A_710 : f32
      %mul3A_712 = arith.constant 5.000000e-01 : f32
      %mul3A_713 = arith.mulf %mul3A_712, %add3A_691 : f32
      %mul3A_714 = arith.mulf %mul3A_713, %mul3A_711 : f32
      %mul3A_715 = arith.mulf %mul3A_714, %mul3A_711 : f32
      %sub3A_716 = arith.constant 1.500000e+00 : f32
      %sub3A_717 = arith.subf %sub3A_716, %mul3A_715 : f32
      %mul3A_718 = arith.mulf %mul3A_711, %sub3A_717 : f32
      %reduce_sum3A_719 = arith.constant true
      %reduce_sum3A_720 = vector.broadcast %reduce_sum3A_719 : i1 to vector<16xi1>
      %reduce_sum3A_721 = tpu.scan <sum>, %scan3A_647#2 masked %reduce_sum3A_720 : vector<16xf32>, vector<16xi1> -> vector<16xf32>
      %reduce_sum3A_722 = vector.extract %reduce_sum3A_721[15] : f32 from vector<16xf32>
      %mul3A_723 = arith.constant 4.8828125E-4 : f32
      %mul3A_724 = arith.mulf %reduce_sum3A_722, %mul3A_723 : f32
      %add3A_725 = arith.constant 9.99999974E-6 : f32
      %add3A_726 = arith.addf %mul3A_724, %add3A_725 : f32
      %bitcast_convert_type3A_727 = arith.bitcast %add3A_726 : f32 to i32
      %shift_right_arithmetic3A_728 = arith.constant 1 : i32
      %shift_right_arithmetic3A_729 = arith.shrsi %bitcast_convert_type3A_727, %shift_right_arithmetic3A_728 : i32
      %sub3A_730 = arith.constant 1597463007 : i32
      %sub3A_731 = arith.subi %sub3A_730, %shift_right_arithmetic3A_729 : i32
      %bitcast_convert_type3A_732 = arith.bitcast %sub3A_731 : i32 to f32
      %mul3A_733 = arith.constant 5.000000e-01 : f32
      %mul3A_734 = arith.mulf %mul3A_733, %add3A_726 : f32
      %mul3A_735 = arith.mulf %mul3A_734, %bitcast_convert_type3A_732 : f32
      %mul3A_736 = arith.mulf %mul3A_735, %bitcast_convert_type3A_732 : f32
      %sub3A_737 = arith.constant 1.500000e+00 : f32
      %sub3A_738 = arith.subf %sub3A_737, %mul3A_736 : f32
      %mul3A_739 = arith.mulf %bitcast_convert_type3A_732, %sub3A_738 : f32
      %mul3A_740 = arith.constant 5.000000e-01 : f32
      %mul3A_741 = arith.mulf %mul3A_740, %add3A_726 : f32
      %mul3A_742 = arith.mulf %mul3A_741, %mul3A_739 : f32
      %mul3A_743 = arith.mulf %mul3A_742, %mul3A_739 : f32
      %sub3A_744 = arith.constant 1.500000e+00 : f32
      %sub3A_745 = arith.subf %sub3A_744, %mul3A_743 : f32
      %mul3A_746 = arith.mulf %mul3A_739, %sub3A_745 : f32
      %mul3A_747 = arith.constant 5.000000e-01 : f32
      %mul3A_748 = arith.mulf %mul3A_747, %add3A_726 : f32
      %mul3A_749 = arith.mulf %mul3A_748, %mul3A_746 : f32
      %mul3A_750 = arith.mulf %mul3A_749, %mul3A_746 : f32
      %sub3A_751 = arith.constant 1.500000e+00 : f32
      %sub3A_752 = arith.subf %sub3A_751, %mul3A_750 : f32
      %mul3A_753 = arith.mulf %mul3A_746, %sub3A_752 : f32
      %reduce_sum3A_754 = arith.constant true
      %reduce_sum3A_755 = vector.broadcast %reduce_sum3A_754 : i1 to vector<16xi1>
      %reduce_sum3A_756 = tpu.scan <sum>, %scan3A_647#3 masked %reduce_sum3A_755 : vector<16xf32>, vector<16xi1> -> vector<16xf32>
      %reduce_sum3A_757 = vector.extract %reduce_sum3A_756[15] : f32 from vector<16xf32>
      %mul3A_758 = arith.constant 4.8828125E-4 : f32
      %mul3A_759 = arith.mulf %reduce_sum3A_757, %mul3A_758 : f32
      %add3A_760 = arith.constant 9.99999974E-6 : f32
      %add3A_761 = arith.addf %mul3A_759, %add3A_760 : f32
      %bitcast_convert_type3A_762 = arith.bitcast %add3A_761 : f32 to i32
      %shift_right_arithmetic3A_763 = arith.constant 1 : i32
      %shift_right_arithmetic3A_764 = arith.shrsi %bitcast_convert_type3A_762, %shift_right_arithmetic3A_763 : i32
      %sub3A_765 = arith.constant 1597463007 : i32
      %sub3A_766 = arith.subi %sub3A_765, %shift_right_arithmetic3A_764 : i32
      %bitcast_convert_type3A_767 = arith.bitcast %sub3A_766 : i32 to f32
      %mul3A_768 = arith.constant 5.000000e-01 : f32
      %mul3A_769 = arith.mulf %mul3A_768, %add3A_761 : f32
      %mul3A_770 = arith.mulf %mul3A_769, %bitcast_convert_type3A_767 : f32
      %mul3A_771 = arith.mulf %mul3A_770, %bitcast_convert_type3A_767 : f32
      %sub3A_772 = arith.constant 1.500000e+00 : f32
      %sub3A_773 = arith.subf %sub3A_772, %mul3A_771 : f32
      %mul3A_774 = arith.mulf %bitcast_convert_type3A_767, %sub3A_773 : f32
      %mul3A_775 = arith.constant 5.000000e-01 : f32
      %mul3A_776 = arith.mulf %mul3A_775, %add3A_761 : f32
      %mul3A_777 = arith.mulf %mul3A_776, %mul3A_774 : f32
      %mul3A_778 = arith.mulf %mul3A_777, %mul3A_774 : f32
      %sub3A_779 = arith.constant 1.500000e+00 : f32
      %sub3A_780 = arith.subf %sub3A_779, %mul3A_778 : f32
      %mul3A_781 = arith.mulf %mul3A_774, %sub3A_780 : f32
      %mul3A_782 = arith.constant 5.000000e-01 : f32
      %mul3A_783 = arith.mulf %mul3A_782, %add3A_761 : f32
      %mul3A_784 = arith.mulf %mul3A_783, %mul3A_781 : f32
      %mul3A_785 = arith.mulf %mul3A_784, %mul3A_781 : f32
      %sub3A_786 = arith.constant 1.500000e+00 : f32
      %sub3A_787 = arith.subf %sub3A_786, %mul3A_785 : f32
      %mul3A_788 = arith.mulf %mul3A_781, %sub3A_787 : f32
      %reduce_sum3A_789 = arith.constant true
      %reduce_sum3A_790 = vector.broadcast %reduce_sum3A_789 : i1 to vector<16xi1>
      %reduce_sum3A_791 = tpu.scan <sum>, %scan3A_647#4 masked %reduce_sum3A_790 : vector<16xf32>, vector<16xi1> -> vector<16xf32>
      %reduce_sum3A_792 = vector.extract %reduce_sum3A_791[15] : f32 from vector<16xf32>
      %mul3A_793 = arith.constant 4.8828125E-4 : f32
      %mul3A_794 = arith.mulf %reduce_sum3A_792, %mul3A_793 : f32
      %add3A_795 = arith.constant 9.99999974E-6 : f32
      %add3A_796 = arith.addf %mul3A_794, %add3A_795 : f32
      %bitcast_convert_type3A_797 = arith.bitcast %add3A_796 : f32 to i32
      %shift_right_arithmetic3A_798 = arith.constant 1 : i32
      %shift_right_arithmetic3A_799 = arith.shrsi %bitcast_convert_type3A_797, %shift_right_arithmetic3A_798 : i32
      %sub3A_800 = arith.constant 1597463007 : i32
      %sub3A_801 = arith.subi %sub3A_800, %shift_right_arithmetic3A_799 : i32
      %bitcast_convert_type3A_802 = arith.bitcast %sub3A_801 : i32 to f32
      %mul3A_803 = arith.constant 5.000000e-01 : f32
      %mul3A_804 = arith.mulf %mul3A_803, %add3A_796 : f32
      %mul3A_805 = arith.mulf %mul3A_804, %bitcast_convert_type3A_802 : f32
      %mul3A_806 = arith.mulf %mul3A_805, %bitcast_convert_type3A_802 : f32
      %sub3A_807 = arith.constant 1.500000e+00 : f32
      %sub3A_808 = arith.subf %sub3A_807, %mul3A_806 : f32
      %mul3A_809 = arith.mulf %bitcast_convert_type3A_802, %sub3A_808 : f32
      %mul3A_810 = arith.constant 5.000000e-01 : f32
      %mul3A_811 = arith.mulf %mul3A_810, %add3A_796 : f32
      %mul3A_812 = arith.mulf %mul3A_811, %mul3A_809 : f32
      %mul3A_813 = arith.mulf %mul3A_812, %mul3A_809 : f32
      %sub3A_814 = arith.constant 1.500000e+00 : f32
      %sub3A_815 = arith.subf %sub3A_814, %mul3A_813 : f32
      %mul3A_816 = arith.mulf %mul3A_809, %sub3A_815 : f32
      %mul3A_817 = arith.constant 5.000000e-01 : f32
      %mul3A_818 = arith.mulf %mul3A_817, %add3A_796 : f32
      %mul3A_819 = arith.mulf %mul3A_818, %mul3A_816 : f32
      %mul3A_820 = arith.mulf %mul3A_819, %mul3A_816 : f32
      %sub3A_821 = arith.constant 1.500000e+00 : f32
      %sub3A_822 = arith.subf %sub3A_821, %mul3A_820 : f32
      %mul3A_823 = arith.mulf %mul3A_816, %sub3A_822 : f32
      %reduce_sum3A_824 = arith.constant true
      %reduce_sum3A_825 = vector.broadcast %reduce_sum3A_824 : i1 to vector<16xi1>
      %reduce_sum3A_826 = tpu.scan <sum>, %scan3A_647#5 masked %reduce_sum3A_825 : vector<16xf32>, vector<16xi1> -> vector<16xf32>
      %reduce_sum3A_827 = vector.extract %reduce_sum3A_826[15] : f32 from vector<16xf32>
      %mul3A_828 = arith.constant 4.8828125E-4 : f32
      %mul3A_829 = arith.mulf %reduce_sum3A_827, %mul3A_828 : f32
      %add3A_830 = arith.constant 9.99999974E-6 : f32
      %add3A_831 = arith.addf %mul3A_829, %add3A_830 : f32
      %bitcast_convert_type3A_832 = arith.bitcast %add3A_831 : f32 to i32
      %shift_right_arithmetic3A_833 = arith.constant 1 : i32
      %shift_right_arithmetic3A_834 = arith.shrsi %bitcast_convert_type3A_832, %shift_right_arithmetic3A_833 : i32
      %sub3A_835 = arith.constant 1597463007 : i32
      %sub3A_836 = arith.subi %sub3A_835, %shift_right_arithmetic3A_834 : i32
      %bitcast_convert_type3A_837 = arith.bitcast %sub3A_836 : i32 to f32
      %mul3A_838 = arith.constant 5.000000e-01 : f32
      %mul3A_839 = arith.mulf %mul3A_838, %add3A_831 : f32
      %mul3A_840 = arith.mulf %mul3A_839, %bitcast_convert_type3A_837 : f32
      %mul3A_841 = arith.mulf %mul3A_840, %bitcast_convert_type3A_837 : f32
      %sub3A_842 = arith.constant 1.500000e+00 : f32
      %sub3A_843 = arith.subf %sub3A_842, %mul3A_841 : f32
      %mul3A_844 = arith.mulf %bitcast_convert_type3A_837, %sub3A_843 : f32
      %mul3A_845 = arith.constant 5.000000e-01 : f32
      %mul3A_846 = arith.mulf %mul3A_845, %add3A_831 : f32
      %mul3A_847 = arith.mulf %mul3A_846, %mul3A_844 : f32
      %mul3A_848 = arith.mulf %mul3A_847, %mul3A_844 : f32
      %sub3A_849 = arith.constant 1.500000e+00 : f32
      %sub3A_850 = arith.subf %sub3A_849, %mul3A_848 : f32
      %mul3A_851 = arith.mulf %mul3A_844, %sub3A_850 : f32
      %mul3A_852 = arith.constant 5.000000e-01 : f32
      %mul3A_853 = arith.mulf %mul3A_852, %add3A_831 : f32
      %mul3A_854 = arith.mulf %mul3A_853, %mul3A_851 : f32
      %mul3A_855 = arith.mulf %mul3A_854, %mul3A_851 : f32
      %sub3A_856 = arith.constant 1.500000e+00 : f32
      %sub3A_857 = arith.subf %sub3A_856, %mul3A_855 : f32
      %mul3A_858 = arith.mulf %mul3A_851, %sub3A_857 : f32
      %reduce_sum3A_859 = arith.constant true
      %reduce_sum3A_860 = vector.broadcast %reduce_sum3A_859 : i1 to vector<16xi1>
      %reduce_sum3A_861 = tpu.scan <sum>, %scan3A_647#6 masked %reduce_sum3A_860 : vector<16xf32>, vector<16xi1> -> vector<16xf32>
      %reduce_sum3A_862 = vector.extract %reduce_sum3A_861[15] : f32 from vector<16xf32>
      %mul3A_863 = arith.constant 4.8828125E-4 : f32
      %mul3A_864 = arith.mulf %reduce_sum3A_862, %mul3A_863 : f32
      %add3A_865 = arith.constant 9.99999974E-6 : f32
      %add3A_866 = arith.addf %mul3A_864, %add3A_865 : f32
      %bitcast_convert_type3A_867 = arith.bitcast %add3A_866 : f32 to i32
      %shift_right_arithmetic3A_868 = arith.constant 1 : i32
      %shift_right_arithmetic3A_869 = arith.shrsi %bitcast_convert_type3A_867, %shift_right_arithmetic3A_868 : i32
      %sub3A_870 = arith.constant 1597463007 : i32
      %sub3A_871 = arith.subi %sub3A_870, %shift_right_arithmetic3A_869 : i32
      %bitcast_convert_type3A_872 = arith.bitcast %sub3A_871 : i32 to f32
      %mul3A_873 = arith.constant 5.000000e-01 : f32
      %mul3A_874 = arith.mulf %mul3A_873, %add3A_866 : f32
      %mul3A_875 = arith.mulf %mul3A_874, %bitcast_convert_type3A_872 : f32
      %mul3A_876 = arith.mulf %mul3A_875, %bitcast_convert_type3A_872 : f32
      %sub3A_877 = arith.constant 1.500000e+00 : f32
      %sub3A_878 = arith.subf %sub3A_877, %mul3A_876 : f32
      %mul3A_879 = arith.mulf %bitcast_convert_type3A_872, %sub3A_878 : f32
      %mul3A_880 = arith.constant 5.000000e-01 : f32
      %mul3A_881 = arith.mulf %mul3A_880, %add3A_866 : f32
      %mul3A_882 = arith.mulf %mul3A_881, %mul3A_879 : f32
      %mul3A_883 = arith.mulf %mul3A_882, %mul3A_879 : f32
      %sub3A_884 = arith.constant 1.500000e+00 : f32
      %sub3A_885 = arith.subf %sub3A_884, %mul3A_883 : f32
      %mul3A_886 = arith.mulf %mul3A_879, %sub3A_885 : f32
      %mul3A_887 = arith.constant 5.000000e-01 : f32
      %mul3A_888 = arith.mulf %mul3A_887, %add3A_866 : f32
      %mul3A_889 = arith.mulf %mul3A_888, %mul3A_886 : f32
      %mul3A_890 = arith.mulf %mul3A_889, %mul3A_886 : f32
      %sub3A_891 = arith.constant 1.500000e+00 : f32
      %sub3A_892 = arith.subf %sub3A_891, %mul3A_890 : f32
      %mul3A_893 = arith.mulf %mul3A_886, %sub3A_892 : f32
      %reduce_sum3A_894 = arith.constant true
      %reduce_sum3A_895 = vector.broadcast %reduce_sum3A_894 : i1 to vector<16xi1>
      %reduce_sum3A_896 = tpu.scan <sum>, %scan3A_647#7 masked %reduce_sum3A_895 : vector<16xf32>, vector<16xi1> -> vector<16xf32>
      %reduce_sum3A_897 = vector.extract %reduce_sum3A_896[15] : f32 from vector<16xf32>
      %mul3A_898 = arith.constant 4.8828125E-4 : f32
      %mul3A_899 = arith.mulf %reduce_sum3A_897, %mul3A_898 : f32
      %add3A_900 = arith.constant 9.99999974E-6 : f32
      %add3A_901 = arith.addf %mul3A_899, %add3A_900 : f32
      %bitcast_convert_type3A_902 = arith.bitcast %add3A_901 : f32 to i32
      %shift_right_arithmetic3A_903 = arith.constant 1 : i32
      %shift_right_arithmetic3A_904 = arith.shrsi %bitcast_convert_type3A_902, %shift_right_arithmetic3A_903 : i32
      %sub3A_905 = arith.constant 1597463007 : i32
      %sub3A_906 = arith.subi %sub3A_905, %shift_right_arithmetic3A_904 : i32
      %bitcast_convert_type3A_907 = arith.bitcast %sub3A_906 : i32 to f32
      %mul3A_908 = arith.constant 5.000000e-01 : f32
      %mul3A_909 = arith.mulf %mul3A_908, %add3A_901 : f32
      %mul3A_910 = arith.mulf %mul3A_909, %bitcast_convert_type3A_907 : f32
      %mul3A_911 = arith.mulf %mul3A_910, %bitcast_convert_type3A_907 : f32
      %sub3A_912 = arith.constant 1.500000e+00 : f32
      %sub3A_913 = arith.subf %sub3A_912, %mul3A_911 : f32
      %mul3A_914 = arith.mulf %bitcast_convert_type3A_907, %sub3A_913 : f32
      %mul3A_915 = arith.constant 5.000000e-01 : f32
      %mul3A_916 = arith.mulf %mul3A_915, %add3A_901 : f32
      %mul3A_917 = arith.mulf %mul3A_916, %mul3A_914 : f32
      %mul3A_918 = arith.mulf %mul3A_917, %mul3A_914 : f32
      %sub3A_919 = arith.constant 1.500000e+00 : f32
      %sub3A_920 = arith.subf %sub3A_919, %mul3A_918 : f32
      %mul3A_921 = arith.mulf %mul3A_914, %sub3A_920 : f32
      %mul3A_922 = arith.constant 5.000000e-01 : f32
      %mul3A_923 = arith.mulf %mul3A_922, %add3A_901 : f32
      %mul3A_924 = arith.mulf %mul3A_923, %mul3A_921 : f32
      %mul3A_925 = arith.mulf %mul3A_924, %mul3A_921 : f32
      %sub3A_926 = arith.constant 1.500000e+00 : f32
      %sub3A_927 = arith.subf %sub3A_926, %mul3A_925 : f32
      %mul3A_928 = arith.mulf %mul3A_921, %sub3A_927 : f32
      %reduce_sum3A_929 = arith.constant true
      %reduce_sum3A_930 = vector.broadcast %reduce_sum3A_929 : i1 to vector<16xi1>
      %reduce_sum3A_931 = tpu.scan <sum>, %scan3A_647#8 masked %reduce_sum3A_930 : vector<16xf32>, vector<16xi1> -> vector<16xf32>
      %reduce_sum3A_932 = vector.extract %reduce_sum3A_931[15] : f32 from vector<16xf32>
      %mul3A_933 = arith.constant 4.8828125E-4 : f32
      %mul3A_934 = arith.mulf %reduce_sum3A_932, %mul3A_933 : f32
      %add3A_935 = arith.constant 9.99999974E-6 : f32
      %add3A_936 = arith.addf %mul3A_934, %add3A_935 : f32
      %bitcast_convert_type3A_937 = arith.bitcast %add3A_936 : f32 to i32
      %shift_right_arithmetic3A_938 = arith.constant 1 : i32
      %shift_right_arithmetic3A_939 = arith.shrsi %bitcast_convert_type3A_937, %shift_right_arithmetic3A_938 : i32
      %sub3A_940 = arith.constant 1597463007 : i32
      %sub3A_941 = arith.subi %sub3A_940, %shift_right_arithmetic3A_939 : i32
      %bitcast_convert_type3A_942 = arith.bitcast %sub3A_941 : i32 to f32
      %mul3A_943 = arith.constant 5.000000e-01 : f32
      %mul3A_944 = arith.mulf %mul3A_943, %add3A_936 : f32
      %mul3A_945 = arith.mulf %mul3A_944, %bitcast_convert_type3A_942 : f32
      %mul3A_946 = arith.mulf %mul3A_945, %bitcast_convert_type3A_942 : f32
      %sub3A_947 = arith.constant 1.500000e+00 : f32
      %sub3A_948 = arith.subf %sub3A_947, %mul3A_946 : f32
      %mul3A_949 = arith.mulf %bitcast_convert_type3A_942, %sub3A_948 : f32
      %mul3A_950 = arith.constant 5.000000e-01 : f32
      %mul3A_951 = arith.mulf %mul3A_950, %add3A_936 : f32
      %mul3A_952 = arith.mulf %mul3A_951, %mul3A_949 : f32
      %mul3A_953 = arith.mulf %mul3A_952, %mul3A_949 : f32
      %sub3A_954 = arith.constant 1.500000e+00 : f32
      %sub3A_955 = arith.subf %sub3A_954, %mul3A_953 : f32
      %mul3A_956 = arith.mulf %mul3A_949, %sub3A_955 : f32
      %mul3A_957 = arith.constant 5.000000e-01 : f32
      %mul3A_958 = arith.mulf %mul3A_957, %add3A_936 : f32
      %mul3A_959 = arith.mulf %mul3A_958, %mul3A_956 : f32
      %mul3A_960 = arith.mulf %mul3A_959, %mul3A_956 : f32
      %sub3A_961 = arith.constant 1.500000e+00 : f32
      %sub3A_962 = arith.subf %sub3A_961, %mul3A_960 : f32
      %mul3A_963 = arith.mulf %mul3A_956, %sub3A_962 : f32
      %reduce_sum3A_964 = arith.constant true
      %reduce_sum3A_965 = vector.broadcast %reduce_sum3A_964 : i1 to vector<16xi1>
      %reduce_sum3A_966 = tpu.scan <sum>, %scan3A_647#9 masked %reduce_sum3A_965 : vector<16xf32>, vector<16xi1> -> vector<16xf32>
      %reduce_sum3A_967 = vector.extract %reduce_sum3A_966[15] : f32 from vector<16xf32>
      %mul3A_968 = arith.constant 4.8828125E-4 : f32
      %mul3A_969 = arith.mulf %reduce_sum3A_967, %mul3A_968 : f32
      %add3A_970 = arith.constant 9.99999974E-6 : f32
      %add3A_971 = arith.addf %mul3A_969, %add3A_970 : f32
      %bitcast_convert_type3A_972 = arith.bitcast %add3A_971 : f32 to i32
      %shift_right_arithmetic3A_973 = arith.constant 1 : i32
      %shift_right_arithmetic3A_974 = arith.shrsi %bitcast_convert_type3A_972, %shift_right_arithmetic3A_973 : i32
      %sub3A_975 = arith.constant 1597463007 : i32
      %sub3A_976 = arith.subi %sub3A_975, %shift_right_arithmetic3A_974 : i32
      %bitcast_convert_type3A_977 = arith.bitcast %sub3A_976 : i32 to f32
      %mul3A_978 = arith.constant 5.000000e-01 : f32
      %mul3A_979 = arith.mulf %mul3A_978, %add3A_971 : f32
      %mul3A_980 = arith.mulf %mul3A_979, %bitcast_convert_type3A_977 : f32
      %mul3A_981 = arith.mulf %mul3A_980, %bitcast_convert_type3A_977 : f32
      %sub3A_982 = arith.constant 1.500000e+00 : f32
      %sub3A_983 = arith.subf %sub3A_982, %mul3A_981 : f32
      %mul3A_984 = arith.mulf %bitcast_convert_type3A_977, %sub3A_983 : f32
      %mul3A_985 = arith.constant 5.000000e-01 : f32
      %mul3A_986 = arith.mulf %mul3A_985, %add3A_971 : f32
      %mul3A_987 = arith.mulf %mul3A_986, %mul3A_984 : f32
      %mul3A_988 = arith.mulf %mul3A_987, %mul3A_984 : f32
      %sub3A_989 = arith.constant 1.500000e+00 : f32
      %sub3A_990 = arith.subf %sub3A_989, %mul3A_988 : f32
      %mul3A_991 = arith.mulf %mul3A_984, %sub3A_990 : f32
      %mul3A_992 = arith.constant 5.000000e-01 : f32
      %mul3A_993 = arith.mulf %mul3A_992, %add3A_971 : f32
      %mul3A_994 = arith.mulf %mul3A_993, %mul3A_991 : f32
      %mul3A_995 = arith.mulf %mul3A_994, %mul3A_991 : f32
      %sub3A_996 = arith.constant 1.500000e+00 : f32
      %sub3A_997 = arith.subf %sub3A_996, %mul3A_995 : f32
      %mul3A_998 = arith.mulf %mul3A_991, %sub3A_997 : f32
      %reduce_sum3A_999 = arith.constant true
      %reduce_sum3A_1000 = vector.broadcast %reduce_sum3A_999 : i1 to vector<16xi1>
      %reduce_sum3A_1001 = tpu.scan <sum>, %scan3A_647#10 masked %reduce_sum3A_1000 : vector<16xf32>, vector<16xi1> -> vector<16xf32>
      %reduce_sum3A_1002 = vector.extract %reduce_sum3A_1001[15] : f32 from vector<16xf32>
      %mul3A_1003 = arith.constant 4.8828125E-4 : f32
      %mul3A_1004 = arith.mulf %reduce_sum3A_1002, %mul3A_1003 : f32
      %add3A_1005 = arith.constant 9.99999974E-6 : f32
      %add3A_1006 = arith.addf %mul3A_1004, %add3A_1005 : f32
      %bitcast_convert_type3A_1007 = arith.bitcast %add3A_1006 : f32 to i32
      %shift_right_arithmetic3A_1008 = arith.constant 1 : i32
      %shift_right_arithmetic3A_1009 = arith.shrsi %bitcast_convert_type3A_1007, %shift_right_arithmetic3A_1008 : i32
      %sub3A_1010 = arith.constant 1597463007 : i32
      %sub3A_1011 = arith.subi %sub3A_1010, %shift_right_arithmetic3A_1009 : i32
      %bitcast_convert_type3A_1012 = arith.bitcast %sub3A_1011 : i32 to f32
      %mul3A_1013 = arith.constant 5.000000e-01 : f32
      %mul3A_1014 = arith.mulf %mul3A_1013, %add3A_1006 : f32
      %mul3A_1015 = arith.mulf %mul3A_1014, %bitcast_convert_type3A_1012 : f32
      %mul3A_1016 = arith.mulf %mul3A_1015, %bitcast_convert_type3A_1012 : f32
      %sub3A_1017 = arith.constant 1.500000e+00 : f32
      %sub3A_1018 = arith.subf %sub3A_1017, %mul3A_1016 : f32
      %mul3A_1019 = arith.mulf %bitcast_convert_type3A_1012, %sub3A_1018 : f32
      %mul3A_1020 = arith.constant 5.000000e-01 : f32
      %mul3A_1021 = arith.mulf %mul3A_1020, %add3A_1006 : f32
      %mul3A_1022 = arith.mulf %mul3A_1021, %mul3A_1019 : f32
      %mul3A_1023 = arith.mulf %mul3A_1022, %mul3A_1019 : f32
      %sub3A_1024 = arith.constant 1.500000e+00 : f32
      %sub3A_1025 = arith.subf %sub3A_1024, %mul3A_1023 : f32
      %mul3A_1026 = arith.mulf %mul3A_1019, %sub3A_1025 : f32
      %mul3A_1027 = arith.constant 5.000000e-01 : f32
      %mul3A_1028 = arith.mulf %mul3A_1027, %add3A_1006 : f32
      %mul3A_1029 = arith.mulf %mul3A_1028, %mul3A_1026 : f32
      %mul3A_1030 = arith.mulf %mul3A_1029, %mul3A_1026 : f32
      %sub3A_1031 = arith.constant 1.500000e+00 : f32
      %sub3A_1032 = arith.subf %sub3A_1031, %mul3A_1030 : f32
      %mul3A_1033 = arith.mulf %mul3A_1026, %sub3A_1032 : f32
      %reduce_sum3A_1034 = arith.constant true
      %reduce_sum3A_1035 = vector.broadcast %reduce_sum3A_1034 : i1 to vector<16xi1>
      %reduce_sum3A_1036 = tpu.scan <sum>, %scan3A_647#11 masked %reduce_sum3A_1035 : vector<16xf32>, vector<16xi1> -> vector<16xf32>
      %reduce_sum3A_1037 = vector.extract %reduce_sum3A_1036[15] : f32 from vector<16xf32>
      %mul3A_1038 = arith.constant 4.8828125E-4 : f32
      %mul3A_1039 = arith.mulf %reduce_sum3A_1037, %mul3A_1038 : f32
      %add3A_1040 = arith.constant 9.99999974E-6 : f32
      %add3A_1041 = arith.addf %mul3A_1039, %add3A_1040 : f32
      %bitcast_convert_type3A_1042 = arith.bitcast %add3A_1041 : f32 to i32
      %shift_right_arithmetic3A_1043 = arith.constant 1 : i32
      %shift_right_arithmetic3A_1044 = arith.shrsi %bitcast_convert_type3A_1042, %shift_right_arithmetic3A_1043 : i32
      %sub3A_1045 = arith.constant 1597463007 : i32
      %sub3A_1046 = arith.subi %sub3A_1045, %shift_right_arithmetic3A_1044 : i32
      %bitcast_convert_type3A_1047 = arith.bitcast %sub3A_1046 : i32 to f32
      %mul3A_1048 = arith.constant 5.000000e-01 : f32
      %mul3A_1049 = arith.mulf %mul3A_1048, %add3A_1041 : f32
      %mul3A_1050 = arith.mulf %mul3A_1049, %bitcast_convert_type3A_1047 : f32
      %mul3A_1051 = arith.mulf %mul3A_1050, %bitcast_convert_type3A_1047 : f32
      %sub3A_1052 = arith.constant 1.500000e+00 : f32
      %sub3A_1053 = arith.subf %sub3A_1052, %mul3A_1051 : f32
      %mul3A_1054 = arith.mulf %bitcast_convert_type3A_1047, %sub3A_1053 : f32
      %mul3A_1055 = arith.constant 5.000000e-01 : f32
      %mul3A_1056 = arith.mulf %mul3A_1055, %add3A_1041 : f32
      %mul3A_1057 = arith.mulf %mul3A_1056, %mul3A_1054 : f32
      %mul3A_1058 = arith.mulf %mul3A_1057, %mul3A_1054 : f32
      %sub3A_1059 = arith.constant 1.500000e+00 : f32
      %sub3A_1060 = arith.subf %sub3A_1059, %mul3A_1058 : f32
      %mul3A_1061 = arith.mulf %mul3A_1054, %sub3A_1060 : f32
      %mul3A_1062 = arith.constant 5.000000e-01 : f32
      %mul3A_1063 = arith.mulf %mul3A_1062, %add3A_1041 : f32
      %mul3A_1064 = arith.mulf %mul3A_1063, %mul3A_1061 : f32
      %mul3A_1065 = arith.mulf %mul3A_1064, %mul3A_1061 : f32
      %sub3A_1066 = arith.constant 1.500000e+00 : f32
      %sub3A_1067 = arith.subf %sub3A_1066, %mul3A_1065 : f32
      %mul3A_1068 = arith.mulf %mul3A_1061, %sub3A_1067 : f32
      %reduce_sum3A_1069 = arith.constant true
      %reduce_sum3A_1070 = vector.broadcast %reduce_sum3A_1069 : i1 to vector<16xi1>
      %reduce_sum3A_1071 = tpu.scan <sum>, %scan3A_647#12 masked %reduce_sum3A_1070 : vector<16xf32>, vector<16xi1> -> vector<16xf32>
      %reduce_sum3A_1072 = vector.extract %reduce_sum3A_1071[15] : f32 from vector<16xf32>
      %mul3A_1073 = arith.constant 4.8828125E-4 : f32
      %mul3A_1074 = arith.mulf %reduce_sum3A_1072, %mul3A_1073 : f32
      %add3A_1075 = arith.constant 9.99999974E-6 : f32
      %add3A_1076 = arith.addf %mul3A_1074, %add3A_1075 : f32
      %bitcast_convert_type3A_1077 = arith.bitcast %add3A_1076 : f32 to i32
      %shift_right_arithmetic3A_1078 = arith.constant 1 : i32
      %shift_right_arithmetic3A_1079 = arith.shrsi %bitcast_convert_type3A_1077, %shift_right_arithmetic3A_1078 : i32
      %sub3A_1080 = arith.constant 1597463007 : i32
      %sub3A_1081 = arith.subi %sub3A_1080, %shift_right_arithmetic3A_1079 : i32
      %bitcast_convert_type3A_1082 = arith.bitcast %sub3A_1081 : i32 to f32
      %mul3A_1083 = arith.constant 5.000000e-01 : f32
      %mul3A_1084 = arith.mulf %mul3A_1083, %add3A_1076 : f32
      %mul3A_1085 = arith.mulf %mul3A_1084, %bitcast_convert_type3A_1082 : f32
      %mul3A_1086 = arith.mulf %mul3A_1085, %bitcast_convert_type3A_1082 : f32
      %sub3A_1087 = arith.constant 1.500000e+00 : f32
      %sub3A_1088 = arith.subf %sub3A_1087, %mul3A_1086 : f32
      %mul3A_1089 = arith.mulf %bitcast_convert_type3A_1082, %sub3A_1088 : f32
      %mul3A_1090 = arith.constant 5.000000e-01 : f32
      %mul3A_1091 = arith.mulf %mul3A_1090, %add3A_1076 : f32
      %mul3A_1092 = arith.mulf %mul3A_1091, %mul3A_1089 : f32
      %mul3A_1093 = arith.mulf %mul3A_1092, %mul3A_1089 : f32
      %sub3A_1094 = arith.constant 1.500000e+00 : f32
      %sub3A_1095 = arith.subf %sub3A_1094, %mul3A_1093 : f32
      %mul3A_1096 = arith.mulf %mul3A_1089, %sub3A_1095 : f32
      %mul3A_1097 = arith.constant 5.000000e-01 : f32
      %mul3A_1098 = arith.mulf %mul3A_1097, %add3A_1076 : f32
      %mul3A_1099 = arith.mulf %mul3A_1098, %mul3A_1096 : f32
      %mul3A_1100 = arith.mulf %mul3A_1099, %mul3A_1096 : f32
      %sub3A_1101 = arith.constant 1.500000e+00 : f32
      %sub3A_1102 = arith.subf %sub3A_1101, %mul3A_1100 : f32
      %mul3A_1103 = arith.mulf %mul3A_1096, %sub3A_1102 : f32
      %reduce_sum3A_1104 = arith.constant true
      %reduce_sum3A_1105 = vector.broadcast %reduce_sum3A_1104 : i1 to vector<16xi1>
      %reduce_sum3A_1106 = tpu.scan <sum>, %scan3A_647#13 masked %reduce_sum3A_1105 : vector<16xf32>, vector<16xi1> -> vector<16xf32>
      %reduce_sum3A_1107 = vector.extract %reduce_sum3A_1106[15] : f32 from vector<16xf32>
      %mul3A_1108 = arith.constant 4.8828125E-4 : f32
      %mul3A_1109 = arith.mulf %reduce_sum3A_1107, %mul3A_1108 : f32
      %add3A_1110 = arith.constant 9.99999974E-6 : f32
      %add3A_1111 = arith.addf %mul3A_1109, %add3A_1110 : f32
      %bitcast_convert_type3A_1112 = arith.bitcast %add3A_1111 : f32 to i32
      %shift_right_arithmetic3A_1113 = arith.constant 1 : i32
      %shift_right_arithmetic3A_1114 = arith.shrsi %bitcast_convert_type3A_1112, %shift_right_arithmetic3A_1113 : i32
      %sub3A_1115 = arith.constant 1597463007 : i32
      %sub3A_1116 = arith.subi %sub3A_1115, %shift_right_arithmetic3A_1114 : i32
      %bitcast_convert_type3A_1117 = arith.bitcast %sub3A_1116 : i32 to f32
      %mul3A_1118 = arith.constant 5.000000e-01 : f32
      %mul3A_1119 = arith.mulf %mul3A_1118, %add3A_1111 : f32
      %mul3A_1120 = arith.mulf %mul3A_1119, %bitcast_convert_type3A_1117 : f32
      %mul3A_1121 = arith.mulf %mul3A_1120, %bitcast_convert_type3A_1117 : f32
      %sub3A_1122 = arith.constant 1.500000e+00 : f32
      %sub3A_1123 = arith.subf %sub3A_1122, %mul3A_1121 : f32
      %mul3A_1124 = arith.mulf %bitcast_convert_type3A_1117, %sub3A_1123 : f32
      %mul3A_1125 = arith.constant 5.000000e-01 : f32
      %mul3A_1126 = arith.mulf %mul3A_1125, %add3A_1111 : f32
      %mul3A_1127 = arith.mulf %mul3A_1126, %mul3A_1124 : f32
      %mul3A_1128 = arith.mulf %mul3A_1127, %mul3A_1124 : f32
      %sub3A_1129 = arith.constant 1.500000e+00 : f32
      %sub3A_1130 = arith.subf %sub3A_1129, %mul3A_1128 : f32
      %mul3A_1131 = arith.mulf %mul3A_1124, %sub3A_1130 : f32
      %mul3A_1132 = arith.constant 5.000000e-01 : f32
      %mul3A_1133 = arith.mulf %mul3A_1132, %add3A_1111 : f32
      %mul3A_1134 = arith.mulf %mul3A_1133, %mul3A_1131 : f32
      %mul3A_1135 = arith.mulf %mul3A_1134, %mul3A_1131 : f32
      %sub3A_1136 = arith.constant 1.500000e+00 : f32
      %sub3A_1137 = arith.subf %sub3A_1136, %mul3A_1135 : f32
      %mul3A_1138 = arith.mulf %mul3A_1131, %sub3A_1137 : f32
      %reduce_sum3A_1139 = arith.constant true
      %reduce_sum3A_1140 = vector.broadcast %reduce_sum3A_1139 : i1 to vector<16xi1>
      %reduce_sum3A_1141 = tpu.scan <sum>, %scan3A_647#14 masked %reduce_sum3A_1140 : vector<16xf32>, vector<16xi1> -> vector<16xf32>
      %reduce_sum3A_1142 = vector.extract %reduce_sum3A_1141[15] : f32 from vector<16xf32>
      %mul3A_1143 = arith.constant 4.8828125E-4 : f32
      %mul3A_1144 = arith.mulf %reduce_sum3A_1142, %mul3A_1143 : f32
      %add3A_1145 = arith.constant 9.99999974E-6 : f32
      %add3A_1146 = arith.addf %mul3A_1144, %add3A_1145 : f32
      %bitcast_convert_type3A_1147 = arith.bitcast %add3A_1146 : f32 to i32
      %shift_right_arithmetic3A_1148 = arith.constant 1 : i32
      %shift_right_arithmetic3A_1149 = arith.shrsi %bitcast_convert_type3A_1147, %shift_right_arithmetic3A_1148 : i32
      %sub3A_1150 = arith.constant 1597463007 : i32
      %sub3A_1151 = arith.subi %sub3A_1150, %shift_right_arithmetic3A_1149 : i32
      %bitcast_convert_type3A_1152 = arith.bitcast %sub3A_1151 : i32 to f32
      %mul3A_1153 = arith.constant 5.000000e-01 : f32
      %mul3A_1154 = arith.mulf %mul3A_1153, %add3A_1146 : f32
      %mul3A_1155 = arith.mulf %mul3A_1154, %bitcast_convert_type3A_1152 : f32
      %mul3A_1156 = arith.mulf %mul3A_1155, %bitcast_convert_type3A_1152 : f32
      %sub3A_1157 = arith.constant 1.500000e+00 : f32
      %sub3A_1158 = arith.subf %sub3A_1157, %mul3A_1156 : f32
      %mul3A_1159 = arith.mulf %bitcast_convert_type3A_1152, %sub3A_1158 : f32
      %mul3A_1160 = arith.constant 5.000000e-01 : f32
      %mul3A_1161 = arith.mulf %mul3A_1160, %add3A_1146 : f32
      %mul3A_1162 = arith.mulf %mul3A_1161, %mul3A_1159 : f32
      %mul3A_1163 = arith.mulf %mul3A_1162, %mul3A_1159 : f32
      %sub3A_1164 = arith.constant 1.500000e+00 : f32
      %sub3A_1165 = arith.subf %sub3A_1164, %mul3A_1163 : f32
      %mul3A_1166 = arith.mulf %mul3A_1159, %sub3A_1165 : f32
      %mul3A_1167 = arith.constant 5.000000e-01 : f32
      %mul3A_1168 = arith.mulf %mul3A_1167, %add3A_1146 : f32
      %mul3A_1169 = arith.mulf %mul3A_1168, %mul3A_1166 : f32
      %mul3A_1170 = arith.mulf %mul3A_1169, %mul3A_1166 : f32
      %sub3A_1171 = arith.constant 1.500000e+00 : f32
      %sub3A_1172 = arith.subf %sub3A_1171, %mul3A_1170 : f32
      %mul3A_1173 = arith.mulf %mul3A_1166, %sub3A_1172 : f32
      %reduce_sum3A_1174 = arith.constant true
      %reduce_sum3A_1175 = vector.broadcast %reduce_sum3A_1174 : i1 to vector<16xi1>
      %reduce_sum3A_1176 = tpu.scan <sum>, %scan3A_647#15 masked %reduce_sum3A_1175 : vector<16xf32>, vector<16xi1> -> vector<16xf32>
      %reduce_sum3A_1177 = vector.extract %reduce_sum3A_1176[15] : f32 from vector<16xf32>
      %mul3A_1178 = arith.constant 4.8828125E-4 : f32
      %mul3A_1179 = arith.mulf %reduce_sum3A_1177, %mul3A_1178 : f32
      %add3A_1180 = arith.constant 9.99999974E-6 : f32
      %add3A_1181 = arith.addf %mul3A_1179, %add3A_1180 : f32
      %bitcast_convert_type3A_1182 = arith.bitcast %add3A_1181 : f32 to i32
      %shift_right_arithmetic3A_1183 = arith.constant 1 : i32
      %shift_right_arithmetic3A_1184 = arith.shrsi %bitcast_convert_type3A_1182, %shift_right_arithmetic3A_1183 : i32
      %sub3A_1185 = arith.constant 1597463007 : i32
      %sub3A_1186 = arith.subi %sub3A_1185, %shift_right_arithmetic3A_1184 : i32
      %bitcast_convert_type3A_1187 = arith.bitcast %sub3A_1186 : i32 to f32
      %mul3A_1188 = arith.constant 5.000000e-01 : f32
      %mul3A_1189 = arith.mulf %mul3A_1188, %add3A_1181 : f32
      %mul3A_1190 = arith.mulf %mul3A_1189, %bitcast_convert_type3A_1187 : f32
      %mul3A_1191 = arith.mulf %mul3A_1190, %bitcast_convert_type3A_1187 : f32
      %sub3A_1192 = arith.constant 1.500000e+00 : f32
      %sub3A_1193 = arith.subf %sub3A_1192, %mul3A_1191 : f32
      %mul3A_1194 = arith.mulf %bitcast_convert_type3A_1187, %sub3A_1193 : f32
      %mul3A_1195 = arith.constant 5.000000e-01 : f32
      %mul3A_1196 = arith.mulf %mul3A_1195, %add3A_1181 : f32
      %mul3A_1197 = arith.mulf %mul3A_1196, %mul3A_1194 : f32
      %mul3A_1198 = arith.mulf %mul3A_1197, %mul3A_1194 : f32
      %sub3A_1199 = arith.constant 1.500000e+00 : f32
      %sub3A_1200 = arith.subf %sub3A_1199, %mul3A_1198 : f32
      %mul3A_1201 = arith.mulf %mul3A_1194, %sub3A_1200 : f32
      %mul3A_1202 = arith.constant 5.000000e-01 : f32
      %mul3A_1203 = arith.mulf %mul3A_1202, %add3A_1181 : f32
      %mul3A_1204 = arith.mulf %mul3A_1203, %mul3A_1201 : f32
      %mul3A_1205 = arith.mulf %mul3A_1204, %mul3A_1201 : f32
      %sub3A_1206 = arith.constant 1.500000e+00 : f32
      %sub3A_1207 = arith.subf %sub3A_1206, %mul3A_1205 : f32
      %mul3A_1208 = arith.mulf %mul3A_1201, %sub3A_1207 : f32
      %scan3A_1209 = arith.constant 0 : i32
      %scan3A_1210 = arith.constant 0 : i32
      %scan3A_1211 = arith.constant 64 : i32
      %scan3A_1212 = arith.addi %scan3A_1210, %scan3A_1211 : i32
      %scan3A_1213 = arith.constant 1 : i32
      %scan3A_1214 = scf.for %scan3A_1225 = %scan3A_1210 to %scan3A_1212 step %scan3A_1213 iter_args(%scan3A_1226 = %scan3A_1209) -> (i32)  : i32 {
        %mul3A_1227 = arith.constant 2 : i32
        %mul3A_1228 = arith.muli %mul3A_1227, %scan3A_1225 : i32
        %add3A_1229 = arith.constant 0 : i32
        %add3A_1230 = arith.addi %mul3A_1228, %add3A_1229 : i32
        %mul3A_1231 = arith.constant 16 : i32
        %mul3A_1232 = arith.muli %add3A_1230, %mul3A_1231 : i32
        %get3A = arith.index_cast %mul3A_1232 : i32 to index
        %get3A_1233 = tpu.vector_load %arg7[%get3A] {strides = array<i32>} : memref<2048xf32, #tpu.memory_space<vmem>>, vector<16xf32>,
        %mul3A_1234 = arith.constant 16 : i32
        %mul3A_1235 = arith.muli %add3A_1230, %mul3A_1234 : i32
        %get3A_1236 = arith.constant 0 : i32
        %get3A_1237 = arith.index_cast %get3A_1236 : i32 to index
        %get3A_1238 = arith.index_cast %mul3A_1235 : i32 to index
        %get3A_1239 = tpu.vector_load %arg9[%get3A_1237, %get3A_1238] {strides = array<i32>} : memref<16x2048xf32, #tpu.memory_space<vmem>>, vector<16xf32>,
        %mul3A_1240 = vector.broadcast %mul3A_683 : f32 to vector<16xf32>
        %mul3A_1241 = arith.mulf %get3A_1239, %mul3A_1240 : vector<16xf32>
        %mul3A_1242 = arith.constant 16 : i32
        %mul3A_1243 = arith.muli %add3A_1230, %mul3A_1242 : i32
        %get3A_1244 = arith.constant 1 : i32
        %get3A_1245 = arith.index_cast %get3A_1244 : i32 to index
        %get3A_1246 = arith.index_cast %mul3A_1243 : i32 to index
        %get3A_1247 = tpu.vector_load %arg9[%get3A_1245, %get3A_1246] {strides = array<i32>} : memref<16x2048xf32, #tpu.memory_space<vmem>>, vector<16xf32>,
        %mul3A_1248 = vector.broadcast %mul3A_718 : f32 to vector<16xf32>
        %mul3A_1249 = arith.mulf %get3A_1247, %mul3A_1248 : vector<16xf32>
        %mul3A_1250 = arith.mulf %mul3A_1241, %get3A_1233 : vector<16xf32>
        %mul3A_1251 = arith.mulf %mul3A_1249, %get3A_1233 : vector<16xf32>
        %pack3A = tpu.pack_subelements %mul3A_1250, %mul3A_1251 {pack_format = #tpu.pack_format<interleaved>, positions = array<i32: 0, 1>} : vector<16xf32>, vector<16xf32> -> vector<32xbf16>
        %bitcast3A = vector.bitcast %pack3A : vector<32xbf16> to vector<16xi32>
        %mul3A_1252 = arith.constant 16 : i32
        %mul3A_1253 = arith.muli %add3A_1230, %mul3A_1252 : i32
        %swap3A = arith.constant 0 : i32
        %swap3A_1254 = arith.index_cast %swap3A : i32 to index
        %swap3A_1255 = arith.index_cast %mul3A_1253 : i32 to index
        %swap3A_1256 = tpu.vector_load %arg11[%swap3A_1254, %swap3A_1255] {strides = array<i32>} : memref<8x2048xi32, #tpu.memory_space<vmem>>, vector<16xi32>,
        tpu.vector_store %arg11[%swap3A_1254, %swap3A_1255], %bitcast3A {strides = array<i32>} : memref<8x2048xi32, #tpu.memory_space<vmem>>, vector<16xi32>,
        %mul3A_1257 = arith.constant 16 : i32
        %mul3A_1258 = arith.muli %add3A_1230, %mul3A_1257 : i32
        %get3A_1259 = arith.constant 2 : i32
        %get3A_1260 = arith.index_cast %get3A_1259 : i32 to index
        %get3A_1261 = arith.index_cast %mul3A_1258 : i32 to index
        %get3A_1262 = tpu.vector_load %arg9[%get3A_1260, %get3A_1261] {strides = array<i32>} : memref<16x2048xf32, #tpu.memory_space<vmem>>, vector<16xf32>,
        %mul3A_1263 = vector.broadcast %mul3A_753 : f32 to vector<16xf32>
        %mul3A_1264 = arith.mulf %get3A_1262, %mul3A_1263 : vector<16xf32>
        %mul3A_1265 = arith.constant 16 : i32
        %mul3A_1266 = arith.muli %add3A_1230, %mul3A_1265 : i32
        %get3A_1267 = arith.constant 3 : i32
        %get3A_1268 = arith.index_cast %get3A_1267 : i32 to index
        %get3A_1269 = arith.index_cast %mul3A_1266 : i32 to index
        %get3A_1270 = tpu.vector_load %arg9[%get3A_1268, %get3A_1269] {strides = array<i32>} : memref<16x2048xf32, #tpu.memory_space<vmem>>, vector<16xf32>,
        %mul3A_1271 = vector.broadcast %mul3A_788 : f32 to vector<16xf32>
        %mul3A_1272 = arith.mulf %get3A_1270, %mul3A_1271 : vector<16xf32>
        %mul3A_1273 = arith.mulf %mul3A_1264, %get3A_1233 : vector<16xf32>
        %mul3A_1274 = arith.mulf %mul3A_1272, %get3A_1233 : vector<16xf32>
        %pack3A_1275 = tpu.pack_subelements %mul3A_1273, %mul3A_1274 {pack_format = #tpu.pack_format<interleaved>, positions = array<i32: 0, 1>} : vector<16xf32>, vector<16xf32> -> vector<32xbf16>
        %bitcast3A_1276 = vector.bitcast %pack3A_1275 : vector<32xbf16> to vector<16xi32>
        %mul3A_1277 = arith.constant 16 : i32
        %mul3A_1278 = arith.muli %add3A_1230, %mul3A_1277 : i32
        %swap3A_1279 = arith.constant 1 : i32
        %swap3A_1280 = arith.index_cast %swap3A_1279 : i32 to index
        %swap3A_1281 = arith.index_cast %mul3A_1278 : i32 to index
        %swap3A_1282 = tpu.vector_load %arg11[%swap3A_1280, %swap3A_1281] {strides = array<i32>} : memref<8x2048xi32, #tpu.memory_space<vmem>>, vector<16xi32>,
        tpu.vector_store %arg11[%swap3A_1280, %swap3A_1281], %bitcast3A_1276 {strides = array<i32>} : memref<8x2048xi32, #tpu.memory_space<vmem>>, vector<16xi32>,
        %mul3A_1283 = arith.constant 16 : i32
        %mul3A_1284 = arith.muli %add3A_1230, %mul3A_1283 : i32
        %get3A_1285 = arith.constant 4 : i32
        %get3A_1286 = arith.index_cast %get3A_1285 : i32 to index
        %get3A_1287 = arith.index_cast %mul3A_1284 : i32 to index
        %get3A_1288 = tpu.vector_load %arg9[%get3A_1286, %get3A_1287] {strides = array<i32>} : memref<16x2048xf32, #tpu.memory_space<vmem>>, vector<16xf32>,
        %mul3A_1289 = vector.broadcast %mul3A_823 : f32 to vector<16xf32>
        %mul3A_1290 = arith.mulf %get3A_1288, %mul3A_1289 : vector<16xf32>
        %mul3A_1291 = arith.constant 16 : i32
        %mul3A_1292 = arith.muli %add3A_1230, %mul3A_1291 : i32
        %get3A_1293 = arith.constant 5 : i32
        %get3A_1294 = arith.index_cast %get3A_1293 : i32 to index
        %get3A_1295 = arith.index_cast %mul3A_1292 : i32 to index
        %get3A_1296 = tpu.vector_load %arg9[%get3A_1294, %get3A_1295] {strides = array<i32>} : memref<16x2048xf32, #tpu.memory_space<vmem>>, vector<16xf32>,
        %mul3A_1297 = vector.broadcast %mul3A_858 : f32 to vector<16xf32>
        %mul3A_1298 = arith.mulf %get3A_1296, %mul3A_1297 : vector<16xf32>
        %mul3A_1299 = arith.mulf %mul3A_1290, %get3A_1233 : vector<16xf32>
        %mul3A_1300 = arith.mulf %mul3A_1298, %get3A_1233 : vector<16xf32>
        %pack3A_1301 = tpu.pack_subelements %mul3A_1299, %mul3A_1300 {pack_format = #tpu.pack_format<interleaved>, positions = array<i32: 0, 1>} : vector<16xf32>, vector<16xf32> -> vector<32xbf16>
        %bitcast3A_1302 = vector.bitcast %pack3A_1301 : vector<32xbf16> to vector<16xi32>
        %mul3A_1303 = arith.constant 16 : i32
        %mul3A_1304 = arith.muli %add3A_1230, %mul3A_1303 : i32
        %swap3A_1305 = arith.constant 2 : i32
        %swap3A_1306 = arith.index_cast %swap3A_1305 : i32 to index
        %swap3A_1307 = arith.index_cast %mul3A_1304 : i32 to index
        %swap3A_1308 = tpu.vector_load %arg11[%swap3A_1306, %swap3A_1307] {strides = array<i32>} : memref<8x2048xi32, #tpu.memory_space<vmem>>, vector<16xi32>,
        tpu.vector_store %arg11[%swap3A_1306, %swap3A_1307], %bitcast3A_1302 {strides = array<i32>} : memref<8x2048xi32, #tpu.memory_space<vmem>>, vector<16xi32>,
        %mul3A_1309 = arith.constant 16 : i32
        %mul3A_1310 = arith.muli %add3A_1230, %mul3A_1309 : i32
        %get3A_1311 = arith.constant 6 : i32
        %get3A_1312 = arith.index_cast %get3A_1311 : i32 to index
        %get3A_1313 = arith.index_cast %mul3A_1310 : i32 to index
        %get3A_1314 = tpu.vector_load %arg9[%get3A_1312, %get3A_1313] {strides = array<i32>} : memref<16x2048xf32, #tpu.memory_space<vmem>>, vector<16xf32>,
        %mul3A_1315 = vector.broadcast %mul3A_893 : f32 to vector<16xf32>
        %mul3A_1316 = arith.mulf %get3A_1314, %mul3A_1315 : vector<16xf32>
        %mul3A_1317 = arith.constant 16 : i32
        %mul3A_1318 = arith.muli %add3A_1230, %mul3A_1317 : i32
        %get3A_1319 = arith.constant 7 : i32
        %get3A_1320 = arith.index_cast %get3A_1319 : i32 to index
        %get3A_1321 = arith.index_cast %mul3A_1318 : i32 to index
        %get3A_1322 = tpu.vector_load %arg9[%get3A_1320, %get3A_1321] {strides = array<i32>} : memref<16x2048xf32, #tpu.memory_space<vmem>>, vector<16xf32>,
        %mul3A_1323 = vector.broadcast %mul3A_928 : f32 to vector<16xf32>
        %mul3A_1324 = arith.mulf %get3A_1322, %mul3A_1323 : vector<16xf32>
        %mul3A_1325 = arith.mulf %mul3A_1316, %get3A_1233 : vector<16xf32>
        %mul3A_1326 = arith.mulf %mul3A_1324, %get3A_1233 : vector<16xf32>
        %pack3A_1327 = tpu.pack_subelements %mul3A_1325, %mul3A_1326 {pack_format = #tpu.pack_format<interleaved>, positions = array<i32: 0, 1>} : vector<16xf32>, vector<16xf32> -> vector<32xbf16>
        %bitcast3A_1328 = vector.bitcast %pack3A_1327 : vector<32xbf16> to vector<16xi32>
        %mul3A_1329 = arith.constant 16 : i32
        %mul3A_1330 = arith.muli %add3A_1230, %mul3A_1329 : i32
        %swap3A_1331 = arith.constant 3 : i32
        %swap3A_1332 = arith.index_cast %swap3A_1331 : i32 to index
        %swap3A_1333 = arith.index_cast %mul3A_1330 : i32 to index
        %swap3A_1334 = tpu.vector_load %arg11[%swap3A_1332, %swap3A_1333] {strides = array<i32>} : memref<8x2048xi32, #tpu.memory_space<vmem>>, vector<16xi32>,
        tpu.vector_store %arg11[%swap3A_1332, %swap3A_1333], %bitcast3A_1328 {strides = array<i32>} : memref<8x2048xi32, #tpu.memory_space<vmem>>, vector<16xi32>,
        %mul3A_1335 = arith.constant 16 : i32
        %mul3A_1336 = arith.muli %add3A_1230, %mul3A_1335 : i32
        %get3A_1337 = arith.constant 8 : i32
        %get3A_1338 = arith.index_cast %get3A_1337 : i32 to index
        %get3A_1339 = arith.index_cast %mul3A_1336 : i32 to index
        %get3A_1340 = tpu.vector_load %arg9[%get3A_1338, %get3A_1339] {strides = array<i32>} : memref<16x2048xf32, #tpu.memory_space<vmem>>, vector<16xf32>,
        %mul3A_1341 = vector.broadcast %mul3A_963 : f32 to vector<16xf32>
        %mul3A_1342 = arith.mulf %get3A_1340, %mul3A_1341 : vector<16xf32>
        %mul3A_1343 = arith.constant 16 : i32
        %mul3A_1344 = arith.muli %add3A_1230, %mul3A_1343 : i32
        %get3A_1345 = arith.constant 9 : i32
        %get3A_1346 = arith.index_cast %get3A_1345 : i32 to index
        %get3A_1347 = arith.index_cast %mul3A_1344 : i32 to index
        %get3A_1348 = tpu.vector_load %arg9[%get3A_1346, %get3A_1347] {strides = array<i32>} : memref<16x2048xf32, #tpu.memory_space<vmem>>, vector<16xf32>,
        %mul3A_1349 = vector.broadcast %mul3A_998 : f32 to vector<16xf32>
        %mul3A_1350 = arith.mulf %get3A_1348, %mul3A_1349 : vector<16xf32>
        %mul3A_1351 = arith.mulf %mul3A_1342, %get3A_1233 : vector<16xf32>
        %mul3A_1352 = arith.mulf %mul3A_1350, %get3A_1233 : vector<16xf32>
        %pack3A_1353 = tpu.pack_subelements %mul3A_1351, %mul3A_1352 {pack_format = #tpu.pack_format<interleaved>, positions = array<i32: 0, 1>} : vector<16xf32>, vector<16xf32> -> vector<32xbf16>
        %bitcast3A_1354 = vector.bitcast %pack3A_1353 : vector<32xbf16> to vector<16xi32>
        %mul3A_1355 = arith.constant 16 : i32
        %mul3A_1356 = arith.muli %add3A_1230, %mul3A_1355 : i32
        %swap3A_1357 = arith.constant 4 : i32
        %swap3A_1358 = arith.index_cast %swap3A_1357 : i32 to index
        %swap3A_1359 = arith.index_cast %mul3A_1356 : i32 to index
        %swap3A_1360 = tpu.vector_load %arg11[%swap3A_1358, %swap3A_1359] {strides = array<i32>} : memref<8x2048xi32, #tpu.memory_space<vmem>>, vector<16xi32>,
        tpu.vector_store %arg11[%swap3A_1358, %swap3A_1359], %bitcast3A_1354 {strides = array<i32>} : memref<8x2048xi32, #tpu.memory_space<vmem>>, vector<16xi32>,
        %mul3A_1361 = arith.constant 16 : i32
        %mul3A_1362 = arith.muli %add3A_1230, %mul3A_1361 : i32
        %get3A_1363 = arith.constant 10 : i32
        %get3A_1364 = arith.index_cast %get3A_1363 : i32 to index
        %get3A_1365 = arith.index_cast %mul3A_1362 : i32 to index
        %get3A_1366 = tpu.vector_load %arg9[%get3A_1364, %get3A_1365] {strides = array<i32>} : memref<16x2048xf32, #tpu.memory_space<vmem>>, vector<16xf32>,
        %mul3A_1367 = vector.broadcast %mul3A_1033 : f32 to vector<16xf32>
        %mul3A_1368 = arith.mulf %get3A_1366, %mul3A_1367 : vector<16xf32>
        %mul3A_1369 = arith.constant 16 : i32
        %mul3A_1370 = arith.muli %add3A_1230, %mul3A_1369 : i32
        %get3A_1371 = arith.constant 11 : i32
        %get3A_1372 = arith.index_cast %get3A_1371 : i32 to index
        %get3A_1373 = arith.index_cast %mul3A_1370 : i32 to index
        %get3A_1374 = tpu.vector_load %arg9[%get3A_1372, %get3A_1373] {strides = array<i32>} : memref<16x2048xf32, #tpu.memory_space<vmem>>, vector<16xf32>,
        %mul3A_1375 = vector.broadcast %mul3A_1068 : f32 to vector<16xf32>
        %mul3A_1376 = arith.mulf %get3A_1374, %mul3A_1375 : vector<16xf32>
        %mul3A_1377 = arith.mulf %mul3A_1368, %get3A_1233 : vector<16xf32>
        %mul3A_1378 = arith.mulf %mul3A_1376, %get3A_1233 : vector<16xf32>
        %pack3A_1379 = tpu.pack_subelements %mul3A_1377, %mul3A_1378 {pack_format = #tpu.pack_format<interleaved>, positions = array<i32: 0, 1>} : vector<16xf32>, vector<16xf32> -> vector<32xbf16>
        %bitcast3A_1380 = vector.bitcast %pack3A_1379 : vector<32xbf16> to vector<16xi32>
        %mul3A_1381 = arith.constant 16 : i32
        %mul3A_1382 = arith.muli %add3A_1230, %mul3A_1381 : i32
        %swap3A_1383 = arith.constant 5 : i32
        %swap3A_1384 = arith.index_cast %swap3A_1383 : i32 to index
        %swap3A_1385 = arith.index_cast %mul3A_1382 : i32 to index
        %swap3A_1386 = tpu.vector_load %arg11[%swap3A_1384, %swap3A_1385] {strides = array<i32>} : memref<8x2048xi32, #tpu.memory_space<vmem>>, vector<16xi32>,
        tpu.vector_store %arg11[%swap3A_1384, %swap3A_1385], %bitcast3A_1380 {strides = array<i32>} : memref<8x2048xi32, #tpu.memory_space<vmem>>, vector<16xi32>,
        %mul3A_1387 = arith.constant 16 : i32
        %mul3A_1388 = arith.muli %add3A_1230, %mul3A_1387 : i32
        %get3A_1389 = arith.constant 12 : i32
        %get3A_1390 = arith.index_cast %get3A_1389 : i32 to index
        %get3A_1391 = arith.index_cast %mul3A_1388 : i32 to index
        %get3A_1392 = tpu.vector_load %arg9[%get3A_1390, %get3A_1391] {strides = array<i32>} : memref<16x2048xf32, #tpu.memory_space<vmem>>, vector<16xf32>,
        %mul3A_1393 = vector.broadcast %mul3A_1103 : f32 to vector<16xf32>
        %mul3A_1394 = arith.mulf %get3A_1392, %mul3A_1393 : vector<16xf32>
        %mul3A_1395 = arith.constant 16 : i32
        %mul3A_1396 = arith.muli %add3A_1230, %mul3A_1395 : i32
        %get3A_1397 = arith.constant 13 : i32
        %get3A_1398 = arith.index_cast %get3A_1397 : i32 to index
        %get3A_1399 = arith.index_cast %mul3A_1396 : i32 to index
        %get3A_1400 = tpu.vector_load %arg9[%get3A_1398, %get3A_1399] {strides = array<i32>} : memref<16x2048xf32, #tpu.memory_space<vmem>>, vector<16xf32>,
        %mul3A_1401 = vector.broadcast %mul3A_1138 : f32 to vector<16xf32>
        %mul3A_1402 = arith.mulf %get3A_1400, %mul3A_1401 : vector<16xf32>
        %mul3A_1403 = arith.mulf %mul3A_1394, %get3A_1233 : vector<16xf32>
        %mul3A_1404 = arith.mulf %mul3A_1402, %get3A_1233 : vector<16xf32>
        %pack3A_1405 = tpu.pack_subelements %mul3A_1403, %mul3A_1404 {pack_format = #tpu.pack_format<interleaved>, positions = array<i32: 0, 1>} : vector<16xf32>, vector<16xf32> -> vector<32xbf16>
        %bitcast3A_1406 = vector.bitcast %pack3A_1405 : vector<32xbf16> to vector<16xi32>
        %mul3A_1407 = arith.constant 16 : i32
        %mul3A_1408 = arith.muli %add3A_1230, %mul3A_1407 : i32
        %swap3A_1409 = arith.constant 6 : i32
        %swap3A_1410 = arith.index_cast %swap3A_1409 : i32 to index
        %swap3A_1411 = arith.index_cast %mul3A_1408 : i32 to index
        %swap3A_1412 = tpu.vector_load %arg11[%swap3A_1410, %swap3A_1411] {strides = array<i32>} : memref<8x2048xi32, #tpu.memory_space<vmem>>, vector<16xi32>,
        tpu.vector_store %arg11[%swap3A_1410, %swap3A_1411], %bitcast3A_1406 {strides = array<i32>} : memref<8x2048xi32, #tpu.memory_space<vmem>>, vector<16xi32>,
        %mul3A_1413 = arith.constant 16 : i32
        %mul3A_1414 = arith.muli %add3A_1230, %mul3A_1413 : i32
        %get3A_1415 = arith.constant 14 : i32
        %get3A_1416 = arith.index_cast %get3A_1415 : i32 to index
        %get3A_1417 = arith.index_cast %mul3A_1414 : i32 to index
        %get3A_1418 = tpu.vector_load %arg9[%get3A_1416, %get3A_1417] {strides = array<i32>} : memref<16x2048xf32, #tpu.memory_space<vmem>>, vector<16xf32>,
        %mul3A_1419 = vector.broadcast %mul3A_1173 : f32 to vector<16xf32>
        %mul3A_1420 = arith.mulf %get3A_1418, %mul3A_1419 : vector<16xf32>
        %mul3A_1421 = arith.constant 16 : i32
        %mul3A_1422 = arith.muli %add3A_1230, %mul3A_1421 : i32
        %get3A_1423 = arith.constant 15 : i32
        %get3A_1424 = arith.index_cast %get3A_1423 : i32 to index
        %get3A_1425 = arith.index_cast %mul3A_1422 : i32 to index
        %get3A_1426 = tpu.vector_load %arg9[%get3A_1424, %get3A_1425] {strides = array<i32>} : memref<16x2048xf32, #tpu.memory_space<vmem>>, vector<16xf32>,
        %mul3A_1427 = vector.broadcast %mul3A_1208 : f32 to vector<16xf32>
        %mul3A_1428 = arith.mulf %get3A_1426, %mul3A_1427 : vector<16xf32>
        %mul3A_1429 = arith.mulf %mul3A_1420, %get3A_1233 : vector<16xf32>
        %mul3A_1430 = arith.mulf %mul3A_1428, %get3A_1233 : vector<16xf32>
        %pack3A_1431 = tpu.pack_subelements %mul3A_1429, %mul3A_1430 {pack_format = #tpu.pack_format<interleaved>, positions = array<i32: 0, 1>} : vector<16xf32>, vector<16xf32> -> vector<32xbf16>
        %bitcast3A_1432 = vector.bitcast %pack3A_1431 : vector<32xbf16> to vector<16xi32>
        %mul3A_1433 = arith.constant 16 : i32
        %mul3A_1434 = arith.muli %add3A_1230, %mul3A_1433 : i32
        %swap3A_1435 = arith.constant 7 : i32
        %swap3A_1436 = arith.index_cast %swap3A_1435 : i32 to index
        %swap3A_1437 = arith.index_cast %mul3A_1434 : i32 to index
        %swap3A_1438 = tpu.vector_load %arg11[%swap3A_1436, %swap3A_1437] {strides = array<i32>} : memref<8x2048xi32, #tpu.memory_space<vmem>>, vector<16xi32>,
        tpu.vector_store %arg11[%swap3A_1436, %swap3A_1437], %bitcast3A_1432 {strides = array<i32>} : memref<8x2048xi32, #tpu.memory_space<vmem>>, vector<16xi32>,
        %mul3A_1439 = arith.constant 2 : i32
        %mul3A_1440 = arith.muli %mul3A_1439, %scan3A_1225 : i32
        %add3A_1441 = arith.constant 1 : i32
        %add3A_1442 = arith.addi %mul3A_1440, %add3A_1441 : i32
        %mul3A_1443 = arith.constant 16 : i32
        %mul3A_1444 = arith.muli %add3A_1442, %mul3A_1443 : i32
        %get3A_1445 = arith.index_cast %mul3A_1444 : i32 to index
        %get3A_1446 = tpu.vector_load %arg7[%get3A_1445] {strides = array<i32>} : memref<2048xf32, #tpu.memory_space<vmem>>, vector<16xf32>,
        %mul3A_1447 = arith.constant 16 : i32
        %mul3A_1448 = arith.muli %add3A_1442, %mul3A_1447 : i32
        %get3A_1449 = arith.constant 0 : i32
        %get3A_1450 = arith.index_cast %get3A_1449 : i32 to index
        %get3A_1451 = arith.index_cast %mul3A_1448 : i32 to index
        %get3A_1452 = tpu.vector_load %arg9[%get3A_1450, %get3A_1451] {strides = array<i32>} : memref<16x2048xf32, #tpu.memory_space<vmem>>, vector<16xf32>,
        %mul3A_1453 = vector.broadcast %mul3A_683 : f32 to vector<16xf32>
        %mul3A_1454 = arith.mulf %get3A_1452, %mul3A_1453 : vector<16xf32>
        %mul3A_1455 = arith.constant 16 : i32
        %mul3A_1456 = arith.muli %add3A_1442, %mul3A_1455 : i32
        %get3A_1457 = arith.constant 1 : i32
        %get3A_1458 = arith.index_cast %get3A_1457 : i32 to index
        %get3A_1459 = arith.index_cast %mul3A_1456 : i32 to index
        %get3A_1460 = tpu.vector_load %arg9[%get3A_1458, %get3A_1459] {strides = array<i32>} : memref<16x2048xf32, #tpu.memory_space<vmem>>, vector<16xf32>,
        %mul3A_1461 = vector.broadcast %mul3A_718 : f32 to vector<16xf32>
        %mul3A_1462 = arith.mulf %get3A_1460, %mul3A_1461 : vector<16xf32>
        %mul3A_1463 = arith.mulf %mul3A_1454, %get3A_1446 : vector<16xf32>
        %mul3A_1464 = arith.mulf %mul3A_1462, %get3A_1446 : vector<16xf32>
        %pack3A_1465 = tpu.pack_subelements %mul3A_1463, %mul3A_1464 {pack_format = #tpu.pack_format<interleaved>, positions = array<i32: 0, 1>} : vector<16xf32>, vector<16xf32> -> vector<32xbf16>
        %bitcast3A_1466 = vector.bitcast %pack3A_1465 : vector<32xbf16> to vector<16xi32>
        %mul3A_1467 = arith.constant 16 : i32
        %mul3A_1468 = arith.muli %add3A_1442, %mul3A_1467 : i32
        %swap3A_1469 = arith.constant 0 : i32
        %swap3A_1470 = arith.index_cast %swap3A_1469 : i32 to index
        %swap3A_1471 = arith.index_cast %mul3A_1468 : i32 to index
        %swap3A_1472 = tpu.vector_load %arg11[%swap3A_1470, %swap3A_1471] {strides = array<i32>} : memref<8x2048xi32, #tpu.memory_space<vmem>>, vector<16xi32>,
        tpu.vector_store %arg11[%swap3A_1470, %swap3A_1471], %bitcast3A_1466 {strides = array<i32>} : memref<8x2048xi32, #tpu.memory_space<vmem>>, vector<16xi32>,
        %mul3A_1473 = arith.constant 16 : i32
        %mul3A_1474 = arith.muli %add3A_1442, %mul3A_1473 : i32
        %get3A_1475 = arith.constant 2 : i32
        %get3A_1476 = arith.index_cast %get3A_1475 : i32 to index
        %get3A_1477 = arith.index_cast %mul3A_1474 : i32 to index
        %get3A_1478 = tpu.vector_load %arg9[%get3A_1476, %get3A_1477] {strides = array<i32>} : memref<16x2048xf32, #tpu.memory_space<vmem>>, vector<16xf32>,
        %mul3A_1479 = vector.broadcast %mul3A_753 : f32 to vector<16xf32>
        %mul3A_1480 = arith.mulf %get3A_1478, %mul3A_1479 : vector<16xf32>
        %mul3A_1481 = arith.constant 16 : i32
        %mul3A_1482 = arith.muli %add3A_1442, %mul3A_1481 : i32
        %get3A_1483 = arith.constant 3 : i32
        %get3A_1484 = arith.index_cast %get3A_1483 : i32 to index
        %get3A_1485 = arith.index_cast %mul3A_1482 : i32 to index
        %get3A_1486 = tpu.vector_load %arg9[%get3A_1484, %get3A_1485] {strides = array<i32>} : memref<16x2048xf32, #tpu.memory_space<vmem>>, vector<16xf32>,
        %mul3A_1487 = vector.broadcast %mul3A_788 : f32 to vector<16xf32>
        %mul3A_1488 = arith.mulf %get3A_1486, %mul3A_1487 : vector<16xf32>
        %mul3A_1489 = arith.mulf %mul3A_1480, %get3A_1446 : vector<16xf32>
        %mul3A_1490 = arith.mulf %mul3A_1488, %get3A_1446 : vector<16xf32>
        %pack3A_1491 = tpu.pack_subelements %mul3A_1489, %mul3A_1490 {pack_format = #tpu.pack_format<interleaved>, positions = array<i32: 0, 1>} : vector<16xf32>, vector<16xf32> -> vector<32xbf16>
        %bitcast3A_1492 = vector.bitcast %pack3A_1491 : vector<32xbf16> to vector<16xi32>
        %mul3A_1493 = arith.constant 16 : i32
        %mul3A_1494 = arith.muli %add3A_1442, %mul3A_1493 : i32
        %swap3A_1495 = arith.constant 1 : i32
        %swap3A_1496 = arith.index_cast %swap3A_1495 : i32 to index
        %swap3A_1497 = arith.index_cast %mul3A_1494 : i32 to index
        %swap3A_1498 = tpu.vector_load %arg11[%swap3A_1496, %swap3A_1497] {strides = array<i32>} : memref<8x2048xi32, #tpu.memory_space<vmem>>, vector<16xi32>,
        tpu.vector_store %arg11[%swap3A_1496, %swap3A_1497], %bitcast3A_1492 {strides = array<i32>} : memref<8x2048xi32, #tpu.memory_space<vmem>>, vector<16xi32>,
        %mul3A_1499 = arith.constant 16 : i32
        %mul3A_1500 = arith.muli %add3A_1442, %mul3A_1499 : i32
        %get3A_1501 = arith.constant 4 : i32
        %get3A_1502 = arith.index_cast %get3A_1501 : i32 to index
        %get3A_1503 = arith.index_cast %mul3A_1500 : i32 to index
        %get3A_1504 = tpu.vector_load %arg9[%get3A_1502, %get3A_1503] {strides = array<i32>} : memref<16x2048xf32, #tpu.memory_space<vmem>>, vector<16xf32>,
        %mul3A_1505 = vector.broadcast %mul3A_823 : f32 to vector<16xf32>
        %mul3A_1506 = arith.mulf %get3A_1504, %mul3A_1505 : vector<16xf32>
        %mul3A_1507 = arith.constant 16 : i32
        %mul3A_1508 = arith.muli %add3A_1442, %mul3A_1507 : i32
        %get3A_1509 = arith.constant 5 : i32
        %get3A_1510 = arith.index_cast %get3A_1509 : i32 to index
        %get3A_1511 = arith.index_cast %mul3A_1508 : i32 to index
        %get3A_1512 = tpu.vector_load %arg9[%get3A_1510, %get3A_1511] {strides = array<i32>} : memref<16x2048xf32, #tpu.memory_space<vmem>>, vector<16xf32>,
        %mul3A_1513 = vector.broadcast %mul3A_858 : f32 to vector<16xf32>
        %mul3A_1514 = arith.mulf %get3A_1512, %mul3A_1513 : vector<16xf32>
        %mul3A_1515 = arith.mulf %mul3A_1506, %get3A_1446 : vector<16xf32>
        %mul3A_1516 = arith.mulf %mul3A_1514, %get3A_1446 : vector<16xf32>
        %pack3A_1517 = tpu.pack_subelements %mul3A_1515, %mul3A_1516 {pack_format = #tpu.pack_format<interleaved>, positions = array<i32: 0, 1>} : vector<16xf32>, vector<16xf32> -> vector<32xbf16>
        %bitcast3A_1518 = vector.bitcast %pack3A_1517 : vector<32xbf16> to vector<16xi32>
        %mul3A_1519 = arith.constant 16 : i32
        %mul3A_1520 = arith.muli %add3A_1442, %mul3A_1519 : i32
        %swap3A_1521 = arith.constant 2 : i32
        %swap3A_1522 = arith.index_cast %swap3A_1521 : i32 to index
        %swap3A_1523 = arith.index_cast %mul3A_1520 : i32 to index
        %swap3A_1524 = tpu.vector_load %arg11[%swap3A_1522, %swap3A_1523] {strides = array<i32>} : memref<8x2048xi32, #tpu.memory_space<vmem>>, vector<16xi32>,
        tpu.vector_store %arg11[%swap3A_1522, %swap3A_1523], %bitcast3A_1518 {strides = array<i32>} : memref<8x2048xi32, #tpu.memory_space<vmem>>, vector<16xi32>,
        %mul3A_1525 = arith.constant 16 : i32
        %mul3A_1526 = arith.muli %add3A_1442, %mul3A_1525 : i32
        %get3A_1527 = arith.constant 6 : i32
        %get3A_1528 = arith.index_cast %get3A_1527 : i32 to index
        %get3A_1529 = arith.index_cast %mul3A_1526 : i32 to index
        %get3A_1530 = tpu.vector_load %arg9[%get3A_1528, %get3A_1529] {strides = array<i32>} : memref<16x2048xf32, #tpu.memory_space<vmem>>, vector<16xf32>,
        %mul3A_1531 = vector.broadcast %mul3A_893 : f32 to vector<16xf32>
        %mul3A_1532 = arith.mulf %get3A_1530, %mul3A_1531 : vector<16xf32>
        %mul3A_1533 = arith.constant 16 : i32
        %mul3A_1534 = arith.muli %add3A_1442, %mul3A_1533 : i32
        %get3A_1535 = arith.constant 7 : i32
        %get3A_1536 = arith.index_cast %get3A_1535 : i32 to index
        %get3A_1537 = arith.index_cast %mul3A_1534 : i32 to index
        %get3A_1538 = tpu.vector_load %arg9[%get3A_1536, %get3A_1537] {strides = array<i32>} : memref<16x2048xf32, #tpu.memory_space<vmem>>, vector<16xf32>,
        %mul3A_1539 = vector.broadcast %mul3A_928 : f32 to vector<16xf32>
        %mul3A_1540 = arith.mulf %get3A_1538, %mul3A_1539 : vector<16xf32>
        %mul3A_1541 = arith.mulf %mul3A_1532, %get3A_1446 : vector<16xf32>
        %mul3A_1542 = arith.mulf %mul3A_1540, %get3A_1446 : vector<16xf32>
        %pack3A_1543 = tpu.pack_subelements %mul3A_1541, %mul3A_1542 {pack_format = #tpu.pack_format<interleaved>, positions = array<i32: 0, 1>} : vector<16xf32>, vector<16xf32> -> vector<32xbf16>
        %bitcast3A_1544 = vector.bitcast %pack3A_1543 : vector<32xbf16> to vector<16xi32>
        %mul3A_1545 = arith.constant 16 : i32
        %mul3A_1546 = arith.muli %add3A_1442, %mul3A_1545 : i32
        %swap3A_1547 = arith.constant 3 : i32
        %swap3A_1548 = arith.index_cast %swap3A_1547 : i32 to index
        %swap3A_1549 = arith.index_cast %mul3A_1546 : i32 to index
        %swap3A_1550 = tpu.vector_load %arg11[%swap3A_1548, %swap3A_1549] {strides = array<i32>} : memref<8x2048xi32, #tpu.memory_space<vmem>>, vector<16xi32>,
        tpu.vector_store %arg11[%swap3A_1548, %swap3A_1549], %bitcast3A_1544 {strides = array<i32>} : memref<8x2048xi32, #tpu.memory_space<vmem>>, vector<16xi32>,
        %mul3A_1551 = arith.constant 16 : i32
        %mul3A_1552 = arith.muli %add3A_1442, %mul3A_1551 : i32
        %get3A_1553 = arith.constant 8 : i32
        %get3A_1554 = arith.index_cast %get3A_1553 : i32 to index
        %get3A_1555 = arith.index_cast %mul3A_1552 : i32 to index
        %get3A_1556 = tpu.vector_load %arg9[%get3A_1554, %get3A_1555] {strides = array<i32>} : memref<16x2048xf32, #tpu.memory_space<vmem>>, vector<16xf32>,
        %mul3A_1557 = vector.broadcast %mul3A_963 : f32 to vector<16xf32>
        %mul3A_1558 = arith.mulf %get3A_1556, %mul3A_1557 : vector<16xf32>
        %mul3A_1559 = arith.constant 16 : i32
        %mul3A_1560 = arith.muli %add3A_1442, %mul3A_1559 : i32
        %get3A_1561 = arith.constant 9 : i32
        %get3A_1562 = arith.index_cast %get3A_1561 : i32 to index
        %get3A_1563 = arith.index_cast %mul3A_1560 : i32 to index
        %get3A_1564 = tpu.vector_load %arg9[%get3A_1562, %get3A_1563] {strides = array<i32>} : memref<16x2048xf32, #tpu.memory_space<vmem>>, vector<16xf32>,
        %mul3A_1565 = vector.broadcast %mul3A_998 : f32 to vector<16xf32>
        %mul3A_1566 = arith.mulf %get3A_1564, %mul3A_1565 : vector<16xf32>
        %mul3A_1567 = arith.mulf %mul3A_1558, %get3A_1446 : vector<16xf32>
        %mul3A_1568 = arith.mulf %mul3A_1566, %get3A_1446 : vector<16xf32>
        %pack3A_1569 = tpu.pack_subelements %mul3A_1567, %mul3A_1568 {pack_format = #tpu.pack_format<interleaved>, positions = array<i32: 0, 1>} : vector<16xf32>, vector<16xf32> -> vector<32xbf16>
        %bitcast3A_1570 = vector.bitcast %pack3A_1569 : vector<32xbf16> to vector<16xi32>
        %mul3A_1571 = arith.constant 16 : i32
        %mul3A_1572 = arith.muli %add3A_1442, %mul3A_1571 : i32
        %swap3A_1573 = arith.constant 4 : i32
        %swap3A_1574 = arith.index_cast %swap3A_1573 : i32 to index
        %swap3A_1575 = arith.index_cast %mul3A_1572 : i32 to index
        %swap3A_1576 = tpu.vector_load %arg11[%swap3A_1574, %swap3A_1575] {strides = array<i32>} : memref<8x2048xi32, #tpu.memory_space<vmem>>, vector<16xi32>,
        tpu.vector_store %arg11[%swap3A_1574, %swap3A_1575], %bitcast3A_1570 {strides = array<i32>} : memref<8x2048xi32, #tpu.memory_space<vmem>>, vector<16xi32>,
        %mul3A_1577 = arith.constant 16 : i32
        %mul3A_1578 = arith.muli %add3A_1442, %mul3A_1577 : i32
        %get3A_1579 = arith.constant 10 : i32
        %get3A_1580 = arith.index_cast %get3A_1579 : i32 to index
        %get3A_1581 = arith.index_cast %mul3A_1578 : i32 to index
        %get3A_1582 = tpu.vector_load %arg9[%get3A_1580, %get3A_1581] {strides = array<i32>} : memref<16x2048xf32, #tpu.memory_space<vmem>>, vector<16xf32>,
        %mul3A_1583 = vector.broadcast %mul3A_1033 : f32 to vector<16xf32>
        %mul3A_1584 = arith.mulf %get3A_1582, %mul3A_1583 : vector<16xf32>
        %mul3A_1585 = arith.constant 16 : i32
        %mul3A_1586 = arith.muli %add3A_1442, %mul3A_1585 : i32
        %get3A_1587 = arith.constant 11 : i32
        %get3A_1588 = arith.index_cast %get3A_1587 : i32 to index
        %get3A_1589 = arith.index_cast %mul3A_1586 : i32 to index
        %get3A_1590 = tpu.vector_load %arg9[%get3A_1588, %get3A_1589] {strides = array<i32>} : memref<16x2048xf32, #tpu.memory_space<vmem>>, vector<16xf32>,
        %mul3A_1591 = vector.broadcast %mul3A_1068 : f32 to vector<16xf32>
        %mul3A_1592 = arith.mulf %get3A_1590, %mul3A_1591 : vector<16xf32>
        %mul3A_1593 = arith.mulf %mul3A_1584, %get3A_1446 : vector<16xf32>
        %mul3A_1594 = arith.mulf %mul3A_1592, %get3A_1446 : vector<16xf32>
        %pack3A_1595 = tpu.pack_subelements %mul3A_1593, %mul3A_1594 {pack_format = #tpu.pack_format<interleaved>, positions = array<i32: 0, 1>} : vector<16xf32>, vector<16xf32> -> vector<32xbf16>
        %bitcast3A_1596 = vector.bitcast %pack3A_1595 : vector<32xbf16> to vector<16xi32>
        %mul3A_1597 = arith.constant 16 : i32
        %mul3A_1598 = arith.muli %add3A_1442, %mul3A_1597 : i32
        %swap3A_1599 = arith.constant 5 : i32
        %swap3A_1600 = arith.index_cast %swap3A_1599 : i32 to index
        %swap3A_1601 = arith.index_cast %mul3A_1598 : i32 to index
        %swap3A_1602 = tpu.vector_load %arg11[%swap3A_1600, %swap3A_1601] {strides = array<i32>} : memref<8x2048xi32, #tpu.memory_space<vmem>>, vector<16xi32>,
        tpu.vector_store %arg11[%swap3A_1600, %swap3A_1601], %bitcast3A_1596 {strides = array<i32>} : memref<8x2048xi32, #tpu.memory_space<vmem>>, vector<16xi32>,
        %mul3A_1603 = arith.constant 16 : i32
        %mul3A_1604 = arith.muli %add3A_1442, %mul3A_1603 : i32
        %get3A_1605 = arith.constant 12 : i32
        %get3A_1606 = arith.index_cast %get3A_1605 : i32 to index
        %get3A_1607 = arith.index_cast %mul3A_1604 : i32 to index
        %get3A_1608 = tpu.vector_load %arg9[%get3A_1606, %get3A_1607] {strides = array<i32>} : memref<16x2048xf32, #tpu.memory_space<vmem>>, vector<16xf32>,
        %mul3A_1609 = vector.broadcast %mul3A_1103 : f32 to vector<16xf32>
        %mul3A_1610 = arith.mulf %get3A_1608, %mul3A_1609 : vector<16xf32>
        %mul3A_1611 = arith.constant 16 : i32
        %mul3A_1612 = arith.muli %add3A_1442, %mul3A_1611 : i32
        %get3A_1613 = arith.constant 13 : i32
        %get3A_1614 = arith.index_cast %get3A_1613 : i32 to index
        %get3A_1615 = arith.index_cast %mul3A_1612 : i32 to index
        %get3A_1616 = tpu.vector_load %arg9[%get3A_1614, %get3A_1615] {strides = array<i32>} : memref<16x2048xf32, #tpu.memory_space<vmem>>, vector<16xf32>,
        %mul3A_1617 = vector.broadcast %mul3A_1138 : f32 to vector<16xf32>
        %mul3A_1618 = arith.mulf %get3A_1616, %mul3A_1617 : vector<16xf32>
        %mul3A_1619 = arith.mulf %mul3A_1610, %get3A_1446 : vector<16xf32>
        %mul3A_1620 = arith.mulf %mul3A_1618, %get3A_1446 : vector<16xf32>
        %pack3A_1621 = tpu.pack_subelements %mul3A_1619, %mul3A_1620 {pack_format = #tpu.pack_format<interleaved>, positions = array<i32: 0, 1>} : vector<16xf32>, vector<16xf32> -> vector<32xbf16>
        %bitcast3A_1622 = vector.bitcast %pack3A_1621 : vector<32xbf16> to vector<16xi32>
        %mul3A_1623 = arith.constant 16 : i32
        %mul3A_1624 = arith.muli %add3A_1442, %mul3A_1623 : i32
        %swap3A_1625 = arith.constant 6 : i32
        %swap3A_1626 = arith.index_cast %swap3A_1625 : i32 to index
        %swap3A_1627 = arith.index_cast %mul3A_1624 : i32 to index
        %swap3A_1628 = tpu.vector_load %arg11[%swap3A_1626, %swap3A_1627] {strides = array<i32>} : memref<8x2048xi32, #tpu.memory_space<vmem>>, vector<16xi32>,
        tpu.vector_store %arg11[%swap3A_1626, %swap3A_1627], %bitcast3A_1622 {strides = array<i32>} : memref<8x2048xi32, #tpu.memory_space<vmem>>, vector<16xi32>,
        %mul3A_1629 = arith.constant 16 : i32
        %mul3A_1630 = arith.muli %add3A_1442, %mul3A_1629 : i32
        %get3A_1631 = arith.constant 14 : i32
        %get3A_1632 = arith.index_cast %get3A_1631 : i32 to index
        %get3A_1633 = arith.index_cast %mul3A_1630 : i32 to index
        %get3A_1634 = tpu.vector_load %arg9[%get3A_1632, %get3A_1633] {strides = array<i32>} : memref<16x2048xf32, #tpu.memory_space<vmem>>, vector<16xf32>,
        %mul3A_1635 = vector.broadcast %mul3A_1173 : f32 to vector<16xf32>
        %mul3A_1636 = arith.mulf %get3A_1634, %mul3A_1635 : vector<16xf32>
        %mul3A_1637 = arith.constant 16 : i32
        %mul3A_1638 = arith.muli %add3A_1442, %mul3A_1637 : i32
        %get3A_1639 = arith.constant 15 : i32
        %get3A_1640 = arith.index_cast %get3A_1639 : i32 to index
        %get3A_1641 = arith.index_cast %mul3A_1638 : i32 to index
        %get3A_1642 = tpu.vector_load %arg9[%get3A_1640, %get3A_1641] {strides = array<i32>} : memref<16x2048xf32, #tpu.memory_space<vmem>>, vector<16xf32>,
        %mul3A_1643 = vector.broadcast %mul3A_1208 : f32 to vector<16xf32>
        %mul3A_1644 = arith.mulf %get3A_1642, %mul3A_1643 : vector<16xf32>
        %mul3A_1645 = arith.mulf %mul3A_1636, %get3A_1446 : vector<16xf32>
        %mul3A_1646 = arith.mulf %mul3A_1644, %get3A_1446 : vector<16xf32>
        %pack3A_1647 = tpu.pack_subelements %mul3A_1645, %mul3A_1646 {pack_format = #tpu.pack_format<interleaved>, positions = array<i32: 0, 1>} : vector<16xf32>, vector<16xf32> -> vector<32xbf16>
        %bitcast3A_1648 = vector.bitcast %pack3A_1647 : vector<32xbf16> to vector<16xi32>
        %mul3A_1649 = arith.constant 16 : i32
        %mul3A_1650 = arith.muli %add3A_1442, %mul3A_1649 : i32
        %swap3A_1651 = arith.constant 7 : i32
        %swap3A_1652 = arith.index_cast %swap3A_1651 : i32 to index
        %swap3A_1653 = arith.index_cast %mul3A_1650 : i32 to index
        %swap3A_1654 = tpu.vector_load %arg11[%swap3A_1652, %swap3A_1653] {strides = array<i32>} : memref<8x2048xi32, #tpu.memory_space<vmem>>, vector<16xi32>,
        tpu.vector_store %arg11[%swap3A_1652, %swap3A_1653], %bitcast3A_1648 {strides = array<i32>} : memref<8x2048xi32, #tpu.memory_space<vmem>>, vector<16xi32>,
        %scan3A_1655 = arith.constant 0 : i32
        scf.yield %scan3A_1655 : i32
      }
      %scan3A_1215 = arith.constant 64 : i32
      %mul3A_1216 = arith.constant 16 : i32
      %mul3A_1217 = arith.muli %add3A_623, %mul3A_1216 : i32
      %add3A_1218 = arith.addi %mul3A_2, %mul3A_1217 : i32
      %dma_start3A_1219 = tpu.memref_bitcast %arg11 : memref<8x2048xi32, #tpu.memory_space<vmem>> -> memref<16x2048xbf16, #tpu.memory_space<vmem>>
      %dma_start3A_1220 = arith.constant 0 : i32
      %dma_start3A_1221 = tpu.memref_slice %arg5[%add3A_1218, %dma_start3A_1220] : memref<16384x2048xbf16, #tpu.memory_space<hbm>> -> memref<16x2048xbf16, #tpu.memory_space<hbm>>
      %dma_start3A_1222 = arith.constant 0 : i32
      %dma_start3A_1223 = tpu.memref_slice %arg5[%add3A_1218, %dma_start3A_1222] : memref<16384x2048xbf16, #tpu.memory_space<hbm>> -> memref<16x2048xbf16, #tpu.memory_space<hbm>>
      %dma_start3A_1224 = tpu.memref_bitcast %arg11 : memref<8x2048xi32, #tpu.memory_space<vmem>> -> memref<16x2048xbf16, #tpu.memory_space<vmem>>
      tpu.enqueue_dma source(%dma_start3A_1224 : memref<16x2048xbf16, #tpu.memory_space<vmem>>) target(%dma_start3A_1223 : memref<16x2048xbf16, #tpu.memory_space<hbm>>) target_semaphore(%arg15 : memref<!tpu.dma_semaphore, #tpu.memory_space<semaphore_mem>>)
    }
    %scan3A_11 = arith.constant 16 : i32
    %dma_wait3A = tpu.memref_bitcast %arg10 : memref<8x2048xi32, #tpu.memory_space<vmem>> -> memref<16x2048xbf16, #tpu.memory_space<vmem>>
    %dma_wait3A_12 = arith.constant 0 : i32
    %dma_wait3A_13 = tpu.memref_slice %arg5[%mul3A_2, %dma_wait3A_12] : memref<16384x2048xbf16, #tpu.memory_space<hbm>> -> memref<16x2048xbf16, #tpu.memory_space<hbm>>
    %dma_wait3A_14 = arith.constant 0 : i32
    %dma_wait3A_15 = tpu.memref_slice %arg5[%mul3A_2, %dma_wait3A_14] : memref<16384x2048xbf16, #tpu.memory_space<hbm>> -> memref<16x2048xbf16, #tpu.memory_space<hbm>>
    %dma_wait3A_16 = tpu.memref_bitcast %arg10 : memref<8x2048xi32, #tpu.memory_space<vmem>> -> memref<16x2048xbf16, #tpu.memory_space<vmem>>
    tpu.wait_dma2 semaphore(%arg14 : memref<!tpu.dma_semaphore, #tpu.memory_space<semaphore_mem>>) src(%dma_wait3A_16 : memref<16x2048xbf16, #tpu.memory_space<vmem>>) dst(%dma_wait3A_15 : memref<16x2048xbf16, #tpu.memory_space<hbm>>)
    %dma_wait3A_17 = tpu.memref_bitcast %arg11 : memref<8x2048xi32, #tpu.memory_space<vmem>> -> memref<16x2048xbf16, #tpu.memory_space<vmem>>
    %dma_wait3A_18 = arith.constant 0 : i32
    %dma_wait3A_19 = tpu.memref_slice %arg5[%mul3A_2, %dma_wait3A_18] : memref<16384x2048xbf16, #tpu.memory_space<hbm>> -> memref<16x2048xbf16, #tpu.memory_space<hbm>>
    %dma_wait3A_20 = arith.constant 0 : i32
    %dma_wait3A_21 = tpu.memref_slice %arg5[%mul3A_2, %dma_wait3A_20] : memref<16384x2048xbf16, #tpu.memory_space<hbm>> -> memref<16x2048xbf16, #tpu.memory_space<hbm>>
    %dma_wait3A_22 = tpu.memref_bitcast %arg11 : memref<8x2048xi32, #tpu.memory_space<vmem>> -> memref<16x2048xbf16, #tpu.memory_space<vmem>>
    tpu.wait_dma2 semaphore(%arg15 : memref<!tpu.dma_semaphore, #tpu.memory_space<semaphore_mem>>) src(%dma_wait3A_22 : memref<16x2048xbf16, #tpu.memory_space<vmem>>) dst(%dma_wait3A_21 : memref<16x2048xbf16, #tpu.memory_space<hbm>>)
    return
  }
}

</mosaic_0001>

<sc_bundles>
// kernel: kernel.3.cloned.1.call-start
scs
__scs_entry_jumppad:
0x0: {  	(pc) =	sbr.rel $0x88, $3  }
0x1: {  	(tag) =	ssettag $0x0;
	lr =	simm.s32 $0x1  }
0x2: {  	[smem:$0x3F9E] =	sst lr;
	_ =	strace $0xD0000000  }
0x3: {  	_ = 	snop  }
0x4: {  	_ = 	snop  }
0x5: {  	_ = 	snop  }
0x6: {  	_ = 	snop  }
0x7: {  	_ = 	snop  }
__scs_overlays_trampoline_lowered:
0x8: {  	[smem:$0x3FAD] =	sst s0  }
0x9: {  	[smem:$0x3FAE] =	sst s1  }
0xa: {  	[smem:$0x3FAF] =	sst s2  }
0xb: {  	[smem:$0x3FB0] =	sst s3  }
0xc: {  	[smem:$0x3FB1] =	sst s4  }
0xd: {  	[smem:$0x3FB2] =	sst s5  }
0xe: {  	[smem:$0x3FB3] =	sst s6  }
0xf: {  	[smem:$0x3FB4] =	sst s7  }
0x10: {  	[smem:$0x3FB5] =	sst s8  }
0x11: {  	[smem:$0x3FB6] =	sst s9;
	s0 =	simm.s32 @!p0 $0x0  }
0x12: {  	s1 =	sld [smem:$0x3F9C];
	s0 =	simm.s32 @p0 $0x1  }
0x13: {  	[smem:$0x3FB7] =	sst s0;
	s0 =	simm.s32 @!p1 $0x0  }
0x14: {  	s2 =	sld [smem:$0x3F9B];
	s0 =	simm.s32 @p1 $0x1  }
0x15: {  	[smem:$0x3FB8] =	sst s0;
	s0 =	simm.s32 @!p2 $0x0  }
0x16: {  	s3 =	sld [smem:$0x3FDB];
	s0 =	simm.s32 @p2 $0x1  }
0x17: {  	s4 =	simm.s32 $0x1BF5;
	[smem:$0x3FBA] =	sst s0  }
0x18: {  	s0 =	sld [smem:$0x3F9D];
	_ =	swait.ge [sflag:s4], $0x0  }
0x19: {  	s7 =	sld [smem:$0x3F9E]  }
0x1a: {  	s8 =	sadd.s32 $0xFFFFE003, lr  }
0x1b: {  	s9 =	sadd.s32 $0xFFFFFEF7, lr;
	s5 =	simm.s32 $0xFFFFFFFF;
	p2 =	slt.u32 s8, $0xFFFFF086  }
0x1c: {  	p1 =	slt.u32 s9, $0xF7A;
	s5 =	simm.s32 @!p2 $0x0  }
0x1d: {  	s5 =	simm.s32 @p1 $0x1;
	p0 =	seq.s32 s7, s2  }
0x1e: {  	s7 =	smul.u32 @!p0 $0xF7A, s2;
	p2 =	seq.s32 @!p0 s5, $0x0  }
0x1f: {  	s9 =	smul.u32 $0xF7A, s1;
	s8 =	simm.s32 @!p0 $0x1BF5;
	p2 =	por !p2, p0  }
0x20: {  	[sflag:s8] =	ssyncset.s32 @!p0 $0xFFFFF086;
	s6 =	sadd.s32 @!p0 s3, s7;
	s7 =	simm.s32 @!p0 $0x108  }
0x21: {  	s3 =	sadd.s32 s3, s9;
	s6 =	sadd.s32 @!p0 $0x88, s6;
	s7 =	simm.s32 @p2 $0x1082  }
0x22: {  	[simem:s7], [sflag:s8] =	dma.local @!p0 [hbm:s6], $0xF7A  }
0x23: {  	s9 =	sor.u32 $0xD0000000, s2;
	s6 =	simm.s32 $0x108;
	_ =	swait.ge @!p0 [sflag:s8], $0x0  }
0x24: {  	s3 =	sadd.s32 $0x88, s3;
	s6 =	simm.s32 @!p1 $0x1082;
	[sflag:s4] =	ssyncset.s32 $0xFFFFF086  }
0x25: {  	[simem:s6], [sflag:s4] =	dma.local [hbm:s3], $0xF7A  }
0x26: {  	[smem:$0x3F9E] =	sst s1;
	(tag) =	ssettag s2;
	_ =	strace s9  }
0x27: {  	s1 =	sld [smem:$0x3FAE]  }
0x28: {  	s2 =	sld [smem:$0x3FAF]  }
0x29: {  	s4 =	sld [smem:$0x3FB1]  }
0x2a: {  	p0 =	seq.s32 s5, $0x0;
	s5 =	sld [smem:$0x3FB2]  }
0x2b: {  	s6 =	sld [smem:$0x3FB3]  }
0x2c: {  	s7 =	sld [smem:$0x3FB4]  }
0x2d: {  	s3 =	simm.s32 $0x108;
	s8 =	sld [smem:$0x3FB5]  }
0x2e: {  	s3 =	simm.s32 @!p0 $0x1082;
	s9 =	sld [smem:$0x3FB6]  }
0x2f: {  	lr =	sadd.s32 s0, s3;
	s0 =	sld [smem:$0x3FAD]  }
0x30: {  	s3 =	sld [smem:$0x3FB0]  }
0x31: {  	[smem:$0x3FB9] =	sst s10  }
0x32: {  	s10 =	sld [smem:$0x3FB7];
	_ =	sdelay $0x3  }
0x33: {  	p0 =	seq.s32 s10, $0x1;
	s10 =	sld [smem:$0x3FB9];
	_ =	sdelay $0x3  }
0x34: {  	[smem:$0x3FB9] =	sst s10  }
0x35: {  	s10 =	sld [smem:$0x3FB8];
	_ =	sdelay $0x3  }
0x36: {  	p1 =	seq.s32 s10, $0x1;
	s10 =	sld [smem:$0x3FB9];
	_ =	sdelay $0x3  }
0x37: {  	[smem:$0x3FB9] =	sst s10  }
0x38: {  	s10 =	sld [smem:$0x3FBA]  }
0x39: {  	_ = 	snop;
	(pc) =	sbr.ind lr, $3  }
0x3a: {  	_ = 	snop  }
0x3b: {  	_ = 	snop  }
0x3c: {  	p2 =	seq.s32 s10, $0x1;
	s10 =	sld [smem:$0x3FB9]  }
0x3d: {  	_ =	shalt  }
0x3e: {  	_ =	shalt  }
0x3f: {  	_ =	shalt  }
0x40: {  	_ =	shalt  }
0x41: {  	_ =	shalt  }
0x42: {  	_ =	shalt  }
0x43: {  	_ =	shalt  }
0x44: {  	_ =	shalt  }
0x45: {  	_ =	shalt  }
0x46: {  	_ =	shalt  }
0x47: {  	_ =	shalt  }
0x48: {  	_ =	shalt  }
0x49: {  	_ =	shalt  }
0x4a: {  	_ =	shalt  }
0x4b: {  	_ =	shalt  }
0x4c: {  	_ =	shalt  }
0x4d: {  	_ =	shalt  }
0x4e: {  	_ =	shalt  }
0x4f: {  	_ =	shalt  }
0x50: {  	_ =	shalt  }
0x51: {  	_ =	shalt  }
0x52: {  	_ =	shalt  }
0x53: {  	_ =	shalt  }
0x54: {  	_ =	shalt  }
0x55: {  	_ =	shalt  }
0x56: {  	_ =	shalt  }
0x57: {  	_ =	shalt  }
0x58: {  	_ =	shalt  }
0x59: {  	_ =	shalt  }
0x5a: {  	_ =	shalt  }
0x5b: {  	_ =	shalt  }
0x5c: {  	_ =	shalt  }
0x5d: {  	_ =	shalt  }
0x5e: {  	_ =	shalt  }
0x5f: {  	_ =	shalt  }
0x60: {  	_ =	shalt  }
0x61: {  	_ =	shalt  }
0x62: {  	_ =	shalt  }
0x63: {  	_ =	shalt  }
0x64: {  	_ =	shalt  }
0x65: {  	_ =	shalt  }
0x66: {  	_ =	shalt  }
0x67: {  	_ =	shalt  }
0x68: {  	_ =	shalt  }
0x69: {  	_ =	shalt  }
0x6a: {  	_ =	shalt  }
0x6b: {  	_ =	shalt  }
0x6c: {  	_ =	shalt  }
0x6d: {  	_ =	shalt  }
0x6e: {  	_ =	shalt  }
0x6f: {  	_ =	shalt  }
0x70: {  	_ =	shalt  }
0x71: {  	_ =	shalt  }
0x72: {  	_ =	shalt  }
0x73: {  	_ =	shalt  }
0x74: {  	_ =	shalt  }
0x75: {  	_ =	shalt  }
0x76: {  	_ =	shalt  }
0x77: {  	_ =	shalt  }
0x78: {  	_ =	shalt  }
0x79: {  	_ =	shalt  }
0x7a: {  	_ =	shalt  }
0x7b: {  	_ =	shalt  }
0x7c: {  	_ =	shalt  }
0x7d: {  	_ =	shalt  }
0x7e: {  	_ =	shalt  }
0x7f: {  	_ =	shalt  }
0x80: {  	_ =	shalt  }
0x81: {  	_ =	shalt  }
0x82: {  	_ =	shalt  }
0x83: {  	_ =	shalt  }
0x84: {  	_ =	shalt  }
0x85: {  	_ =	shalt  }
0x86: {  	_ =	shalt  }
0x87: {  	_ =	shalt  }
.Lfunc_end0:
.L_simem_size_0:
called_computation_lowered:
.L_overlay_start_0:
0x88: {  	s2 =	sld [smem:$0x3FD9]  }
0x89: {  	s3 =	sld [smem:$0x3FFE];
	_ =	sdelay $0x1  }
0x8a: {  	s1 =	srdreg.scid  }
0x8b: {  	s0 =	sand.u32 $0x1, s1  }
0x8c: {  	s17 =	sshll.u32 s0, $0xA;
	s2 =	sadd.s32 s3, s2  }
0x8d: {  	s2 =	sadd.s32 s2, s17  }
0x8e: {  	[smem:$0x3FC5] =	sst s2  }
0x8f: {  	_ = 	snop  }
0x90: {  	s2 =	sld [smem:$0x3FC8]  }
0x91: {  	s18 =	sld [smem:$0x3FC7]  }
0x92: {  	s4 =	sld [smem:$0x3FD0];
	(tm) =	ssettm $0x1  }
0x93: {  	s5 =	sld [smem:$0x3FFB];
	_ =	sdelay $0x3  }
0x94: {  	_ =	strace s5  }
0x95: {  	s5 =	sld [smem:$0x3FFC];
	_ =	sdelay $0x3  }
0x96: {  	_ =	strace s5  }
0x97: {  	s5 =	sld [smem:$0x3FFD];
	_ =	sdelay $0x3  }
0x98: {  	_ =	strace s5  }
0x99: {  	_ =	strace $0x8FFFFFFF  }
0x9a: {  	s19 =	sld [smem:$0x3FDB];
	_ =	sdelay $0x1  }
0x9b: {  	s6 =	simm.s32 $_scs_section_size  }
0x9c: {  	s7 =	simm.s32 $_size__tile_overlayer_lowered;
	s8 =	simm.s32 $_tile_overlayer_lowered  }
0x9d: {  	s22 =	simm.s32 $0x1BFF;
	s21 =	sshll.u32 s8, $0x1;
	s5 =	sadd.s32 s6, s19  }
0x9e: {  	s9 =	simm.s32 $0x0;
	s20 =	sshll.u32 s7, $0x1;
	s7 =	sadd.s32 s21, s5  }
0x9f: {  	[timem:s9], [sflag:s22] =	dma.local [hbm:s7], s20  }
0xa0: {  	_ =	swait.ge [sflag:s22], s20  }
0xa1: {  	s6 =	ssub.s32 $0x0, s20;
	[sflag:s22] =	ssyncset.done $0x0  }
0xa2: {  	[sflag:s22] =	ssyncadd.s32 s6;
	_ =	sdelay $0x1  }
0xa3: {  	s23 =	simm.s32 $0x1B8B  }
0xa4: {  	_ =	swait.ge [sflag:s23], $0x1  }
0xa5: {  	[sflag:s23] =	ssyncset.done $0x0  }
0xa6: {  	s25 =	simm.s32 $0x1B8E;
	s24 =	sld [smem:$0x3FFE];
	[sflag:s23] =	ssyncadd.s32 $0xFFFFFFFF  }
0xa7: {  	s26 =	simm.s32 $execute0_lowered;
	[smem:$0x3FD2] =	sst s25  }
0xa8: {  	s7 =	sshll.u32 s26, $0x1;
	_ =	strace $0x80000046;
	[dreg:$0x1] =	wrdreg $0xFFFFFFFF  }
0xa9: {  	s28 =	simm.s32 $_size_execute0_lowered;
	s5 =	sadd.s32 s5, s7;
	[dreg:$0x0] =	wrdreg $0x0  }
0xaa: {  	s7 =	sshll.u32 s28, $0x1;
	[dreg:$0x2] =	wrdreg s5  }
0xab: {  	[dreg:$0x3] =	wrdreg s7  }
0xac: {  	[dreg:$0x4] =	wrdreg $0xC0  }
0xad: {  	_ =	task [dreg:s9], $0x5FFFF  }
0xae: {  	[dreg:$0x1] =	wrdreg $0xFFFFFFFF  }
0xaf: {  	[dreg:$0x0] =	wrdreg $0x60  }
0xb0: {  	[dreg:$0x2] =	wrdreg s24  }
0xb1: {  	[dreg:$0x3] =	wrdreg s2  }
0xb2: {  	[dreg:$0x4] =	wrdreg s18  }
0xb3: {  	[dreg:$0x5] =	wrdreg s4  }
0xb4: {  	[dreg:$0x6] =	wrdreg $0x9  }
0xb5: {  	_ =	task.clear_ibuf [dreg:s9], $0x7FFFF;
	_ =	strace $0x90000046  }
0xb6: {  	s29 =	simm.s32 $0x9;
	_ =	strace $0x80000048  }
0xb7: {  	_ =	swait.ge [sflag:s29], $0x1  }
0xb8: {  	[sflag:s29] =	ssyncadd.s32 $0xFFFFFFFF  }
0xb9: {  	_ =	strace $0x90000048  }
0xba: {  	_ =	sfence  }
0xbb: {  	s30 =	sld [smem:$0x0];
	_ =	sdelay $0x2  }
0xbc: {  	s31 =	sshll.u32 s1, $0xD;
	s1 =	sshrl.u32 s1, $0x2  }
0xbd: {  	s3 =	sand.u32 $0x4000, s31;
	s1 =	sadd.s32 s1, s30  }
0xbe: {  	s0 =	sor.u32 s3, s0;
	s1 =	sshll.u32 s1, $0x11  }
0xbf: {  	s0 =	sor.u32 s1, s0  }
0xc0: {  	s0 =	sadd.s32 $0x8F2B, s0  }
0xc1: {  	[sflag:s0] =	ssyncadd.remote.s32 $0x1  }
0xc2: {  	_ =	sfence.sel $0xFFFF  }
0xc3: {  	[dreg:$0x0] =	wrdreg $0xFFFFFFFF;
	(pc) =	sbr.abs _section_cstart, $3  }
0xc4: {  	[dreg:$0x1] =	wrdreg $0xFFFFFFFF  }
0xc5: {  	_ =	task.clear_ibuf [dreg:s9], $0x2FFFF;
	_ =	strace $0x9FFFFFFF  }
0xc6: {  	(tm) =	ssettm $0x7FFFFFFF  }
0xc7: {  	_ =	shalt  }
tec
execute0_lowered:
.L_overlay_start_1:
0x0: {  	(tag) =	ssettag $0x1  }
0x1: {  	s0 =	rddreg [dreg:$0x0]  }
0x2: {  	s4 =	rddreg [dreg:$0x1];
	s1 =	srdreg.scid  }
0x3: {  	s3 =	stileid.u32;
	s2 =	rddreg [dreg:$0x3]  }
0x4: {  	s6 =	simm.s32 $0x0;
	s1 =	sand.u32 $0x1, s1;
	s3 =	sshll.u32 s3, $0xA  }
0x5: {  	[smem:$0x7FF] =	sst s6;
	s22 =	sadd.s32 $0x100, s4;
	s23 =	sadd.s32 $0x200, s4  }
0x6: {  	s24 =	sadd.s32 $0x300, s4;
	_ =	strace $0x80000047;
	[dreg:$0x6] =	wrdreg s22  }
0x7: {  	s25 =	sadd.s32 $0x400, s4;
	s26 =	sadd.s32 $0x500, s4;
	[dreg:$0x7] =	wrdreg s23  }
0x8: {  	s28 =	sadd.s32 $0x600, s4;
	s30 =	sadd.s32 $0x700, s4;
	[dreg:$0x8] =	wrdreg s24  }
0x9: {  	s5 =	sshll.u32 s1, $0x9;
	s1 =	ssub.s32 $0x2, s1;
	[dreg:$0x9] =	wrdreg s25  }
0xa: {  	[dreg:$0xa] =	wrdreg s26;
	s3 =	sor.u32 s5, s3;
	s21 =	sshrl.u32 s1, $0x1  }
0xb: {  	[dreg:$0xb] =	wrdreg s28;
	s5 =	sshrl.u32 s3, $0x3;
	s1 =	ssub.s32 s1, s21  }
0xc: {  	[dreg:$0xc] =	wrdreg s30;
	s0 =	sadd.s32 s5, s0;
	s31 =	smax.u32 s1, $0x1  }
0xd: {  	v2 =	vlaneseq.u32;
	s29 =	sshll.u32 s3, $0x7;
	s0 =	sadd.s32 $0x400, s0;
	[dreg:$0xe] =	wrdreg s31  }
0xe: {  	s16 =	simm.s32 $0x200;
	vm0 =	vmmov $0xffff;
	v1 =	vshrl.u32 v2, $0x3;
	[dreg:$0x5] =	wrdreg s0;
	s0 =	sadd.s32 s2, s29  }
0xf: {  	v0 =	vand.u32 $0x7, v2;
	v2 =	vor.u32 $0x8, v2;
	v1 =	vmul.u32 $0x8, v1;
	s5 =	simm.s32 $0x2000;
	s2 =	simm.s32 $0x0;
	[dreg:$0xd] =	wrdreg s0  }
.LBB2_1:
0x10: {  	[dreg:$0xf] =	wrdreg s2  }
0x11: {  	s1 =	simm.s32 $0x0;
	s0 =	rddreg [dreg:$0x5];
	s11 =	simm.s32 $0x5  }
0x12: {  	[tilespmem:s1], [sflag:$0x5] =	stream.linear.gather [hbm4b:s0+s1], $0x200, $0x38;
	[tilespmem:$0x18A00] =	vst v63  }
0x13: {  	_ =	swait.ge [sflag:s11], $0x200  }
0x14: {  	[sflag:s11] =	ssyncset.done $0x0  }
0x15: {  	[sflag:s11] =	ssyncadd.s32 $0xFFFFFE00  }
0x16: {  	s12 =	rddreg [dreg:$0x2]  }
0x17: {  	[tilespmem:s16], [sflag:$0x5] =	stream.linear.gather [hbm4b:s12+s1], $0x800, $0x38;
	[tilespmem:$0x18A00] =	vst v63  }
0x18: {  	_ =	swait.ge [sflag:s11], $0x800  }
0x19: {  	[sflag:s11] =	ssyncset.done $0x0  }
0x1a: {  	[sflag:s11] =	ssyncadd.s32 $0xFFFFF800  }
0x1b: {  	v3 =	vld [tilespmem:$0x0];
	_ =	sdelay $0x4  }
0x1c: {  	v4 =	vshll.u32 v3, $0x4  }
0x1d: {  	v3 =	vand.u32 $0x7, v3;
	v4 =	vand.u32 $0xFFFFFF80, v4  }
0x1e: {  	v3 =	vor.u32 v3, v4  }
0x1f: {  	v4 =	vperm.xlane v3, v0;
	_ =	sdelay $0x1  }
0x20: {  	v4 =	vadd.s32 v1, v4;
	_ =	sdelay $0x3  }
0x21: {  	s13 =	simm.s32 $0xA00  }
0x22: {  	[tilespmem:s13], [sflag:$0x1] =	stream.indirect_vreg.gather [hbm4b:s4+s1], $0x80, v4, vm0, $0xb8;
	[tilespmem:$0x18A00] =	vst v63  }
0x23: {  	s15 =	simm.s32 $0x1200;
	s14 =	rddreg [dreg:$0x6]  }
0x24: {  	[tilespmem:s15], [sflag:$0x1] =	stream.indirect_vreg.gather [hbm4b:s14+s1], $0x80, v4, vm0, $0xb8;
	[tilespmem:$0x18A00] =	vst v63  }
0x25: {  	s3 =	simm.s32 $0x1A00;
	s17 =	rddreg [dreg:$0x7]  }
0x26: {  	[tilespmem:s3], [sflag:$0x1] =	stream.indirect_vreg.gather [hbm4b:s17+s1], $0x80, v4, vm0, $0xb8;
	[tilespmem:$0x18A00] =	vst v63  }
0x27: {  	s6 =	simm.s32 $0x2200;
	s18 =	rddreg [dreg:$0x8]  }
0x28: {  	[tilespmem:s6], [sflag:$0x1] =	stream.indirect_vreg.gather [hbm4b:s18+s1], $0x80, v4, vm0, $0xb8;
	[tilespmem:$0x18A00] =	vst v63  }
0x29: {  	s7 =	simm.s32 $0x2A00;
	s19 =	rddreg [dreg:$0x9]  }
0x2a: {  	[tilespmem:s7], [sflag:$0x1] =	stream.indirect_vreg.gather [hbm4b:s19+s1], $0x80, v4, vm0, $0xb8;
	[tilespmem:$0x18A00] =	vst v63  }
0x2b: {  	s8 =	simm.s32 $0x3200;
	s20 =	rddreg [dreg:$0xa];
	v3 =	vperm.xlane v3, v2  }
0x2c: {  	[tilespmem:s8], [sflag:$0x1] =	stream.indirect_vreg.gather [hbm4b:s20+s1], $0x80, v4, vm0, $0xb8;
	[tilespmem:$0x18A00] =	vst v63  }
0x2d: {  	s9 =	simm.s32 $0x3A00;
	s21 =	rddreg [dreg:$0xb];
	v3 =	vadd.s32 v1, v3  }
0x2e: {  	[tilespmem:s9], [sflag:$0x1] =	stream.indirect_vreg.gather [hbm4b:s21+s1], $0x80, v4, vm0, $0xb8;
	[tilespmem:$0x18A00] =	vst v63  }
0x2f: {  	s10 =	simm.s32 $0x4200;
	s22 =	rddreg [dreg:$0xc]  }
0x30: {  	[tilespmem:s10], [sflag:$0x1] =	stream.indirect_vreg.gather [hbm4b:s22+s1], $0x80, v4, vm0, $0xb8;
	[tilespmem:$0x18A00] =	vst v63  }
0x31: {  	s23 =	simm.s32 $0x4A00  }
0x32: {  	[tilespmem:s23], [sflag:$0x1] =	stream.indirect_vreg.gather [hbm4b:s4+s1], $0x80, v3, vm0, $0xb8;
	[tilespmem:$0x18A00] =	vst v63  }
0x33: {  	s24 =	simm.s32 $0x5200  }
0x34: {  	[tilespmem:s24], [sflag:$0x1] =	stream.indirect_vreg.gather [hbm4b:s14+s1], $0x80, v3, vm0, $0xb8;
	[tilespmem:$0x18A00] =	vst v63  }
0x35: {  	s25 =	simm.s32 $0x5A00  }
0x36: {  	[tilespmem:s25], [sflag:$0x1] =	stream.indirect_vreg.gather [hbm4b:s17+s1], $0x80, v3, vm0, $0xb8;
	[tilespmem:$0x18A00] =	vst v63  }
0x37: {  	s26 =	simm.s32 $0x6200  }
0x38: {  	[tilespmem:s26], [sflag:$0x1] =	stream.indirect_vreg.gather [hbm4b:s18+s1], $0x80, v3, vm0, $0xb8;
	[tilespmem:$0x18A00] =	vst v63  }
0x39: {  	s28 =	simm.s32 $0x6A00  }
0x3a: {  	[tilespmem:s28], [sflag:$0x1] =	stream.indirect_vreg.gather [hbm4b:s19+s1], $0x80, v3, vm0, $0xb8;
	[tilespmem:$0x18A00] =	vst v63  }
0x3b: {  	s29 =	simm.s32 $0x7200  }
0x3c: {  	[tilespmem:s29], [sflag:$0x1] =	stream.indirect_vreg.gather [hbm4b:s20+s1], $0x80, v3, vm0, $0xb8;
	[tilespmem:$0x18A00] =	vst v63  }
0x3d: {  	s30 =	simm.s32 $0x7A00  }
0x3e: {  	[tilespmem:s30], [sflag:$0x1] =	stream.indirect_vreg.gather [hbm4b:s21+s1], $0x80, v3, vm0, $0xb8;
	[tilespmem:$0x18A00] =	vst v63  }
0x3f: {  	s31 =	simm.s32 $0x8200;
	s0 =	simm.s32 $0x0  }
0x40: {  	[tilespmem:s31], [sflag:$0x1] =	stream.indirect_vreg.gather [hbm4b:s22+s1], $0x80, v3, vm0, $0xb8;
	[tilespmem:$0x18A00] =	vst v63  }
.LBB2_2:
0x41: {  	s2 =	simm.s32 $0x1  }
0x42: {  	s1 =	sshllo.u32 s0, $0x1;
	_ =	swait.ge [sflag:s2], $0x8000  }
0x43: {  	[dreg:$0x10] =	wrdreg s1;
	s1 =	sshll.u32 s1, $0x4;
	[sflag:s2] =	ssyncset.done $0x0  }
0x44: {  	s1 =	sand.u32 $0x3FFFFFF0, s1;
	[sflag:s2] =	ssyncadd.s32 $0xFFFF8000  }
0x45: {  	v3 =	vld [tilespmem:s1+$0x0];
	_ =	sdelay $0x4  }
0x46: {  	v4 =	vshll.u32 v3, $0x4  }
0x47: {  	v3 =	vand.u32 $0x7, v3;
	v4 =	vand.u32 $0xFFFFFF80, v4  }
0x48: {  	v3 =	vor.u32 v3, v4  }
0x49: {  	v4 =	vperm.xlane v3, v0;
	_ =	sdelay $0x1  }
0x4a: {  	v4 =	vadd.s32 v1, v4;
	_ =	sdelay $0x3  }
0x4b: {  	s29 =	simm.s32 $0x0;
	s30 =	simm.s32 $0x8A00  }
0x4c: {  	[tilespmem:s30], [sflag:$0x2] =	stream.indirect_vreg.gather [hbm4b:s4+s29], $0x80, v4, vm0, $0xb8;
	[tilespmem:$0x18A00] =	vst v63  }
0x4d: {  	s3 =	simm.s32 $0x9200;
	s31 =	rddreg [dreg:$0x6]  }
0x4e: {  	[tilespmem:s3], [sflag:$0x2] =	stream.indirect_vreg.gather [hbm4b:s31+s29], $0x80, v4, vm0, $0xb8;
	[tilespmem:$0x18A00] =	vst v63  }
0x4f: {  	s6 =	simm.s32 $0x9A00;
	s12 =	rddreg [dreg:$0x7]  }
0x50: {  	[tilespmem:s6], [sflag:$0x2] =	stream.indirect_vreg.gather [hbm4b:s12+s29], $0x80, v4, vm0, $0xb8;
	[tilespmem:$0x18A00] =	vst v63  }
0x51: {  	s7 =	simm.s32 $0xA200;
	s13 =	rddreg [dreg:$0x8]  }
0x52: {  	[tilespmem:s7], [sflag:$0x2] =	stream.indirect_vreg.gather [hbm4b:s13+s29], $0x80, v4, vm0, $0xb8;
	[tilespmem:$0x18A00] =	vst v63  }
0x53: {  	s8 =	simm.s32 $0xAA00;
	s14 =	rddreg [dreg:$0x9]  }
0x54: {  	[tilespmem:s8], [sflag:$0x2] =	stream.indirect_vreg.gather [hbm4b:s14+s29], $0x80, v4, vm0, $0xb8;
	[tilespmem:$0x18A00] =	vst v63  }
0x55: {  	s9 =	simm.s32 $0xB200;
	s15 =	rddreg [dreg:$0xa];
	v3 =	vperm.xlane v3, v2  }
0x56: {  	[tilespmem:s9], [sflag:$0x2] =	stream.indirect_vreg.gather [hbm4b:s15+s29], $0x80, v4, vm0, $0xb8;
	[tilespmem:$0x18A00] =	vst v63  }
0x57: {  	s10 =	simm.s32 $0xBA00;
	s17 =	rddreg [dreg:$0xb];
	v3 =	vadd.s32 v1, v3  }
0x58: {  	[tilespmem:s10], [sflag:$0x2] =	stream.indirect_vreg.gather [hbm4b:s17+s29], $0x80, v4, vm0, $0xb8;
	[tilespmem:$0x18A00] =	vst v63  }
0x59: {  	s11 =	simm.s32 $0xC200;
	s18 =	rddreg [dreg:$0xc]  }
0x5a: {  	[tilespmem:s11], [sflag:$0x2] =	stream.indirect_vreg.gather [hbm4b:s18+s29], $0x80, v4, vm0, $0xb8;
	[tilespmem:$0x18A00] =	vst v63  }
0x5b: {  	s19 =	simm.s32 $0xCA00  }
0x5c: {  	[tilespmem:s19], [sflag:$0x2] =	stream.indirect_vreg.gather [hbm4b:s4+s29], $0x80, v3, vm0, $0xb8;
	[tilespmem:$0x18A00] =	vst v63  }
0x5d: {  	s20 =	simm.s32 $0xD200  }
0x5e: {  	[tilespmem:s20], [sflag:$0x2] =	stream.indirect_vreg.gather [hbm4b:s31+s29], $0x80, v3, vm0, $0xb8;
	[tilespmem:$0x18A00] =	vst v63  }
0x5f: {  	s21 =	simm.s32 $0xDA00  }
0x60: {  	[tilespmem:s21], [sflag:$0x2] =	stream.indirect_vreg.gather [hbm4b:s12+s29], $0x80, v3, vm0, $0xb8;
	[tilespmem:$0x18A00] =	vst v63  }
0x61: {  	s22 =	simm.s32 $0xE200  }
0x62: {  	[tilespmem:s22], [sflag:$0x2] =	stream.indirect_vreg.gather [hbm4b:s13+s29], $0x80, v3, vm0, $0xb8;
	[tilespmem:$0x18A00] =	vst v63  }
0x63: {  	s23 =	simm.s32 $0xEA00  }
0x64: {  	[tilespmem:s23], [sflag:$0x2] =	stream.indirect_vreg.gather [hbm4b:s14+s29], $0x80, v3, vm0, $0xb8;
	[tilespmem:$0x18A00] =	vst v63  }
0x65: {  	s24 =	simm.s32 $0xF200  }
0x66: {  	[tilespmem:s24], [sflag:$0x2] =	stream.indirect_vreg.gather [hbm4b:s15+s29], $0x80, v3, vm0, $0xb8;
	[tilespmem:$0x18A00] =	vst v63  }
0x67: {  	s25 =	simm.s32 $0xFA00;
	p0 =	seq.s32 s0, $0x0;
	s2 =	simm.s32 $0x0  }
0x68: {  	[tilespmem:s25], [sflag:$0x2] =	stream.indirect_vreg.gather [hbm4b:s17+s29], $0x80, v3, vm0, $0xb8;
	[tilespmem:$0x18A00] =	vst v63  }
0x69: {  	s26 =	simm.s32 $0x10200;
	s1 =	simm.s32 @!p0 $0x3;
	s28 =	sand.u32 $0x7, s2  }
0x6a: {  	[tilespmem:s26], [sflag:$0x2] =	stream.indirect_vreg.gather [hbm4b:s18+s29], $0x80, v3, vm0, $0xb8;
	[tilespmem:$0x18A00] =	vst v63  }
0x6b: {  	s3 =	sshll.u32 s28, $0x4;
	_ =	swait.ge @!p0 [sflag:s1], $0x4000  }
0x6c: {  	s30 =	sand.u32 $0x70, s2;
	s29 =	sadd.s32 $0x0, s3;
	[sflag:s1] =	ssyncset.done @!p0 $0x0  }
0x6d: {  	s31 =	sand.u32 $0x3C00, s2;
	[sflag:s1] =	ssyncadd.s32 @!p0 $0xFFFFC000;
	s1 =	sor.u32 $0x380, s29  }
0x6e: {  	s15 =	sor.u32 s30, s31;
	v3 =	vld [tilespmem:s1+$0xA00]  }
0x6f: {  	v4 =	vld [tilespmem:s15+$0xA00]  }
0x70: {  	v5 =	vld [tilespmem:s15+$0xA80]  }
0x71: {  	v6 =	vld [tilespmem:s15+$0xB00]  }
0x72: {  	v9 =	vld [tilespmem:s15+$0xC80]  }
0x73: {  	v10 =	vld [tilespmem:s15+$0xD00]  }
0x74: {  	v7 =	vld [tilespmem:s15+$0xB80]  }
0x75: {  	v8 =	vld [tilespmem:s15+$0xC00]  }
0x76: {  	v18 =	vimm.f32 $0.0e+00;
	v17 =	vimm.f32 $0.0e+00;
	v3 =	vmul.f32 v3, v3  }
0x77: {  	v13 =	vimm.f32 $0.0e+00;
	v4 =	vmul.f32 v4, v4;
	v5 =	vmul.f32 v5, v5  }
0x78: {  	v25 =	vmul.f32 v9, v9;
	v20 =	vmul.f32 v10, v10;
	v10 =	vimm.f32 $0.0e+00  }
0x79: {  	v16 =	vld [tilespmem:s15+$0x4A00];
	v14 =	vadd.f32 v3, v18;
	v3 =	vmul.f32 v6, v6;
	v6 =	vmul.f32 v7, v7  }
0x7a: {  	v15 =	vld [tilespmem:s15+$0x4A80];
	v24 =	vadd.f32 v4, v18;
	v23 =	vadd.f32 v5, v18;
	v4 =	vmul.f32 v8, v8  }
0x7b: {  	v12 =	vld [tilespmem:s15+$0x4B00];
	v8 =	vimm.f32 $0.0e+00;
	v7 =	vimm.f32 $0.0e+00;
	v22 =	vadd.f32 v3, v18  }
0x7c: {  	s3 =	simm.s32 $0x1;
	v11 =	vld [tilespmem:s15+$0x4B80];
	v5 =	vimm.f32 $0.0e+00;
	v21 =	vadd.f32 v6, v18;
	v19 =	vadd.f32 v4, v18  }
0x7d: {  	s6 =	simm.s32 $0x20;
	s7 =	simm.s32 $0x10;
	s1 =	sand.u32 $0x7, s3;
	v9 =	vld [tilespmem:s15+$0x4C00];
	v6 =	vimm.f32 $0.0e+00;
	v4 =	vimm.f32 $0.0e+00;
	v3 =	vimm.f32 $0.0e+00  }
.LBB2_3:
0x7e: {  	p0 =	sne.s32 s6, $0x7F0;
	s1 =	sshll.u32 s1, $0x4;
	v18 =	vadd.f32 v25, v18;
	v16 =	vmul.f32 v16, v16;
	v25 =	vld [tilespmem:s15+$0x4C80];
	s2 =	sadd.s32 $0x80, s2  }
0x7f: {  	s7 =	sand.u32 $0x70, s7;
	s1 =	sadd.s32 s1, s2;
	s8 =	sand.u32 $0x3C00, s2;
	v17 =	vadd.f32 v20, v17;
	v15 =	vmul.f32 v15, v15;
	v20 =	vld [tilespmem:s15+$0x4D00]  }
0x80: {  	s1 =	sor.u32 $0x380, s1;
	v13 =	vadd.f32 v16, v13;
	v12 =	vmul.f32 v12, v12;
	v16 =	vld [tilespmem:s15+$0x4D80];
	s15 =	sor.u32 s7, s8;
	s7 =	smov.u32 s6  }
0x81: {  	v26 =	vld [tilespmem:s1+$0xA00];
	v10 =	vadd.f32 v15, v10;
	v11 =	vmul.f32 v11, v11  }
0x82: {  	v15 =	vld [tilespmem:s15+$0xA00];
	v8 =	vadd.f32 v12, v8;
	v9 =	vmul.f32 v9, v9  }
0x83: {  	v12 =	vld [tilespmem:s15+$0xA80];
	v7 =	vadd.f32 v11, v7;
	v11 =	vmul.f32 v25, v25  }
0x84: {  	v25 =	vld [tilespmem:s15+$0xB00];
	v5 =	vadd.f32 v9, v5;
	v9 =	vmul.f32 v20, v20  }
0x85: {  	v20 =	vld [tilespmem:s15+$0xB80];
	v6 =	vadd.f32 v11, v6;
	v11 =	vmul.f32 v16, v16  }
0x86: {  	v27 =	vld [tilespmem:s15+$0xC00];
	v16 =	vmul.f32 v26, v26;
	v4 =	vadd.f32 v9, v4  }
0x87: {  	v9 =	vmul.f32 v15, v15;
	v26 =	vld [tilespmem:s15+$0xC80];
	v3 =	vadd.f32 v11, v3  }
0x88: {  	v11 =	vmul.f32 v12, v12;
	v28 =	vld [tilespmem:s15+$0xD00];
	v14 =	vadd.f32 v16, v14  }
.Ltmp0:
0x89: {  	v24 =	vadd.f32 v9, v24;
	v9 =	vmul.f32 v25, v25;
	v16 =	vld [tilespmem:s15+$0x4A00];
	(pc) =	sbr.rel @p0 .LBB2_3-.Ltmp0, $4  }
0x8a: {  	v23 =	vadd.f32 v11, v23;
	v11 =	vmul.f32 v20, v20;
	v15 =	vld [tilespmem:s15+$0x4A80]  }
0x8b: {  	v22 =	vadd.f32 v9, v22;
	v9 =	vmul.f32 v27, v27;
	v12 =	vld [tilespmem:s15+$0x4B00]  }
0x8c: {  	s3 =	sadd.s32 $0x1, s3;
	v21 =	vadd.f32 v11, v21;
	v25 =	vmul.f32 v26, v26;
	v11 =	vld [tilespmem:s15+$0x4B80]  }
0x8d: {  	s6 =	sadd.s32 $0x10, s6;
	s1 =	sand.u32 $0x7, s3;
	v19 =	vadd.f32 v9, v19;
	v20 =	vmul.f32 v28, v28;
	v9 =	vld [tilespmem:s15+$0x4C00]  }
0x8e: {  	s2 =	sadd.s32 $0x80, s2  }
0x8f: {  	s3 =	sand.u32 $0x70, s7;
	s6 =	sand.u32 $0x3C00, s2  }
0x90: {  	s17 =	sor.u32 s3, s6  }
0x91: {  	v26 =	vld [tilespmem:s17+$0xA00];
	_ =	sdelay $0x2  }
0x92: {  	v59 =	vld [tilespmem:s17+$0xA80];
	_ =	sdelay $0x1  }
0x93: {  	v26 =	vmul.f32 v26, v26;
	_ =	sdelay $0x1  }
0x94: {  	v24 =	vadd.f32 v26, v24  }
0x95: {  	v60 =	vmul.f32 v59, v59  }
0x96: {  	(xrf2) =	vadd.scan.msk.f32 $0xffff, v24  }
0x97: {  	v23 =	vadd.f32 v60, v23;
	_ =	sdelay $0x1  }
0x98: {  	(xrf2) =	vadd.scan.msk.f32 $0xffff, v23;
	_ =	sdelay $0x6  }
0x99: {  	v23, _, _ =	vpop (xrf2)  }
0x9a: {  	(v2sf) =	vpush v23, $0xF  }
0x9b: {  	v23 =	vld [tilespmem:s17+$0xB00]  }
0x9c: {  	v61, _, _ =	vpop (xrf2)  }
0x9d: {  	(v2sf) =	vpush v61, $0xF;
	_ =	sdelay $0x2  }
0x9e: {  	v23 =	vmul.f32 v23, v23;
	_ =	sdelay $0x1  }
0x9f: {  	v22 =	vadd.f32 v23, v22;
	v23 =	vld [tilespmem:s17+$0xB80];
	_ =	sdelay $0x1  }
0xa0: {  	(xrf2) =	vadd.scan.msk.f32 $0xffff, v22;
	_ =	sdelay $0x2  }
0xa1: {  	v22 =	vmul.f32 v23, v23;
	_ =	sdelay $0x1  }
0xa2: {  	v21 =	vadd.f32 v22, v21;
	s20 =	spop (v2sf)  }
0xa3: {  	s3 =	smul.f32 $4.882812500e-04, s20  }
0xa4: {  	(xrf2) =	vadd.scan.msk.f32 $0xffff, v21  }
0xa5: {  	s8 =	spop (v2sf);
	s3 =	sadd.f32 $9.999999740e-06, s3  }
0xa6: {  	s8 =	smul.f32 $4.882812500e-04, s8  }
0xa7: {  	v21, _, _ =	vpop (xrf2);
	s21 =	sshra.s32 s3, $0x1;
	s3 =	smul.f32 $5.000000000e-01, s3  }
0xa8: {  	s8 =	sadd.f32 $9.999999740e-06, s8;
	(v2sf) =	vpush v21, $0xF;
	s6 =	ssub.s32 $0x5F3759DF, s21  }
0xa9: {  	v21 =	vld [tilespmem:s17+$0xC00];
	s22 =	smul.f32 s6, s3  }
0xaa: {  	s9 =	sshra.s32 s8, $0x1;
	s8 =	smul.f32 $5.000000000e-01, s8  }
0xab: {  	s23 =	ssub.s32 $0x5F3759DF, s9;
	s7 =	smul.f32 s6, s22  }
0xac: {  	s9 =	smul.f32 s23, s8  }
0xad: {  	s7 =	ssub.f32 $1.500000000e+00, s7  }
0xae: {  	v21 =	vmul.f32 v21, v21;
	s9 =	smul.f32 s23, s9;
	v22, _, _ =	vpop (xrf2)  }
0xaf: {  	(v2sf) =	vpush v22, $0xF;
	s6 =	smul.f32 s6, s7  }
0xb0: {  	v19 =	vadd.f32 v21, v19;
	s9 =	ssub.f32 $1.500000000e+00, s9  }
0xb1: {  	s10 =	smul.f32 s6, s3  }
0xb2: {  	(xrf2) =	vadd.scan.msk.f32 $0xffff, v19;
	s7 =	smul.f32 s23, s9  }
0xb3: {  	v19 =	vld [tilespmem:s17+$0xC80];
	s10 =	smul.f32 s10, s6  }
0xb4: {  	s9 =	smul.f32 s7, s8  }
0xb5: {  	s10 =	ssub.f32 $1.500000000e+00, s10  }
0xb6: {  	s9 =	smul.f32 s9, s7  }
0xb7: {  	s24 =	spop (v2sf);
	s6 =	smul.f32 s10, s6  }
0xb8: {  	v19 =	vmul.f32 v19, v19;
	s9 =	ssub.f32 $1.500000000e+00, s9;
	s10 =	smul.f32 $4.882812500e-04, s24  }
0xb9: {  	v18 =	vadd.f32 v25, v18  }
0xba: {  	s7 =	smul.f32 s9, s7;
	s10 =	sadd.f32 $9.999999740e-06, s10  }
0xbb: {  	v18 =	vadd.f32 v19, v18;
	s3 =	smul.f32 s6, s3  }
0xbc: {  	v19, _, _ =	vpop (xrf2);
	s13 =	sshra.s32 s10, $0x1;
	s10 =	smul.f32 $5.000000000e-01, s10  }
0xbd: {  	(xrf2) =	vadd.scan.msk.f32 $0xffff, v18;
	s8 =	smul.f32 s7, s8;
	(v2sf) =	vpush v19, $0xF;
	s25 =	ssub.s32 $0x5F3759DF, s13  }
0xbe: {  	v18 =	vld [tilespmem:s17+$0xD00];
	s13 =	smul.f32 s25, s10;
	s14 =	spop (v2sf)  }
0xbf: {  	s14 =	smul.f32 $4.882812500e-04, s14  }
0xc0: {  	s13 =	smul.f32 s25, s13  }
0xc1: {  	s3 =	smul.f32 s3, s6;
	s14 =	sadd.f32 $9.999999740e-06, s14  }
0xc2: {  	s1 =	sshll.u32 s1, $0x4;
	s8 =	smul.f32 s8, s7;
	s13 =	ssub.f32 $1.500000000e+00, s13  }
0xc3: {  	s1 =	sadd.s32 s1, s2;
	v17 =	vadd.f32 v20, v17;
	v18 =	vmul.f32 v18, v18;
	s26 =	sshra.s32 s14, $0x1;
	s28 =	smul.f32 $5.000000000e-01, s14  }
0xc4: {  	s1 =	sor.u32 $0x380, s1;
	s9 =	smul.f32 s25, s13;
	s2 =	ssub.s32 $0x5F3759DF, s26  }
0xc5: {  	v19 =	vld [tilespmem:s1+$0xA00];
	v17 =	vadd.f32 v18, v17;
	s31 =	smul.f32 s2, s28  }
0xc6: {  	s30 =	smul.f32 s9, s10  }
0xc7: {  	s3 =	ssub.f32 $1.500000000e+00, s3;
	(xrf2) =	vadd.scan.msk.f32 $0xffff, v17;
	v20, _, _ =	vpop (xrf2);
	s1 =	smul.f32 s2, s31  }
0xc8: {  	s8 =	ssub.f32 $1.500000000e+00, s8;
	(v2sf) =	vpush v20, $0xF;
	s14 =	smul.f32 s30, s9  }
0xc9: {  	s18 =	smul.f32 s3, s6;
	s1 =	ssub.f32 $1.500000000e+00, s1  }
0xca: {  	s19 =	smul.f32 s8, s7;
	v17 =	vmul.f32 v19, v19;
	s6 =	ssub.f32 $1.500000000e+00, s14  }
0xcb: {  	s1 =	smul.f32 s2, s1  }
0xcc: {  	v14 =	vadd.f32 v17, v14;
	s7 =	spop (v2sf);
	s3 =	smul.f32 s6, s9  }
0xcd: {  	s2 =	smul.f32 $4.882812500e-04, s7  }
0xce: {  	(xrf2) =	vadd.scan.msk.f32 $0xffff, v14;
	s8 =	smul.f32 s1, s28  }
0xcf: {  	s9 =	smul.f32 s3, s10;
	s2 =	sadd.f32 $9.999999740e-06, s2  }
0xd0: {  	s6 =	smul.f32 s8, s1  }
0xd1: {  	v14, _, _ =	vpop (xrf2);
	s10 =	sshra.s32 s2, $0x1;
	s2 =	smul.f32 $5.000000000e-01, s2  }
0xd2: {  	(v2sf) =	vpush v14, $0xF;
	s7 =	smul.f32 s9, s3;
	s6 =	ssub.f32 $1.500000000e+00, s6;
	s8 =	ssub.s32 $0x5F3759DF, s10  }
0xd3: {  	s11 =	smul.f32 s8, s2  }
0xd4: {  	s1 =	smul.f32 s6, s1  }
0xd5: {  	v14 =	vld [tilespmem:s17+$0x4A00];
	s12 =	smul.f32 s8, s11  }
0xd6: {  	s14 =	smul.f32 s1, s28  }
0xd7: {  	s20 =	spop (v2sf);
	s6 =	ssub.f32 $1.500000000e+00, s12  }
0xd8: {  	v16 =	vmul.f32 v16, v16;
	v17, _, _ =	vpop (xrf2);
	s10 =	smul.f32 $4.882812500e-04, s20  }
0xd9: {  	(v2sf) =	vpush v17, $0xF;
	s6 =	smul.f32 s8, s6  }
0xda: {  	v13 =	vadd.f32 v16, v13;
	v14 =	vmul.f32 v14, v14;
	s21 =	smul.f32 s14, s1;
	s23 =	sadd.f32 $9.999999740e-06, s10  }
0xdb: {  	s24 =	smul.f32 s6, s2  }
0xdc: {  	v13 =	vadd.f32 v14, v13;
	s25 =	sshra.s32 s23, $0x1;
	s9 =	smul.f32 $5.000000000e-01, s23  }
0xdd: {  	v16 =	vld [tilespmem:s17+$0x4A80];
	s7 =	ssub.f32 $1.500000000e+00, s7;
	s13 =	ssub.s32 $0x5F3759DF, s25;
	s10 =	smul.f32 s24, s6  }
0xde: {  	(xrf2) =	vadd.scan.msk.f32 $0xffff, v13;
	s26 =	smul.f32 s13, s9  }
0xdf: {  	s22 =	smul.f32 s7, s3;
	s30 =	ssub.f32 $1.500000000e+00, s21  }
0xe0: {  	v13 =	vmul.f32 v15, v15;
	s28 =	ssub.f32 $1.500000000e+00, s10;
	s31 =	smul.f32 s13, s26  }
0xe1: {  	s23 =	smul.f32 s30, s1;
	s10 =	spop (v2sf)  }
0xe2: {  	v10 =	vadd.f32 v13, v10;
	v13 =	vmul.f32 v16, v16;
	s3 =	smul.f32 s28, s6;
	s8 =	ssub.f32 $1.500000000e+00, s31  }
0xe3: {  	s6 =	smul.f32 $4.882812500e-04, s10  }
0xe4: {  	v10 =	vadd.f32 v13, v10;
	s1 =	smul.f32 s13, s8  }
0xe5: {  	s2 =	smul.f32 s3, s2  }
0xe6: {  	s6 =	sadd.f32 $9.999999740e-06, s6;
	s11 =	smul.f32 s1, s9  }
0xe7: {  	(xrf2) =	vadd.scan.msk.f32 $0xffff, v10;
	s2 =	smul.f32 s2, s3  }
0xe8: {  	v10, _, _ =	vpop (xrf2);
	s12 =	sshra.s32 s6, $0x1;
	s6 =	smul.f32 $5.000000000e-01, s6;
	s13 =	spop (v2sf)  }
0xe9: {  	(v2sf) =	vpush v10, $0xF;
	s10 =	smul.f32 $4.882812500e-04, s13  }
0xea: {  	s8 =	ssub.s32 $0x5F3759DF, s12;
	s7 =	smul.f32 s11, s1;
	s2 =	ssub.f32 $1.500000000e+00, s2  }
0xeb: {  	s14 =	smul.f32 s8, s6  }
0xec: {  	s20 =	sadd.f32 $9.999999740e-06, s10;
	s3 =	smul.f32 s2, s3  }
0xed: {  	s7 =	ssub.f32 $1.500000000e+00, s7;
	s21 =	smul.f32 s8, s14  }
0xee: {  	s24 =	sshra.s32 s20, $0x1;
	s14 =	smul.f32 $5.000000000e-01, s20  }
0xef: {  	v10 =	vld [tilespmem:s17+$0x4B00];
	s1 =	smul.f32 s7, s1;
	s25 =	ssub.f32 $1.500000000e+00, s21;
	s26 =	ssub.s32 $0x5F3759DF, s24  }
0xf0: {  	v13 =	vld [tilespmem:s17+$0x4B80];
	s28 =	smul.f32 s26, s14  }
0xf1: {  	v14, _, _ =	vpop (xrf2);
	s2 =	smul.f32 s8, s25  }
0xf2: {  	v12 =	vmul.f32 v12, v12;
	(v2sf) =	vpush v14, $0xF;
	s30 =	smul.f32 s26, s28  }
0xf3: {  	v11 =	vmul.f32 v11, v11;
	s31 =	smul.f32 s2, s6  }
0xf4: {  	v8 =	vadd.f32 v12, v8;
	v10 =	vmul.f32 v10, v10;
	s9 =	smul.f32 s1, s9;
	s8 =	ssub.f32 $1.500000000e+00, s30  }
0xf5: {  	v7 =	vadd.f32 v11, v7;
	v11 =	vmul.f32 v13, v13;
	s10 =	smul.f32 s31, s2  }
0xf6: {  	v8 =	vadd.f32 v10, v8;
	s7 =	smul.f32 s26, s8  }
0xf7: {  	v7 =	vadd.f32 v11, v7;
	s11 =	smul.f32 s9, s1;
	s12 =	ssub.f32 $1.500000000e+00, s10  }
0xf8: {  	(xrf2) =	vadd.scan.msk.f32 $0xffff, v8;
	s20 =	spop (v2sf);
	s13 =	smul.f32 s7, s14  }
0xf9: {  	(xrf2) =	vadd.scan.msk.f32 $0xffff, v7;
	s21 =	smul.f32 $4.882812500e-04, s20  }
0xfa: {  	s8 =	ssub.f32 $1.500000000e+00, s11;
	s9 =	smul.f32 s12, s2  }
0xfb: {  	s10 =	smul.f32 s13, s7  }
0xfc: {  	s2 =	smul.f32 s8, s1;
	s25 =	sadd.f32 $9.999999740e-06, s21  }
0xfd: {  	s6 =	smul.f32 s9, s6;
	s24 =	ssub.f32 $1.500000000e+00, s10  }
0xfe: {  	s26 =	sshra.s32 s25, $0x1;
	s28 =	smul.f32 $5.000000000e-01, s25  }
0xff: {  	s1 =	ssub.s32 $0x5F3759DF, s26;
	s7 =	smul.f32 s24, s7  }
0x100: {  	s31 =	smul.f32 s1, s28  }
0x101: {  	s11 =	spop (v2sf);
	s30 =	smul.f32 s7, s14  }
0x102: {  	v7, _, _ =	vpop (xrf2);
	s14 =	smul.f32 $4.882812500e-04, s11  }
0x103: {  	(v2sf) =	vpush v7, $0xF;
	v7, _, _ =	vpop (xrf2);
	s13 =	smul.f32 s1, s31  }
0x104: {  	s6 =	smul.f32 s6, s9;
	(v2sf) =	vpush v7, $0xF;
	s14 =	sadd.f32 $9.999999740e-06, s14  }
0x105: {  	v7 =	vld [tilespmem:s15+$0x4C80];
	s8 =	smul.f32 s30, s7;
	s13 =	ssub.f32 $1.500000000e+00, s13  }
0x106: {  	v8 =	vld [tilespmem:s17+$0x4C00];
	s20 =	sshra.s32 s14, $0x1;
	s14 =	smul.f32 $5.000000000e-01, s14  }
0x107: {  	v10 =	vld [tilespmem:s17+$0x4C80];
	s21 =	smul.f32 s1, s13;
	s20 =	ssub.s32 $0x5F3759DF, s20  }
0x108: {  	s12 =	smul.f32 s20, s14  }
0x109: {  	v9 =	vmul.f32 v9, v9;
	s13 =	smul.f32 s21, s28  }
0x10a: {  	s6 =	ssub.f32 $1.500000000e+00, s6;
	v7 =	vmul.f32 v7, v7;
	s24 =	smul.f32 s20, s12  }
0x10b: {  	v5 =	vadd.f32 v9, v5;
	v8 =	vmul.f32 v8, v8;
	s8 =	ssub.f32 $1.500000000e+00, s8;
	s25 =	smul.f32 s13, s21  }
0x10c: {  	s1 =	smul.f32 s6, s9;
	v6 =	vadd.f32 v7, v6;
	v7 =	vmul.f32 v10, v10;
	s24 =	ssub.f32 $1.500000000e+00, s24  }
0x10d: {  	v5 =	vadd.f32 v8, v5;
	s13 =	smul.f32 s8, s7;
	s25 =	ssub.f32 $1.500000000e+00, s25  }
0x10e: {  	v6 =	vadd.f32 v7, v6;
	s6 =	smul.f32 s20, s24  }
0x10f: {  	(xrf2) =	vadd.scan.msk.f32 $0xffff, v5;
	s8 =	smul.f32 s25, s21  }
0x110: {  	(xrf2) =	vadd.scan.msk.f32 $0xffff, v6;
	s26 =	smul.f32 s6, s14  }
0x111: {  	s10 =	smul.f32 s8, s28  }
0x112: {  	s28 =	spop (v2sf);
	s7 =	smul.f32 s26, s6  }
0x113: {  	s9 =	smul.f32 $4.882812500e-04, s28;
	s30 =	spop (v2sf)  }
0x114: {  	v9 =	vld [tilespmem:s17+$0x4D80];
	s20 =	smul.f32 $4.882812500e-04, s30;
	s7 =	ssub.f32 $1.500000000e+00, s7  }
0x115: {  	v5 =	vld [tilespmem:s15+$0x4D00];
	s31 =	sadd.f32 $9.999999740e-06, s9  }
0x116: {  	v7 =	vld [tilespmem:s17+$0x4D00];
	s20 =	sadd.f32 $9.999999740e-06, s20;
	s9 =	smul.f32 s7, s6  }
0x117: {  	s17 =	simm.s32 $0x200;
	v6 =	vld [tilespmem:s15+$0x4D80];
	s15 =	simm.s32 $0x0;
	s6 =	smul.f32 $5.000000000e-01, s31  }
0x118: {  	s21 =	sand.u32 $0x60, s15;
	s11 =	sshra.s32 s31, $0x1;
	s30 =	smul.f32 $5.000000000e-01, s20  }
0x119: {  	v8, _, _ =	vpop (xrf2);
	s12 =	ssub.s32 $0x5F3759DF, s11;
	s28 =	sshra.s32 s20, $0x1;
	s14 =	smul.f32 s9, s14  }
0x11a: {  	(v2sf) =	vpush v8, $0xF;
	v8, _, _ =	vpop (xrf2);
	s20 =	sand.u32 $0x3C00, s15;
	s28 =	ssub.s32 $0x5F3759DF, s28;
	s26 =	smul.f32 s12, s6  }
0x11b: {  	v19 =	vld [tilespmem:s17+$0x0];
	(v2sf) =	vpush v8, $0xF;
	s24 =	sor.u32 s21, s20;
	s29 =	smul.f32 s28, s30  }
0x11c: {  	v8 =	vld [tilespmem:s24+$0xC80];
	s26 =	smul.f32 s12, s26  }
0x11d: {  	v5 =	vmul.f32 v5, v5;
	v10 =	vld [tilespmem:s24+$0xC00];
	s29 =	smul.f32 s28, s29  }
0x11e: {  	s10 =	smul.f32 s10, s8;
	v11 =	vld [tilespmem:s24+$0xA80];
	s26 =	ssub.f32 $1.500000000e+00, s26  }
0x11f: {  	v4 =	vadd.f32 v5, v4;
	v5 =	vmul.f32 v7, v7;
	v12 =	vld [tilespmem:s24+$0xA00];
	s14 =	smul.f32 s14, s9;
	s29 =	ssub.f32 $1.500000000e+00, s29  }
0x120: {  	v9 =	vmul.f32 v9, v9;
	v6 =	vmul.f32 v6, v6;
	v15 =	vld [tilespmem:s24+$0xB00];
	s25 =	smul.f32 s12, s26  }
0x121: {  	v7 =	vmov s22;
	v16 =	vadd.f32 v5, v4;
	v4 =	vmov s3;
	v13 =	vld [tilespmem:s24+$0xB80];
	s31 =	smul.f32 s28, s29  }
0x122: {  	v5 =	vmov s18;
	v14 =	vadd.f32 v6, v3;
	v3 =	vmov s2;
	s11 =	smul.f32 s25, s6  }
0x123: {  	v6 =	vmov s19;
	v8 =	vmul.f32 v8, v3;
	v10 =	vmul.f32 v10, v4;
	s12 =	smul.f32 s31, s30  }
0x124: {  	v9 =	vadd.f32 v9, v14;
	s10 =	ssub.f32 $1.500000000e+00, s10;
	v11 =	vmul.f32 v11, v6;
	v12 =	vmul.f32 v12, v5;
	s2 =	smul.f32 s11, s25  }
0x125: {  	s14 =	ssub.f32 $1.500000000e+00, s14;
	v14 =	vmul.f32 v15, v7;
	v17 =	vmul.f32 v8, v19;
	v8 =	vmov s23;
	s3 =	smul.f32 s12, s31  }
0x126: {  	s8 =	smul.f32 s10, s8;
	v10 =	vmul.f32 v10, v19;
	v13 =	vmul.f32 v13, v8;
	s2 =	ssub.f32 $1.500000000e+00, s2  }
0x127: {  	(xrf2) =	vadd.scan.msk.f32 $0xffff, v16;
	s9 =	smul.f32 s14, s9;
	v11 =	vmul.f32 v11, v19;
	v12 =	vmul.f32 v12, v19;
	s3 =	ssub.f32 $1.500000000e+00, s3  }
0x128: {  	(xrf2) =	vadd.scan.msk.f32 $0xffff, v9;
	s23 =	sand.u32 $0x3, s15;
	v9 =	vpack.i.f32.bf16 v17, v10;
	v10 =	vmul.f32 v13, v19;
	v13 =	vmul.f32 v14, v19;
	s10 =	smul.f32 s2, s25  }
0x129: {  	v11 =	vpack.i.f32.bf16 v11, v12;
	[tilespmem:s24+$0x10B00] =	vst v9;
	s14 =	smul.f32 s3, s31;
	s25 =	spop (v2sf);
	s2 =	sshll.u32 s23, $0x5  }
0x12a: {  	[tilespmem:s24+$0x10A00] =	vst v11;
	v9 =	vpack.i.f32.bf16 v10, v13;
	s3 =	smul.f32 $4.882812500e-04, s25;
	s26 =	spop (v2sf);
	s18 =	sadd.s32 $0x0, s2  }
0x12b: {  	[tilespmem:s24+$0x10A80] =	vst v9;
	s19 =	smul.f32 $4.882812500e-04, s26;
	s2 =	sor.u32 $0x300, s18  }
0x12c: {  	s6 =	smul.f32 s10, s6;
	s28 =	sadd.f32 $9.999999740e-06, s3;
	v11 =	vld [tilespmem:s2+$0xA00];
	s3 =	sor.u32 $0x380, s18  }
0x12d: {  	s7 =	smul.f32 s14, s30;
	s19 =	sadd.f32 $9.999999740e-06, s19;
	v12 =	vld [tilespmem:s3+$0xA00]  }
0x12e: {  	s30 =	sshra.s32 s28, $0x1;
	s25 =	smul.f32 $5.000000000e-01, s28  }
0x12f: {  	s22 =	ssub.s32 $0x5F3759DF, s30;
	s31 =	sshra.s32 s19, $0x1;
	s26 =	smul.f32 $5.000000000e-01, s19  }
0x130: {  	s11 =	smul.f32 s22, s25;
	s23 =	ssub.s32 $0x5F3759DF, s31  }
0x131: {  	v10 =	vmov s13;
	v9 =	vmov s1;
	v13, _, _ =	vpop (xrf2);
	s12 =	smul.f32 s23, s26  }
0x132: {  	(v2sf) =	vpush v13, $0xF;
	v13, _, _ =	vpop (xrf2);
	v11 =	vmul.f32 v11, v9;
	s30 =	smul.f32 s22, s11;
	v12 =	vmul.f32 v12, v10  }
0x133: {  	(v2sf) =	vpush v13, $0xF;
	s31 =	smul.f32 s23, s12  }
0x134: {  	s6 =	smul.f32 s6, s10;
	v11 =	vmul.f32 v11, v19;
	s1 =	ssub.f32 $1.500000000e+00, s30;
	v12 =	vmul.f32 v12, v19  }
0x135: {  	s7 =	smul.f32 s7, s14;
	s13 =	ssub.f32 $1.500000000e+00, s31  }
0x136: {  	s19 =	sadd.s32 $0x4A00, s20;
	s1 =	smul.f32 s22, s1;
	v11 =	vpack.i.f32.bf16 v12, v11  }
0x137: {  	s11 =	sor.u32 s21, s19;
	s22 =	sadd.s32 $0x4A80, s20;
	s13 =	smul.f32 s23, s13;
	[tilespmem:s24+$0x10B80] =	vst v11  }
0x138: {  	s30 =	sor.u32 s21, s22;
	s12 =	smul.f32 s1, s25;
	v13 =	vld [tilespmem:s11+$0x0]  }
0x139: {  	v14 =	vld [tilespmem:s30+$0x0];
	s29 =	smul.f32 s13, s26  }
0x13a: {  	s6 =	ssub.f32 $1.500000000e+00, s6;
	s31 =	smul.f32 s12, s1  }
0x13b: {  	s7 =	ssub.f32 $1.500000000e+00, s7;
	s11 =	smul.f32 s29, s13  }
0x13c: {  	s6 =	smul.f32 s6, s10;
	s12 =	ssub.f32 $1.500000000e+00, s31  }
0x13d: {  	s7 =	smul.f32 s7, s14;
	v12 =	vmov s9;
	v11 =	vmov s8;
	s23 =	ssub.f32 $1.500000000e+00, s11  }
0x13e: {  	v13 =	vmul.f32 v13, v11;
	v14 =	vmul.f32 v14, v12;
	s8 =	smul.f32 s12, s1  }
0x13f: {  	s9 =	smul.f32 s23, s13  }
0x140: {  	v13 =	vmul.f32 v13, v19;
	v14 =	vmul.f32 v14, v19;
	s10 =	smul.f32 s8, s25  }
0x141: {  	s25 =	spop (v2sf);
	s14 =	smul.f32 s9, s26  }
0x142: {  	s13 =	sadd.s32 $0x4B00, s20;
	s28 =	smul.f32 $4.882812500e-04, s25;
	s30 =	spop (v2sf);
	v13 =	vpack.i.f32.bf16 v14, v13  }
0x143: {  	s1 =	sadd.s32 $0x4B80, s20;
	s11 =	sor.u32 s21, s13;
	s31 =	smul.f32 $4.882812500e-04, s30;
	[tilespmem:s24+$0x10C00] =	vst v13  }
0x144: {  	s12 =	sor.u32 s21, s1;
	s10 =	smul.f32 s10, s8;
	s23 =	sadd.f32 $9.999999740e-06, s28;
	v15 =	vld [tilespmem:s11+$0x0]  }
0x145: {  	s14 =	smul.f32 s14, s9;
	v16 =	vld [tilespmem:s12+$0x0];
	s25 =	sadd.f32 $9.999999740e-06, s31  }
0x146: {  	s30 =	sshra.s32 s23, $0x1;
	s23 =	smul.f32 $5.000000000e-01, s23  }
0x147: {  	s26 =	ssub.s32 $0x5F3759DF, s30;
	s31 =	sshra.s32 s25, $0x1;
	s25 =	smul.f32 $5.000000000e-01, s25  }
0x148: {  	s29 =	smul.f32 s26, s23;
	s28 =	ssub.s32 $0x5F3759DF, s31  }
0x149: {  	v14 =	vmov s7;
	v13 =	vmov s6;
	s30 =	smul.f32 s28, s25  }
0x14a: {  	s10 =	ssub.f32 $1.500000000e+00, s10;
	v15 =	vmul.f32 v15, v13;
	v16 =	vmul.f32 v16, v14;
	s12 =	smul.f32 s26, s29  }
0x14b: {  	s31 =	ssub.f32 $1.500000000e+00, s14;
	s11 =	smul.f32 s28, s30  }
0x14c: {  	s8 =	smul.f32 s10, s8;
	v15 =	vmul.f32 v15, v19;
	v16 =	vmul.f32 v16, v19;
	s12 =	ssub.f32 $1.500000000e+00, s12  }
0x14d: {  	s9 =	smul.f32 s31, s9;
	s14 =	ssub.f32 $1.500000000e+00, s11  }
0x14e: {  	s6 =	sadd.s32 $0x4C00, s20;
	v15 =	vpack.i.f32.bf16 v16, v15;
	s10 =	smul.f32 s26, s12  }
0x14f: {  	s7 =	sadd.s32 $0x4C80, s20;
	s30 =	sor.u32 s21, s6;
	[tilespmem:s24+$0x10C80] =	vst v15;
	s14 =	smul.f32 s28, s14  }
0x150: {  	s11 =	sor.u32 s21, s7;
	v17 =	vld [tilespmem:s30+$0x0];
	s31 =	smul.f32 s10, s23  }
0x151: {  	v18 =	vld [tilespmem:s11+$0x0];
	s12 =	smul.f32 s14, s25  }
0x152: {  	s24 =	smul.f32 s31, s10  }
0x153: {  	s26 =	smul.f32 s12, s14  }
0x154: {  	s24 =	ssub.f32 $1.500000000e+00, s24  }
0x155: {  	v16 =	vmov s9;
	v15 =	vmov s8;
	s26 =	ssub.f32 $1.500000000e+00, s26  }
0x156: {  	v17 =	vmul.f32 v17, v15;
	v18 =	vmul.f32 v18, v16;
	s10 =	smul.f32 s24, s10  }
0x157: {  	s14 =	smul.f32 s26, s14  }
0x158: {  	v17 =	vmul.f32 v17, v19;
	v18 =	vmul.f32 v18, v19;
	s24 =	smul.f32 s10, s23  }
0x159: {  	s25 =	smul.f32 s14, s25  }
0x15a: {  	s8 =	sadd.s32 $0x4D00, s20;
	v17 =	vpack.i.f32.bf16 v18, v17;
	s23 =	smul.f32 s24, s10  }
0x15b: {  	s9 =	sadd.s32 $0x4D80, s20;
	s28 =	sor.u32 s21, s8;
	[tilespmem:s2+$0x10A00] =	vst v17;
	s26 =	smul.f32 s25, s14  }
0x15c: {  	s31 =	sor.u32 s21, s9;
	v20 =	vld [tilespmem:s28+$0x0];
	s30 =	ssub.f32 $1.500000000e+00, s23  }
0x15d: {  	v21 =	vld [tilespmem:s31+$0x0];
	s24 =	ssub.f32 $1.500000000e+00, s26  }
0x15e: {  	s2 =	smul.f32 s30, s10  }
0x15f: {  	s11 =	smul.f32 s24, s14;
	_ =	sdelay $0x1  }
0x160: {  	v17 =	vmov s2;
	v18 =	vmov s11  }
0x161: {  	v20 =	vmul.f32 v20, v17;
	v21 =	vmul.f32 v21, v18;
	_ =	sdelay $0x1  }
0x162: {  	v20 =	vmul.f32 v20, v19;
	v19 =	vmul.f32 v21, v19;
	_ =	sdelay $0x1  }
0x163: {  	s12 =	sor.u32 $0x10, s21;
	v19 =	vpack.i.f32.bf16 v19, v20  }
0x164: {  	s24 =	sor.u32 s20, s12;
	[tilespmem:s3+$0x10A00] =	vst v19  }
0x165: {  	v20 =	vld [tilespmem:s24+$0xB80]  }
0x166: {  	v21 =	vld [tilespmem:s24+$0xC00]  }
0x167: {  	v22 =	vld [tilespmem:s24+$0xC80]  }
0x168: {  	v23 =	vld [tilespmem:s24+$0xA00]  }
0x169: {  	s23 =	sand.u32 $0x780, s15;
	v62 =	vld [tilespmem:s24+$0xA80]  }
0x16a: {  	s2 =	sor.u32 s12, s23;
	v63 =	vld [tilespmem:s24+$0xB00]  }
0x16b: {  	v19 =	vld [tilespmem:s2+$0x200];
	_ =	sdelay $0x1  }
0x16c: {  	v20 =	vmul.f32 v20, v8;
	v21 =	vmul.f32 v21, v4  }
0x16d: {  	v22 =	vmul.f32 v22, v3;
	v23 =	vmul.f32 v23, v5  }
0x16e: {  	v24 =	vmul.f32 v62, v6;
	v25 =	vmul.f32 v63, v7  }
0x16f: {  	v21 =	vmul.f32 v21, v19;
	v22 =	vmul.f32 v22, v19  }
0x170: {  	v23 =	vmul.f32 v23, v19;
	v24 =	vmul.f32 v24, v19  }
0x171: {  	v20 =	vmul.f32 v20, v19;
	v21 =	vpack.i.f32.bf16 v22, v21;
	v22 =	vmul.f32 v25, v19  }
0x172: {  	[tilespmem:s24+$0x10B00] =	vst v21;
	v21 =	vpack.i.f32.bf16 v24, v23  }
0x173: {  	s25 =	sadd.s32 $0x10, s18;
	[tilespmem:s24+$0x10A00] =	vst v21;
	v20 =	vpack.i.f32.bf16 v20, v22  }
0x174: {  	s2 =	sor.u32 $0x300, s25;
	[tilespmem:s24+$0x10A80] =	vst v20  }
0x175: {  	s29 =	sor.u32 $0x380, s25;
	v20 =	vld [tilespmem:s2+$0xA00]  }
0x176: {  	v21 =	vld [tilespmem:s29+$0xA00];
	_ =	sdelay $0x4  }
0x177: {  	v20 =	vmul.f32 v20, v9;
	v21 =	vmul.f32 v21, v10;
	_ =	sdelay $0x1  }
0x178: {  	v20 =	vmul.f32 v20, v19;
	v21 =	vmul.f32 v21, v19;
	_ =	sdelay $0x1  }
0x179: {  	v20 =	vpack.i.f32.bf16 v21, v20  }
0x17a: {  	s26 =	sor.u32 s12, s19;
	[tilespmem:s24+$0x10B80] =	vst v20  }
0x17b: {  	s28 =	sor.u32 s12, s22;
	v20 =	vld [tilespmem:s26+$0x0]  }
0x17c: {  	v21 =	vld [tilespmem:s28+$0x0];
	_ =	sdelay $0x4  }
0x17d: {  	v20 =	vmul.f32 v20, v11;
	v21 =	vmul.f32 v21, v12;
	_ =	sdelay $0x1  }
0x17e: {  	v20 =	vmul.f32 v20, v19;
	v21 =	vmul.f32 v21, v19;
	_ =	sdelay $0x1  }
0x17f: {  	v20 =	vpack.i.f32.bf16 v21, v20  }
0x180: {  	s13 =	sor.u32 s12, s13;
	[tilespmem:s24+$0x10C00] =	vst v20  }
0x181: {  	s1 =	sor.u32 s12, s1;
	v20 =	vld [tilespmem:s13+$0x0]  }
0x182: {  	v21 =	vld [tilespmem:s1+$0x0];
	_ =	sdelay $0x4  }
0x183: {  	v20 =	vmul.f32 v20, v13;
	v21 =	vmul.f32 v21, v14;
	_ =	sdelay $0x1  }
0x184: {  	v20 =	vmul.f32 v20, v19;
	v21 =	vmul.f32 v21, v19;
	_ =	sdelay $0x1  }
0x185: {  	v20 =	vpack.i.f32.bf16 v21, v20  }
0x186: {  	s30 =	sor.u32 s12, s6;
	[tilespmem:s24+$0x10C80] =	vst v20  }
0x187: {  	s21 =	sor.u32 s12, s8;
	s31 =	sor.u32 s12, s7;
	v20 =	vld [tilespmem:s30+$0x0]  }
0x188: {  	s18 =	simm.s32 $0x20;
	s19 =	simm.s32 $0x0;
	s20 =	sor.u32 s12, s9;
	v21 =	vld [tilespmem:s31+$0x0]  }
.LBB2_5:
0x189: {  	s15 =	sadd.s32 $0x100, s15;
	s19 =	sadd.s32 $0x1, s19;
	s17 =	sadd.s32 $0x20, s17  }
0x18a: {  	p0 =	sne.s32 s18, $0x7E0;
	s26 =	smov.u32 s18;
	s18 =	sadd.s32 $0x20, s18  }
0x18b: {  	_ = 	snop  }
0x18c: {  	v20 =	vmul.f32 v20, v15  }
0x18d: {  	v21 =	vmul.f32 v21, v16  }
0x18e: {  	v20 =	vmul.f32 v20, v19  }
0x18f: {  	v21 =	vmul.f32 v21, v19;
	_ =	sdelay $0x1  }
0x190: {  	v20 =	vpack.i.f32.bf16 v21, v20  }
0x191: {  	[tilespmem:s2+$0x10A00] =	vst v20  }
0x192: {  	v20 =	vld [tilespmem:s21+$0x0]  }
0x193: {  	v21 =	vld [tilespmem:s20+$0x0];
	_ =	sdelay $0x3  }
0x194: {  	v20 =	vmul.f32 v20, v17  }
0x195: {  	v21 =	vmul.f32 v21, v18  }
0x196: {  	v20 =	vmul.f32 v20, v19  }
0x197: {  	v19 =	vmul.f32 v21, v19;
	_ =	sdelay $0x1  }
0x198: {  	v19 =	vpack.i.f32.bf16 v19, v20  }
0x199: {  	s3 =	sand.u32 $0x60, s26;
	s28 =	sand.u32 $0x3C00, s15;
	[tilespmem:s29+$0x10A00] =	vst v19  }
0x19a: {  	s1 =	sor.u32 s3, s28;
	s9 =	sadd.s32 $0x4B00, s28;
	s10 =	sadd.s32 $0x4B80, s28;
	v19 =	vld [tilespmem:s17+$0x0]  }
0x19b: {  	s8 =	sor.u32 s3, s9;
	s7 =	sor.u32 s3, s10;
	s20 =	sadd.s32 $0x4C00, s28;
	v20 =	vld [tilespmem:s1+$0xC80]  }
0x19c: {  	s21 =	sadd.s32 $0x4C80, s28;
	s14 =	sor.u32 s3, s20;
	s29 =	sadd.s32 $0x4D00, s28;
	v21 =	vld [tilespmem:s1+$0xC00]  }
0x19d: {  	s31 =	sadd.s32 $0x4D80, s28;
	s6 =	sor.u32 s3, s21;
	s2 =	sor.u32 s3, s29;
	v22 =	vld [tilespmem:s1+$0xA80]  }
0x19e: {  	s30 =	sor.u32 $0x10, s3;
	s13 =	sor.u32 s3, s31;
	v23 =	vld [tilespmem:s1+$0xA00]  }
0x19f: {  	s25 =	sor.u32 s30, s9;
	s24 =	sor.u32 s30, s10;
	s22 =	sor.u32 s30, s20;
	v24 =	vld [tilespmem:s1+$0xB80]  }
0x1a0: {  	s23 =	sor.u32 s30, s21;
	s20 =	sor.u32 s30, s31;
	s21 =	sor.u32 s30, s29;
	v25 =	vld [tilespmem:s1+$0xB00];
	v20 =	vmul.f32 v20, v3  }
0x1a1: {  	v21 =	vmul.f32 v21, v4  }
0x1a2: {  	v22 =	vmul.f32 v22, v6;
	v20 =	vmul.f32 v20, v19  }
0x1a3: {  	v23 =	vmul.f32 v23, v5;
	v21 =	vmul.f32 v21, v19  }
0x1a4: {  	v22 =	vmul.f32 v22, v19;
	v24 =	vmul.f32 v24, v8  }
0x1a5: {  	v23 =	vmul.f32 v23, v19;
	v25 =	vmul.f32 v25, v7;
	v20 =	vpack.i.f32.bf16 v20, v21  }
0x1a6: {  	v21 =	vmul.f32 v24, v19  }
0x1a7: {  	s9 =	sand.u32 $0x3, s19;
	v22 =	vpack.i.f32.bf16 v22, v23;
	v23 =	vmul.f32 v25, v19;
	[tilespmem:s1+$0x10B00] =	vst v20  }
0x1a8: {  	s9 =	sshll.u32 s9, $0x5  }
0x1a9: {  	s9 =	sadd.s32 s9, s15;
	[tilespmem:s1+$0x10A00] =	vst v22;
	v20 =	vpack.i.f32.bf16 v21, v23  }
0x1aa: {  	s10 =	sor.u32 $0x300, s9;
	s29 =	sadd.s32 $0x10, s9;
	[tilespmem:s1+$0x10A80] =	vst v20  }
0x1ab: {  	s9 =	sor.u32 $0x380, s9;
	v20 =	vld [tilespmem:s10+$0xA00]  }
0x1ac: {  	v21 =	vld [tilespmem:s9+$0xA00];
	_ =	sdelay $0x3  }
0x1ad: {  	v20 =	vmul.f32 v20, v9  }
0x1ae: {  	v21 =	vmul.f32 v21, v10  }
0x1af: {  	v20 =	vmul.f32 v20, v19  }
0x1b0: {  	v21 =	vmul.f32 v21, v19;
	_ =	sdelay $0x1  }
0x1b1: {  	s31 =	sadd.s32 $0x4A00, s28;
	v20 =	vpack.i.f32.bf16 v21, v20  }
0x1b2: {  	s12 =	sadd.s32 $0x4A80, s28;
	s11 =	sor.u32 s3, s31;
	s31 =	sor.u32 s30, s31;
	[tilespmem:s1+$0x10B80] =	vst v20  }
0x1b3: {  	v20 =	vld [tilespmem:s11+$0x0];
	s11 =	sor.u32 s3, s12;
	s3 =	sor.u32 s30, s12  }
0x1b4: {  	v21 =	vld [tilespmem:s11+$0x0];
	_ =	sdelay $0x3  }
0x1b5: {  	v20 =	vmul.f32 v20, v11  }
0x1b6: {  	v21 =	vmul.f32 v21, v12  }
0x1b7: {  	v20 =	vmul.f32 v20, v19  }
0x1b8: {  	v21 =	vmul.f32 v21, v19;
	_ =	sdelay $0x1  }
0x1b9: {  	v20 =	vpack.i.f32.bf16 v21, v20  }
0x1ba: {  	[tilespmem:s1+$0x10C00] =	vst v20  }
0x1bb: {  	v20 =	vld [tilespmem:s8+$0x0]  }
0x1bc: {  	v21 =	vld [tilespmem:s7+$0x0];
	_ =	sdelay $0x3  }
0x1bd: {  	v20 =	vmul.f32 v20, v13  }
0x1be: {  	v21 =	vmul.f32 v21, v14  }
0x1bf: {  	v20 =	vmul.f32 v20, v19  }
0x1c0: {  	v21 =	vmul.f32 v21, v19;
	_ =	sdelay $0x1  }
0x1c1: {  	v20 =	vpack.i.f32.bf16 v21, v20  }
0x1c2: {  	[tilespmem:s1+$0x10C80] =	vst v20  }
0x1c3: {  	v20 =	vld [tilespmem:s14+$0x0]  }
0x1c4: {  	v21 =	vld [tilespmem:s6+$0x0];
	_ =	sdelay $0x3  }
0x1c5: {  	v20 =	vmul.f32 v20, v15  }
0x1c6: {  	v21 =	vmul.f32 v21, v16  }
0x1c7: {  	v20 =	vmul.f32 v20, v19  }
0x1c8: {  	v21 =	vmul.f32 v21, v19;
	_ =	sdelay $0x1  }
0x1c9: {  	v20 =	vpack.i.f32.bf16 v21, v20  }
0x1ca: {  	[tilespmem:s10+$0x10A00] =	vst v20  }
0x1cb: {  	v20 =	vld [tilespmem:s2+$0x0]  }
0x1cc: {  	v21 =	vld [tilespmem:s13+$0x0];
	_ =	sdelay $0x3  }
0x1cd: {  	v20 =	vmul.f32 v20, v17  }
0x1ce: {  	v21 =	vmul.f32 v21, v18  }
0x1cf: {  	v20 =	vmul.f32 v20, v19  }
0x1d0: {  	v19 =	vmul.f32 v21, v19;
	_ =	sdelay $0x1  }
0x1d1: {  	v19 =	vpack.i.f32.bf16 v19, v20  }
0x1d2: {  	s1 =	sor.u32 s28, s30;
	s2 =	sand.u32 $0x780, s26;
	[tilespmem:s9+$0x10A00] =	vst v19  }
0x1d3: {  	s2 =	sor.u32 s30, s2;
	v20 =	vld [tilespmem:s1+$0xB80]  }
0x1d4: {  	v19 =	vld [tilespmem:s2+$0x200]  }
0x1d5: {  	v21 =	vld [tilespmem:s1+$0xC00]  }
0x1d6: {  	v22 =	vld [tilespmem:s1+$0xC80]  }
0x1d7: {  	v23 =	vld [tilespmem:s1+$0xA00]  }
0x1d8: {  	v24 =	vld [tilespmem:s1+$0xA80];
	v20 =	vmul.f32 v20, v8  }
0x1d9: {  	v25 =	vld [tilespmem:s1+$0xB00]  }
0x1da: {  	v20 =	vmul.f32 v20, v19;
	v21 =	vmul.f32 v21, v4  }
0x1db: {  	v22 =	vmul.f32 v22, v3  }
0x1dc: {  	v23 =	vmul.f32 v23, v5;
	v21 =	vmul.f32 v21, v19  }
0x1dd: {  	v24 =	vmul.f32 v24, v6;
	v22 =	vmul.f32 v22, v19  }
0x1de: {  	v23 =	vmul.f32 v23, v19;
	v25 =	vmul.f32 v25, v7  }
0x1df: {  	v24 =	vmul.f32 v24, v19;
	v21 =	vpack.i.f32.bf16 v22, v21  }
0x1e0: {  	v22 =	vmul.f32 v25, v19;
	[tilespmem:s1+$0x10B00] =	vst v21  }
0x1e1: {  	v21 =	vpack.i.f32.bf16 v24, v23  }
0x1e2: {  	[tilespmem:s1+$0x10A00] =	vst v21;
	v20 =	vpack.i.f32.bf16 v20, v22  }
0x1e3: {  	s2 =	sor.u32 $0x300, s29;
	[tilespmem:s1+$0x10A80] =	vst v20  }
0x1e4: {  	s29 =	sor.u32 $0x380, s29;
	v20 =	vld [tilespmem:s2+$0xA00]  }
0x1e5: {  	v21 =	vld [tilespmem:s29+$0xA00];
	_ =	sdelay $0x3  }
0x1e6: {  	v20 =	vmul.f32 v20, v9  }
0x1e7: {  	v21 =	vmul.f32 v21, v10  }
0x1e8: {  	v20 =	vmul.f32 v20, v19  }
0x1e9: {  	v21 =	vmul.f32 v21, v19;
	_ =	sdelay $0x1  }
0x1ea: {  	v20 =	vpack.i.f32.bf16 v21, v20  }
0x1eb: {  	[tilespmem:s1+$0x10B80] =	vst v20  }
0x1ec: {  	v20 =	vld [tilespmem:s31+$0x0]  }
0x1ed: {  	v21 =	vld [tilespmem:s3+$0x0];
	_ =	sdelay $0x3  }
0x1ee: {  	v20 =	vmul.f32 v20, v11  }
0x1ef: {  	v21 =	vmul.f32 v21, v12  }
0x1f0: {  	v20 =	vmul.f32 v20, v19  }
0x1f1: {  	v21 =	vmul.f32 v21, v19;
	_ =	sdelay $0x1  }
0x1f2: {  	v20 =	vpack.i.f32.bf16 v21, v20  }
0x1f3: {  	[tilespmem:s1+$0x10C00] =	vst v20  }
0x1f4: {  	v20 =	vld [tilespmem:s25+$0x0]  }
0x1f5: {  	v21 =	vld [tilespmem:s24+$0x0];
	_ =	sdelay $0x3  }
0x1f6: {  	v20 =	vmul.f32 v20, v13  }
0x1f7: {  	v21 =	vmul.f32 v21, v14  }
0x1f8: {  	v20 =	vmul.f32 v20, v19  }
0x1f9: {  	v21 =	vmul.f32 v21, v19  }
.Ltmp1:
0x1fa: {  	(pc) =	sbr.rel @p0 .LBB2_5-.Ltmp1, $4  }
0x1fb: {  	v20 =	vpack.i.f32.bf16 v21, v20  }
0x1fc: {  	[tilespmem:s1+$0x10C80] =	vst v20  }
0x1fd: {  	v20 =	vld [tilespmem:s22+$0x0]  }
0x1fe: {  	v21 =	vld [tilespmem:s23+$0x0]  }
0x1ff: {  	_ =	sdelay $0x3  }
0x200: {  	v3 =	vmul.f32 v20, v15;
	v4 =	vmul.f32 v21, v16;
	_ =	sdelay $0x1  }
0x201: {  	v3 =	vmul.f32 v3, v19;
	v4 =	vmul.f32 v4, v19;
	_ =	sdelay $0x1  }
0x202: {  	v3 =	vpack.i.f32.bf16 v4, v3  }
0x203: {  	[tilespmem:s2+$0x10A00] =	vst v3  }
0x204: {  	v3 =	vld [tilespmem:s21+$0x0]  }
0x205: {  	v4 =	vld [tilespmem:s20+$0x0];
	_ =	sdelay $0x4  }
0x206: {  	v3 =	vmul.f32 v3, v17;
	v4 =	vmul.f32 v4, v18;
	_ =	sdelay $0x1  }
0x207: {  	v3 =	vmul.f32 v3, v19;
	v4 =	vmul.f32 v4, v19;
	_ =	sdelay $0x1  }
0x208: {  	s1 =	sshll.u32 s0, $0xC;
	s22 =	rddreg [dreg:$0xd];
	v3 =	vpack.i.f32.bf16 v4, v3  }
0x209: {  	s23 =	simm.s32 $0x10A00;
	s1 =	sadd.s32 s1, s22;
	[tilespmem:s29+$0x10A00] =	vst v3  }
0x20a: {  	[hbm4b:s1+s16] =	stream.strided.scatter [tilespmem:s23], [sflag:$0x3], $0x400, s5, s16, $0x38;
	[tilespmem:$0x18A00] =	vst v63  }
0x20b: {  	s3 =	simm.s32 $0x10E00;
	s24 =	sadd.s32 $0x40, s1  }
0x20c: {  	[hbm4b:s24+s16] =	stream.strided.scatter [tilespmem:s3], [sflag:$0x3], $0x400, s5, s16, $0x38;
	[tilespmem:$0x18A00] =	vst v63  }
0x20d: {  	s26 =	simm.s32 $0x11200;
	s25 =	sadd.s32 $0x80, s1  }
0x20e: {  	[hbm4b:s25+s16] =	stream.strided.scatter [tilespmem:s26], [sflag:$0x3], $0x400, s5, s16, $0x38;
	[tilespmem:$0x18A00] =	vst v63  }
0x20f: {  	s28 =	sadd.s32 $0xC0, s1;
	s29 =	simm.s32 $0x11600  }
0x210: {  	[hbm4b:s28+s16] =	stream.strided.scatter [tilespmem:s29], [sflag:$0x3], $0x400, s5, s16, $0x38;
	[tilespmem:$0x18A00] =	vst v63  }
0x211: {  	s31 =	simm.s32 $0x11A00;
	s30 =	sadd.s32 $0x100, s1  }
0x212: {  	[hbm4b:s30+s16] =	stream.strided.scatter [tilespmem:s31], [sflag:$0x3], $0x400, s5, s16, $0x38;
	[tilespmem:$0x18A00] =	vst v63  }
0x213: {  	s6 =	simm.s32 $0x11E00;
	s3 =	sadd.s32 $0x140, s1  }
0x214: {  	[hbm4b:s3+s16] =	stream.strided.scatter [tilespmem:s6], [sflag:$0x3], $0x400, s5, s16, $0x38;
	[tilespmem:$0x18A00] =	vst v63  }
0x215: {  	s8 =	simm.s32 $0x12200;
	s7 =	sadd.s32 $0x180, s1  }
0x216: {  	[hbm4b:s7+s16] =	stream.strided.scatter [tilespmem:s8], [sflag:$0x3], $0x400, s5, s16, $0x38;
	[tilespmem:$0x18A00] =	vst v63  }
0x217: {  	s10 =	simm.s32 $0x12600;
	s9 =	sadd.s32 $0x1C0, s1  }
0x218: {  	[hbm4b:s9+s16] =	stream.strided.scatter [tilespmem:s10], [sflag:$0x3], $0x400, s5, s16, $0x38;
	[tilespmem:$0x18A00] =	vst v63  }
0x219: {  	s12 =	simm.s32 $0x12A00;
	s11 =	sadd.s32 $0x200, s1  }
0x21a: {  	[hbm4b:s11+s16] =	stream.strided.scatter [tilespmem:s12], [sflag:$0x3], $0x400, s5, s16, $0x38;
	[tilespmem:$0x18A00] =	vst v63  }
0x21b: {  	s14 =	simm.s32 $0x12E00;
	s13 =	sadd.s32 $0x240, s1  }
0x21c: {  	[hbm4b:s13+s16] =	stream.strided.scatter [tilespmem:s14], [sflag:$0x3], $0x400, s5, s16, $0x38;
	[tilespmem:$0x18A00] =	vst v63  }
0x21d: {  	s17 =	simm.s32 $0x13200;
	s15 =	sadd.s32 $0x280, s1  }
0x21e: {  	[hbm4b:s15+s16] =	stream.strided.scatter [tilespmem:s17], [sflag:$0x3], $0x400, s5, s16, $0x38;
	[tilespmem:$0x18A00] =	vst v63  }
0x21f: {  	s19 =	simm.s32 $0x13600;
	s18 =	sadd.s32 $0x2C0, s1  }
0x220: {  	[hbm4b:s18+s16] =	stream.strided.scatter [tilespmem:s19], [sflag:$0x3], $0x400, s5, s16, $0x38;
	[tilespmem:$0x18A00] =	vst v63  }
0x221: {  	s20 =	sadd.s32 $0x300, s1;
	s21 =	simm.s32 $0x13A00  }
0x222: {  	[hbm4b:s20+s16] =	stream.strided.scatter [tilespmem:s21], [sflag:$0x3], $0x400, s5, s16, $0x38;
	[tilespmem:$0x18A00] =	vst v63  }
0x223: {  	s22 =	sadd.s32 $0x340, s1;
	s23 =	simm.s32 $0x13E00  }
0x224: {  	[hbm4b:s22+s16] =	stream.strided.scatter [tilespmem:s23], [sflag:$0x3], $0x400, s5, s16, $0x38;
	[tilespmem:$0x18A00] =	vst v63  }
0x225: {  	s24 =	sadd.s32 $0x380, s1;
	s25 =	simm.s32 $0x14200  }
0x226: {  	[hbm4b:s24+s16] =	stream.strided.scatter [tilespmem:s25], [sflag:$0x3], $0x400, s5, s16, $0x38;
	[tilespmem:$0x18A00] =	vst v63  }
0x227: {  	s1 =	sadd.s32 $0x3C0, s1;
	s26 =	simm.s32 $0x14600;
	s28 =	simm.s32 $0x2  }
0x228: {  	[hbm4b:s1+s16] =	stream.strided.scatter [tilespmem:s26], [sflag:$0x3], $0x400, s5, s16, $0x38;
	[tilespmem:$0x18A00] =	vst v63  }
0x229: {  	p0 =	seq.s32 s0, $0xF;
	_ =	swait.ge [sflag:s28], $0x8000  }
0x22a: {  	s1 =	sshll.u32 @!p0 s0, $0x5;
	[sflag:s28] =	ssyncset.done $0x0  }
0x22b: {  	s1 =	sand.u32 @!p0 $0x3FFFFFE0, s1;
	[sflag:s28] =	ssyncadd.s32 $0xFFFF8000  }
0x22c: {  	v3 =	vld @!p0 [tilespmem:s1+$0x20];
	_ =	sdelay $0x4  }
0x22d: {  	v4 =	vshll.u32 @!p0 v3, $0x4  }
0x22e: {  	v5 =	vlaneseq.u32 @!p0;
	v3 =	vand.u32 @!p0 $0x7, v3;
	v4 =	vand.u32 @!p0 $0xFFFFFF80, v4  }
0x22f: {  	v6 =	vshrl.u32 @!p0 v5, $0x3;
	v3 =	vor.u32 @!p0 v3, v4;
	v4 =	vand.u32 @!p0 $0x7, v5  }
0x230: {  	v6 =	vmul.u32 @!p0 $0x8, v6;
	v4 =	vperm.xlane @!p0 v3, v4;
	_ =	sdelay $0x1  }
0x231: {  	v4 =	vadd.s32 @!p0 v6, v4;
	_ =	sdelay $0x3  }
0x232: {  	vm1 =	vmmov @!p0 $0xffff;
	s2 =	simm.s32 @!p0 $0xA00;
	s1 =	simm.s32 @!p0 $0x0  }
0x233: {  	[tilespmem:s2], [sflag:$0x1] =	stream.indirect_vreg.gather @!p0 [hbm4b:s4+s1], $0x80, v4, vm1, $0xb8;
	[tilespmem:$0x18A00] =	vst v63  }
0x234: {  	s3 =	rddreg [dreg:$0x6];
	s2 =	simm.s32 @!p0 $0x1200  }
0x235: {  	[tilespmem:s2], [sflag:$0x1] =	stream.indirect_vreg.gather @!p0 [hbm4b:s3+s1], $0x80, v4, vm1, $0xb8;
	[tilespmem:$0x18A00] =	vst v63  }
0x236: {  	s6 =	rddreg [dreg:$0x7];
	s2 =	simm.s32 @!p0 $0x1A00  }
0x237: {  	[tilespmem:s2], [sflag:$0x1] =	stream.indirect_vreg.gather @!p0 [hbm4b:s6+s1], $0x80, v4, vm1, $0xb8;
	[tilespmem:$0x18A00] =	vst v63  }
0x238: {  	s7 =	rddreg [dreg:$0x8];
	s2 =	simm.s32 @!p0 $0x2200  }
0x239: {  	[tilespmem:s2], [sflag:$0x1] =	stream.indirect_vreg.gather @!p0 [hbm4b:s7+s1], $0x80, v4, vm1, $0xb8;
	[tilespmem:$0x18A00] =	vst v63  }
0x23a: {  	s8 =	rddreg [dreg:$0x9];
	s2 =	simm.s32 @!p0 $0x2A00  }
0x23b: {  	v5 =	vor.u32 @!p0 $0x8, v5;
	[tilespmem:s2], [sflag:$0x1] =	stream.indirect_vreg.gather @!p0 [hbm4b:s8+s1], $0x80, v4, vm1, $0xb8;
	[tilespmem:$0x18A00] =	vst v63  }
0x23c: {  	s9 =	rddreg [dreg:$0xa];
	v3 =	vperm.xlane @!p0 v3, v5;
	s2 =	simm.s32 @!p0 $0x3200  }
0x23d: {  	[tilespmem:s2], [sflag:$0x1] =	stream.indirect_vreg.gather @!p0 [hbm4b:s9+s1], $0x80, v4, vm1, $0xb8;
	[tilespmem:$0x18A00] =	vst v63  }
0x23e: {  	s10 =	rddreg [dreg:$0xb];
	v3 =	vadd.s32 @!p0 v6, v3;
	s2 =	simm.s32 @!p0 $0x3A00  }
0x23f: {  	[tilespmem:s2], [sflag:$0x1] =	stream.indirect_vreg.gather @!p0 [hbm4b:s10+s1], $0x80, v4, vm1, $0xb8;
	[tilespmem:$0x18A00] =	vst v63  }
0x240: {  	s11 =	rddreg [dreg:$0xc];
	s2 =	simm.s32 @!p0 $0x4200  }
0x241: {  	[tilespmem:s2], [sflag:$0x1] =	stream.indirect_vreg.gather @!p0 [hbm4b:s11+s1], $0x80, v4, vm1, $0xb8;
	[tilespmem:$0x18A00] =	vst v63  }
0x242: {  	s2 =	simm.s32 @!p0 $0x4A00  }
0x243: {  	[tilespmem:s2], [sflag:$0x1] =	stream.indirect_vreg.gather @!p0 [hbm4b:s4+s1], $0x80, v3, vm1, $0xb8;
	[tilespmem:$0x18A00] =	vst v63  }
0x244: {  	s2 =	simm.s32 @!p0 $0x5200  }
0x245: {  	[tilespmem:s2], [sflag:$0x1] =	stream.indirect_vreg.gather @!p0 [hbm4b:s3+s1], $0x80, v3, vm1, $0xb8;
	[tilespmem:$0x18A00] =	vst v63  }
0x246: {  	s2 =	simm.s32 @!p0 $0x5A00  }
0x247: {  	[tilespmem:s2], [sflag:$0x1] =	stream.indirect_vreg.gather @!p0 [hbm4b:s6+s1], $0x80, v3, vm1, $0xb8;
	[tilespmem:$0x18A00] =	vst v63  }
0x248: {  	s2 =	simm.s32 @!p0 $0x6200  }
0x249: {  	[tilespmem:s2], [sflag:$0x1] =	stream.indirect_vreg.gather @!p0 [hbm4b:s7+s1], $0x80, v3, vm1, $0xb8;
	[tilespmem:$0x18A00] =	vst v63  }
0x24a: {  	s2 =	simm.s32 @!p0 $0x6A00  }
0x24b: {  	[tilespmem:s2], [sflag:$0x1] =	stream.indirect_vreg.gather @!p0 [hbm4b:s8+s1], $0x80, v3, vm1, $0xb8;
	[tilespmem:$0x18A00] =	vst v63  }
0x24c: {  	s2 =	simm.s32 @!p0 $0x7200  }
0x24d: {  	[tilespmem:s2], [sflag:$0x1] =	stream.indirect_vreg.gather @!p0 [hbm4b:s9+s1], $0x80, v3, vm1, $0xb8;
	[tilespmem:$0x18A00] =	vst v63  }
0x24e: {  	s2 =	simm.s32 @!p0 $0x7A00  }
0x24f: {  	[tilespmem:s2], [sflag:$0x1] =	stream.indirect_vreg.gather @!p0 [hbm4b:s10+s1], $0x80, v3, vm1, $0xb8;
	[tilespmem:$0x18A00] =	vst v63  }
0x250: {  	p1 =	seq.s32 @!p0 s0, $0x0;
	s2 =	simm.s32 @!p0 $0x8200  }
0x251: {  	[tilespmem:s2], [sflag:$0x1] =	stream.indirect_vreg.gather @!p0 [hbm4b:s11+s1], $0x80, v3, vm1, $0xb8;
	[tilespmem:$0x18A00] =	vst v63  }
0x252: {  	p0 =	por p0, !p1  }
0x253: {  	s1 =	simm.s32 @p0 $0x4  }
0x254: {  	_ =	swait.ge @p0 [sflag:s1], $0x4000  }
0x255: {  	[sflag:s1] =	ssyncset.done @p0 $0x0  }
0x256: {  	[sflag:s1] =	ssyncadd.s32 @p0 $0xFFFFC000;
	s1 =	simm.s32 $0x0  }
0x257: {  	s30 =	sand.u32 $0x70, s1;
	s31 =	sand.u32 $0x3C00, s1  }
0x258: {  	s15 =	sor.u32 s30, s31  }
0x259: {  	s29 =	sand.u32 $0x7, s1;
	v4 =	vld [tilespmem:s15+$0x8A00]  }
0x25a: {  	s2 =	sshll.u32 s29, $0x4;
	v5 =	vld [tilespmem:s15+$0x8A80]  }
0x25b: {  	s2 =	sadd.s32 $0x0, s2;
	v9 =	vld [tilespmem:s15+$0x8C80]  }
0x25c: {  	v10 =	vld [tilespmem:s15+$0x8D00];
	s2 =	sor.u32 $0x380, s2  }
0x25d: {  	v3 =	vld [tilespmem:s2+$0x8A00]  }
0x25e: {  	v8 =	vld [tilespmem:s15+$0x8C00]  }
0x25f: {  	v6 =	vld [tilespmem:s15+$0x8B00]  }
0x260: {  	v13 =	vimm.f32 $0.0e+00;
	v18 =	vimm.f32 $0.0e+00;
	v7 =	vld [tilespmem:s15+$0x8B80];
	v4 =	vmul.f32 v4, v4  }
0x261: {  	v17 =	vimm.f32 $0.0e+00;
	v5 =	vmul.f32 v5, v5;
	v25 =	vmul.f32 v9, v9  }
0x262: {  	v20 =	vmul.f32 v10, v10;
	v10 =	vimm.f32 $0.0e+00;
	v3 =	vmul.f32 v3, v3  }
0x263: {  	v16 =	vld [tilespmem:s15+$0xCA00];
	v24 =	vadd.f32 v4, v18;
	v23 =	vadd.f32 v5, v18;
	v4 =	vmul.f32 v8, v8  }
0x264: {  	v15 =	vld [tilespmem:s15+$0xCA80];
	v8 =	vimm.f32 $0.0e+00;
	v14 =	vadd.f32 v3, v18;
	v3 =	vmul.f32 v6, v6  }
0x265: {  	v12 =	vld [tilespmem:s15+$0xCB00];
	v5 =	vimm.f32 $0.0e+00;
	v6 =	vmul.f32 v7, v7;
	v19 =	vadd.f32 v4, v18  }
0x266: {  	s3 =	simm.s32 $0x1;
	v11 =	vld [tilespmem:s15+$0xCB80];
	v7 =	vimm.f32 $0.0e+00;
	v4 =	vimm.f32 $0.0e+00;
	v22 =	vadd.f32 v3, v18  }
0x267: {  	s6 =	simm.s32 $0x20;
	s7 =	simm.s32 $0x10;
	s2 =	sand.u32 $0x7, s3;
	v9 =	vld [tilespmem:s15+$0xCC00];
	v21 =	vadd.f32 v6, v18;
	v6 =	vimm.f32 $0.0e+00;
	v3 =	vimm.f32 $0.0e+00  }
.LBB2_7:
0x268: {  	p0 =	sne.s32 s6, $0x7F0;
	s2 =	sshll.u32 s2, $0x4;
	v18 =	vadd.f32 v25, v18;
	v16 =	vmul.f32 v16, v16;
	v25 =	vld [tilespmem:s15+$0xCC80];
	s1 =	sadd.s32 $0x80, s1  }
0x269: {  	s7 =	sand.u32 $0x70, s7;
	s2 =	sadd.s32 s2, s1;
	s8 =	sand.u32 $0x3C00, s1;
	v17 =	vadd.f32 v20, v17;
	v15 =	vmul.f32 v15, v15;
	v20 =	vld [tilespmem:s15+$0xCD00]  }
0x26a: {  	s2 =	sor.u32 $0x380, s2;
	v13 =	vadd.f32 v16, v13;
	v12 =	vmul.f32 v12, v12;
	v16 =	vld [tilespmem:s15+$0xCD80];
	s15 =	sor.u32 s7, s8;
	s7 =	smov.u32 s6  }
0x26b: {  	v26 =	vld [tilespmem:s2+$0x8A00];
	v10 =	vadd.f32 v15, v10;
	v11 =	vmul.f32 v11, v11  }
0x26c: {  	v15 =	vld [tilespmem:s15+$0x8A00];
	v8 =	vadd.f32 v12, v8;
	v9 =	vmul.f32 v9, v9  }
0x26d: {  	v12 =	vld [tilespmem:s15+$0x8A80];
	v7 =	vadd.f32 v11, v7;
	v11 =	vmul.f32 v25, v25  }
0x26e: {  	v25 =	vld [tilespmem:s15+$0x8B00];
	v5 =	vadd.f32 v9, v5;
	v9 =	vmul.f32 v20, v20  }
0x26f: {  	v20 =	vld [tilespmem:s15+$0x8B80];
	v6 =	vadd.f32 v11, v6;
	v11 =	vmul.f32 v16, v16  }
0x270: {  	v27 =	vld [tilespmem:s15+$0x8C00];
	v16 =	vmul.f32 v26, v26;
	v4 =	vadd.f32 v9, v4  }
0x271: {  	v9 =	vmul.f32 v15, v15;
	v26 =	vld [tilespmem:s15+$0x8C80];
	v3 =	vadd.f32 v11, v3  }
0x272: {  	v11 =	vmul.f32 v12, v12;
	v28 =	vld [tilespmem:s15+$0x8D00];
	v14 =	vadd.f32 v16, v14  }
.Ltmp2:
0x273: {  	v24 =	vadd.f32 v9, v24;
	v9 =	vmul.f32 v25, v25;
	v16 =	vld [tilespmem:s15+$0xCA00];
	(pc) =	sbr.rel @p0 .LBB2_7-.Ltmp2, $4  }
0x274: {  	v23 =	vadd.f32 v11, v23;
	v11 =	vmul.f32 v20, v20;
	v15 =	vld [tilespmem:s15+$0xCA80]  }
0x275: {  	v22 =	vadd.f32 v9, v22;
	v9 =	vmul.f32 v27, v27;
	v12 =	vld [tilespmem:s15+$0xCB00]  }
0x276: {  	s3 =	sadd.s32 $0x1, s3;
	v21 =	vadd.f32 v11, v21;
	v25 =	vmul.f32 v26, v26;
	v11 =	vld [tilespmem:s15+$0xCB80]  }
0x277: {  	s6 =	sadd.s32 $0x10, s6;
	s2 =	sand.u32 $0x7, s3;
	v19 =	vadd.f32 v9, v19;
	v20 =	vmul.f32 v28, v28;
	v9 =	vld [tilespmem:s15+$0xCC00]  }
0x278: {  	s1 =	sadd.s32 $0x80, s1  }
0x279: {  	s3 =	sand.u32 $0x70, s7;
	s6 =	sand.u32 $0x3C00, s1  }
0x27a: {  	s17 =	sor.u32 s3, s6  }
0x27b: {  	v26 =	vld [tilespmem:s17+$0x8A00];
	_ =	sdelay $0x2  }
0x27c: {  	v59 =	vld [tilespmem:s17+$0x8A80];
	_ =	sdelay $0x1  }
0x27d: {  	v26 =	vmul.f32 v26, v26;
	_ =	sdelay $0x1  }
0x27e: {  	v24 =	vadd.f32 v26, v24  }
0x27f: {  	v60 =	vmul.f32 v59, v59  }
0x280: {  	(xrf2) =	vadd.scan.msk.f32 $0xffff, v24  }
0x281: {  	v23 =	vadd.f32 v60, v23;
	_ =	sdelay $0x1  }
0x282: {  	(xrf2) =	vadd.scan.msk.f32 $0xffff, v23;
	_ =	sdelay $0x6  }
0x283: {  	v23, _, _ =	vpop (xrf2)  }
0x284: {  	(v2sf) =	vpush v23, $0xF  }
0x285: {  	v23 =	vld [tilespmem:s17+$0x8B00]  }
0x286: {  	v61, _, _ =	vpop (xrf2)  }
0x287: {  	(v2sf) =	vpush v61, $0xF;
	_ =	sdelay $0x2  }
0x288: {  	v23 =	vmul.f32 v23, v23;
	_ =	sdelay $0x1  }
0x289: {  	v22 =	vadd.f32 v23, v22;
	v23 =	vld [tilespmem:s17+$0x8B80];
	_ =	sdelay $0x1  }
0x28a: {  	(xrf2) =	vadd.scan.msk.f32 $0xffff, v22;
	_ =	sdelay $0x2  }
0x28b: {  	v22 =	vmul.f32 v23, v23;
	_ =	sdelay $0x1  }
0x28c: {  	v21 =	vadd.f32 v22, v21;
	s21 =	spop (v2sf)  }
0x28d: {  	s3 =	smul.f32 $4.882812500e-04, s21  }
0x28e: {  	(xrf2) =	vadd.scan.msk.f32 $0xffff, v21  }
0x28f: {  	s8 =	spop (v2sf);
	s3 =	sadd.f32 $9.999999740e-06, s3  }
0x290: {  	s8 =	smul.f32 $4.882812500e-04, s8  }
0x291: {  	v21, _, _ =	vpop (xrf2);
	s22 =	sshra.s32 s3, $0x1;
	s3 =	smul.f32 $5.000000000e-01, s3  }
0x292: {  	s8 =	sadd.f32 $9.999999740e-06, s8;
	(v2sf) =	vpush v21, $0xF;
	s6 =	ssub.s32 $0x5F3759DF, s22  }
0x293: {  	v21 =	vld [tilespmem:s17+$0x8C00];
	s23 =	smul.f32 s6, s3  }
0x294: {  	s9 =	sshra.s32 s8, $0x1;
	s8 =	smul.f32 $5.000000000e-01, s8  }
0x295: {  	s24 =	ssub.s32 $0x5F3759DF, s9;
	s7 =	smul.f32 s6, s23  }
0x296: {  	s9 =	smul.f32 s24, s8  }
0x297: {  	s7 =	ssub.f32 $1.500000000e+00, s7  }
0x298: {  	v21 =	vmul.f32 v21, v21;
	s9 =	smul.f32 s24, s9;
	v22, _, _ =	vpop (xrf2)  }
0x299: {  	(v2sf) =	vpush v22, $0xF;
	s6 =	smul.f32 s6, s7  }
0x29a: {  	v19 =	vadd.f32 v21, v19;
	s9 =	ssub.f32 $1.500000000e+00, s9  }
0x29b: {  	s10 =	smul.f32 s6, s3  }
0x29c: {  	(xrf2) =	vadd.scan.msk.f32 $0xffff, v19;
	s7 =	smul.f32 s24, s9  }
0x29d: {  	v19 =	vld [tilespmem:s17+$0x8C80];
	s10 =	smul.f32 s10, s6  }
0x29e: {  	s9 =	smul.f32 s7, s8  }
0x29f: {  	s10 =	ssub.f32 $1.500000000e+00, s10  }
0x2a0: {  	s9 =	smul.f32 s9, s7  }
0x2a1: {  	s25 =	spop (v2sf);
	s6 =	smul.f32 s10, s6  }
0x2a2: {  	v19 =	vmul.f32 v19, v19;
	s9 =	ssub.f32 $1.500000000e+00, s9;
	s10 =	smul.f32 $4.882812500e-04, s25  }
0x2a3: {  	v18 =	vadd.f32 v25, v18  }
0x2a4: {  	s7 =	smul.f32 s9, s7;
	s10 =	sadd.f32 $9.999999740e-06, s10  }
0x2a5: {  	v18 =	vadd.f32 v19, v18;
	s3 =	smul.f32 s6, s3  }
0x2a6: {  	v19, _, _ =	vpop (xrf2);
	s11 =	sshra.s32 s10, $0x1;
	s10 =	smul.f32 $5.000000000e-01, s10  }
0x2a7: {  	(xrf2) =	vadd.scan.msk.f32 $0xffff, v18;
	s8 =	smul.f32 s7, s8;
	(v2sf) =	vpush v19, $0xF;
	s26 =	ssub.s32 $0x5F3759DF, s11  }
0x2a8: {  	s11 =	smul.f32 s26, s10;
	s12 =	spop (v2sf)  }
0x2a9: {  	s12 =	smul.f32 $4.882812500e-04, s12  }
0x2aa: {  	v18 =	vld [tilespmem:s17+$0x8D00];
	s11 =	smul.f32 s26, s11  }
0x2ab: {  	s2 =	sshll.u32 s2, $0x4;
	s3 =	smul.f32 s3, s6;
	s12 =	sadd.f32 $9.999999740e-06, s12  }
0x2ac: {  	s1 =	sadd.s32 s2, s1;
	s8 =	smul.f32 s8, s7;
	s11 =	ssub.f32 $1.500000000e+00, s11  }
0x2ad: {  	s1 =	sor.u32 $0x380, s1;
	s28 =	sshra.s32 s12, $0x1;
	s30 =	smul.f32 $5.000000000e-01, s12  }
0x2ae: {  	v19 =	vld [tilespmem:s1+$0x8A00];
	s9 =	smul.f32 s26, s11;
	s2 =	ssub.s32 $0x5F3759DF, s28  }
0x2af: {  	v17 =	vadd.f32 v20, v17;
	v18 =	vmul.f32 v18, v18;
	s4 =	smul.f32 s2, s30  }
0x2b0: {  	s31 =	smul.f32 s9, s10  }
0x2b1: {  	s3 =	ssub.f32 $1.500000000e+00, s3;
	v17 =	vadd.f32 v18, v17;
	v20, _, _ =	vpop (xrf2);
	s1 =	smul.f32 s2, s4  }
0x2b2: {  	s8 =	ssub.f32 $1.500000000e+00, s8;
	(v2sf) =	vpush v20, $0xF;
	s12 =	smul.f32 s31, s9  }
0x2b3: {  	s18 =	smul.f32 s3, s6;
	(xrf2) =	vadd.scan.msk.f32 $0xffff, v17;
	v17 =	vmul.f32 v19, v19;
	s1 =	ssub.f32 $1.500000000e+00, s1  }
0x2b4: {  	s19 =	smul.f32 s8, s7;
	s6 =	ssub.f32 $1.500000000e+00, s12  }
0x2b5: {  	v14 =	vadd.f32 v17, v14;
	s1 =	smul.f32 s2, s1  }
0x2b6: {  	s8 =	spop (v2sf);
	s3 =	smul.f32 s6, s9  }
0x2b7: {  	(xrf2) =	vadd.scan.msk.f32 $0xffff, v14;
	s2 =	smul.f32 $4.882812500e-04, s8  }
0x2b8: {  	s9 =	smul.f32 s1, s30  }
0x2b9: {  	s12 =	smul.f32 s3, s10;
	s2 =	sadd.f32 $9.999999740e-06, s2  }
0x2ba: {  	s6 =	smul.f32 s9, s1  }
0x2bb: {  	s13 =	sshra.s32 s2, $0x1;
	s2 =	smul.f32 $5.000000000e-01, s2  }
0x2bc: {  	s7 =	smul.f32 s12, s3;
	s6 =	ssub.f32 $1.500000000e+00, s6;
	s8 =	ssub.s32 $0x5F3759DF, s13  }
0x2bd: {  	s14 =	smul.f32 s8, s2  }
0x2be: {  	v14, _, _ =	vpop (xrf2);
	s1 =	smul.f32 s6, s1  }
0x2bf: {  	(v2sf) =	vpush v14, $0xF;
	v14 =	vld [tilespmem:s17+$0xCA00];
	s20 =	smul.f32 s8, s14  }
0x2c0: {  	s21 =	smul.f32 s1, s30  }
0x2c1: {  	v17, _, _ =	vpop (xrf2);
	s22 =	spop (v2sf);
	s6 =	ssub.f32 $1.500000000e+00, s20  }
0x2c2: {  	v16 =	vmul.f32 v16, v16;
	(v2sf) =	vpush v17, $0xF;
	s10 =	smul.f32 $4.882812500e-04, s22  }
0x2c3: {  	s6 =	smul.f32 s8, s6  }
0x2c4: {  	v13 =	vadd.f32 v16, v13;
	v14 =	vmul.f32 v14, v14;
	s23 =	smul.f32 s21, s1;
	s24 =	sadd.f32 $9.999999740e-06, s10  }
0x2c5: {  	s25 =	smul.f32 s6, s2  }
0x2c6: {  	v13 =	vadd.f32 v14, v13;
	s26 =	sshra.s32 s24, $0x1;
	s9 =	smul.f32 $5.000000000e-01, s24  }
0x2c7: {  	v16 =	vld [tilespmem:s17+$0xCA80];
	s7 =	ssub.f32 $1.500000000e+00, s7;
	s11 =	ssub.s32 $0x5F3759DF, s26;
	s10 =	smul.f32 s25, s6  }
0x2c8: {  	(xrf2) =	vadd.scan.msk.f32 $0xffff, v13;
	s28 =	smul.f32 s11, s9  }
0x2c9: {  	s22 =	smul.f32 s7, s3;
	s30 =	ssub.f32 $1.500000000e+00, s10  }
0x2ca: {  	v13 =	vmul.f32 v15, v15;
	s31 =	ssub.f32 $1.500000000e+00, s23;
	s4 =	smul.f32 s11, s28  }
0x2cb: {  	s3 =	smul.f32 s30, s6  }
0x2cc: {  	v10 =	vadd.f32 v13, v10;
	v13 =	vmul.f32 v16, v16;
	s23 =	smul.f32 s31, s1;
	s10 =	ssub.f32 $1.500000000e+00, s4  }
0x2cd: {  	s2 =	smul.f32 s3, s2  }
0x2ce: {  	v10 =	vadd.f32 v13, v10;
	s1 =	smul.f32 s11, s10;
	s11 =	spop (v2sf)  }
0x2cf: {  	s6 =	smul.f32 $4.882812500e-04, s11  }
0x2d0: {  	(xrf2) =	vadd.scan.msk.f32 $0xffff, v10;
	s12 =	smul.f32 s1, s9  }
0x2d1: {  	s2 =	smul.f32 s2, s3;
	s14 =	spop (v2sf)  }
0x2d2: {  	v10, _, _ =	vpop (xrf2);
	s6 =	sadd.f32 $9.999999740e-06, s6;
	s10 =	smul.f32 $4.882812500e-04, s14  }
0x2d3: {  	(v2sf) =	vpush v10, $0xF;
	s7 =	smul.f32 s12, s1;
	s2 =	ssub.f32 $1.500000000e+00, s2  }
0x2d4: {  	s13 =	sshra.s32 s6, $0x1;
	s6 =	smul.f32 $5.000000000e-01, s6  }
0x2d5: {  	s21 =	sadd.f32 $9.999999740e-06, s10;
	s8 =	ssub.s32 $0x5F3759DF, s13;
	s3 =	smul.f32 s2, s3  }
0x2d6: {  	s7 =	ssub.f32 $1.500000000e+00, s7;
	s20 =	smul.f32 s8, s6  }
0x2d7: {  	s12 =	smul.f32 $5.000000000e-01, s21  }
0x2d8: {  	v10 =	vld [tilespmem:s17+$0xCB00];
	s25 =	sshra.s32 s21, $0x1;
	s1 =	smul.f32 s7, s1  }
0x2d9: {  	v13 =	vld [tilespmem:s17+$0xCB80];
	s28 =	ssub.s32 $0x5F3759DF, s25;
	s24 =	smul.f32 s8, s20  }
0x2da: {  	v14, _, _ =	vpop (xrf2);
	s30 =	smul.f32 s28, s12  }
0x2db: {  	v12 =	vmul.f32 v12, v12;
	(v2sf) =	vpush v14, $0xF;
	s9 =	smul.f32 s1, s9;
	s26 =	ssub.f32 $1.500000000e+00, s24  }
0x2dc: {  	v11 =	vmul.f32 v11, v11;
	s31 =	smul.f32 s28, s30  }
0x2dd: {  	v8 =	vadd.f32 v12, v8;
	v10 =	vmul.f32 v10, v10;
	s2 =	smul.f32 s8, s26  }
0x2de: {  	v7 =	vadd.f32 v11, v7;
	v11 =	vmul.f32 v13, v13;
	s9 =	smul.f32 s9, s1;
	s8 =	ssub.f32 $1.500000000e+00, s31  }
0x2df: {  	v8 =	vadd.f32 v10, v8;
	s4 =	smul.f32 s2, s6  }
0x2e0: {  	v7 =	vadd.f32 v11, v7;
	s7 =	smul.f32 s28, s8  }
0x2e1: {  	(xrf2) =	vadd.scan.msk.f32 $0xffff, v8;
	s10 =	smul.f32 s4, s2  }
0x2e2: {  	(xrf2) =	vadd.scan.msk.f32 $0xffff, v7;
	s14 =	spop (v2sf);
	s13 =	smul.f32 s7, s12  }
0x2e3: {  	s20 =	smul.f32 $4.882812500e-04, s14;
	s11 =	ssub.f32 $1.500000000e+00, s10  }
0x2e4: {  	s8 =	ssub.f32 $1.500000000e+00, s9;
	s10 =	smul.f32 s13, s7  }
0x2e5: {  	s24 =	sadd.f32 $9.999999740e-06, s20;
	s9 =	smul.f32 s11, s2  }
0x2e6: {  	s2 =	smul.f32 s8, s1;
	s21 =	ssub.f32 $1.500000000e+00, s10  }
0x2e7: {  	s25 =	sshra.s32 s24, $0x1;
	s10 =	smul.f32 $5.000000000e-01, s24  }
0x2e8: {  	s1 =	ssub.s32 $0x5F3759DF, s25;
	s7 =	smul.f32 s21, s7  }
0x2e9: {  	s28 =	smul.f32 s1, s10  }
0x2ea: {  	s30 =	spop (v2sf);
	s26 =	smul.f32 s7, s12  }
0x2eb: {  	v7, _, _ =	vpop (xrf2);
	s12 =	smul.f32 $4.882812500e-04, s30  }
0x2ec: {  	(v2sf) =	vpush v7, $0xF;
	v7, _, _ =	vpop (xrf2);
	s6 =	smul.f32 s9, s6  }
0x2ed: {  	(v2sf) =	vpush v7, $0xF;
	s11 =	smul.f32 s1, s28;
	s12 =	sadd.f32 $9.999999740e-06, s12  }
0x2ee: {  	v7 =	vld [tilespmem:s15+$0xCC80];
	s6 =	smul.f32 s6, s9  }
0x2ef: {  	v8 =	vld [tilespmem:s17+$0xCC00];
	s13 =	sshra.s32 s12, $0x1;
	s12 =	smul.f32 $5.000000000e-01, s12  }
0x2f0: {  	v10 =	vld [tilespmem:s17+$0xCC80];
	s8 =	smul.f32 s26, s7;
	s11 =	ssub.f32 $1.500000000e+00, s11;
	s14 =	ssub.s32 $0x5F3759DF, s13  }
0x2f1: {  	s31 =	smul.f32 s14, s12  }
0x2f2: {  	v9 =	vmul.f32 v9, v9;
	s11 =	smul.f32 s1, s11  }
0x2f3: {  	s6 =	ssub.f32 $1.500000000e+00, s6;
	v7 =	vmul.f32 v7, v7;
	s20 =	smul.f32 s14, s31  }
0x2f4: {  	v5 =	vadd.f32 v9, v5;
	v8 =	vmul.f32 v8, v8;
	s4 =	smul.f32 s11, s10  }
0x2f5: {  	s1 =	smul.f32 s6, s9;
	v6 =	vadd.f32 v7, v6;
	v7 =	vmul.f32 v10, v10;
	s20 =	ssub.f32 $1.500000000e+00, s20  }
0x2f6: {  	v5 =	vadd.f32 v8, v5;
	s8 =	ssub.f32 $1.500000000e+00, s8;
	s21 =	smul.f32 s4, s11  }
0x2f7: {  	v6 =	vadd.f32 v7, v6;
	s6 =	smul.f32 s14, s20  }
0x2f8: {  	(xrf2) =	vadd.scan.msk.f32 $0xffff, v5;
	s13 =	smul.f32 s8, s7;
	s24 =	ssub.f32 $1.500000000e+00, s21  }
0x2f9: {  	(xrf2) =	vadd.scan.msk.f32 $0xffff, v6;
	s25 =	smul.f32 s6, s12  }
0x2fa: {  	s8 =	smul.f32 s24, s11  }
0x2fb: {  	s26 =	spop (v2sf);
	s7 =	smul.f32 s25, s6  }
0x2fc: {  	s9 =	smul.f32 $4.882812500e-04, s26;
	s28 =	spop (v2sf)  }
0x2fd: {  	v9 =	vld [tilespmem:s17+$0xCD80];
	s11 =	smul.f32 $4.882812500e-04, s28;
	s7 =	ssub.f32 $1.500000000e+00, s7  }
0x2fe: {  	v5 =	vld [tilespmem:s15+$0xCD00];
	s10 =	smul.f32 s8, s10;
	s30 =	sadd.f32 $9.999999740e-06, s9  }
0x2ff: {  	v6 =	vld [tilespmem:s15+$0xCD80];
	s15 =	simm.s32 $0x0;
	s11 =	sadd.f32 $9.999999740e-06, s11;
	s9 =	smul.f32 s7, s6  }
0x300: {  	v7 =	vld [tilespmem:s17+$0xCD00];
	s17 =	simm.s32 $0x200;
	s21 =	sand.u32 $0x60, s15;
	s6 =	smul.f32 $5.000000000e-01, s30  }
0x301: {  	s20 =	sand.u32 $0x3C00, s15;
	s31 =	sshra.s32 s30, $0x1;
	s30 =	smul.f32 $5.000000000e-01, s11  }
0x302: {  	v8, _, _ =	vpop (xrf2);
	s4 =	ssub.s32 $0x5F3759DF, s31;
	s28 =	sshra.s32 s11, $0x1;
	s12 =	smul.f32 s9, s12  }
0x303: {  	v19 =	vld [tilespmem:s17+$0x0];
	(v2sf) =	vpush v8, $0xF;
	s24 =	sor.u32 s21, s20;
	s26 =	ssub.s32 $0x5F3759DF, s28;
	v8, _, _ =	vpop (xrf2);
	s25 =	smul.f32 s4, s6  }
0x304: {  	v10 =	vld [tilespmem:s24+$0x8C00];
	(v2sf) =	vpush v8, $0xF;
	s11 =	smul.f32 s26, s30  }
0x305: {  	v5 =	vmul.f32 v5, v5;
	v11 =	vld [tilespmem:s24+$0x8A80];
	s25 =	smul.f32 s4, s25  }
0x306: {  	v12 =	vld [tilespmem:s24+$0x8A00];
	s11 =	smul.f32 s26, s11  }
0x307: {  	v4 =	vadd.f32 v5, v4;
	v5 =	vmul.f32 v7, v7;
	s10 =	smul.f32 s10, s8;
	v8 =	vld [tilespmem:s24+$0x8C80];
	s25 =	ssub.f32 $1.500000000e+00, s25  }
0x308: {  	v6 =	vmul.f32 v6, v6;
	v15 =	vld [tilespmem:s24+$0x8B00];
	s12 =	smul.f32 s12, s9;
	s11 =	ssub.f32 $1.500000000e+00, s11  }
0x309: {  	v9 =	vmul.f32 v9, v9;
	v16 =	vadd.f32 v5, v4;
	v4 =	vmov s3;
	s14 =	smul.f32 s4, s25  }
0x30a: {  	v5 =	vmov s18;
	v13 =	vld [tilespmem:s24+$0x8B80];
	v14 =	vadd.f32 v6, v3;
	v6 =	vmov s19;
	s11 =	smul.f32 s26, s11  }
0x30b: {  	v3 =	vmov s2;
	v10 =	vmul.f32 v10, v4;
	v11 =	vmul.f32 v11, v6;
	s31 =	smul.f32 s14, s6  }
0x30c: {  	v7 =	vmov s22;
	v12 =	vmul.f32 v12, v5;
	v8 =	vmul.f32 v8, v3;
	s4 =	smul.f32 s11, s30  }
0x30d: {  	v9 =	vadd.f32 v9, v14;
	s10 =	ssub.f32 $1.500000000e+00, s10;
	v14 =	vmul.f32 v15, v7;
	v11 =	vmul.f32 v11, v19;
	s2 =	smul.f32 s31, s14  }
0x30e: {  	v12 =	vmul.f32 v12, v19;
	v17 =	vmul.f32 v8, v19;
	s12 =	ssub.f32 $1.500000000e+00, s12;
	v8 =	vmov s23;
	s3 =	smul.f32 s4, s11  }
0x30f: {  	s8 =	smul.f32 s10, s8;
	v10 =	vmul.f32 v10, v19;
	v13 =	vmul.f32 v13, v8;
	s2 =	ssub.f32 $1.500000000e+00, s2  }
0x310: {  	(xrf2) =	vadd.scan.msk.f32 $0xffff, v16;
	v11 =	vpack.i.f32.bf16 v11, v12;
	s9 =	smul.f32 s12, s9;
	s3 =	ssub.f32 $1.500000000e+00, s3  }
0x311: {  	s22 =	sand.u32 $0x3, s15;
	(xrf2) =	vadd.scan.msk.f32 $0xffff, v9;
	v9 =	vpack.i.f32.bf16 v17, v10;
	v10 =	vmul.f32 v13, v19;
	v13 =	vmul.f32 v14, v19;
	s10 =	smul.f32 s2, s14  }
0x312: {  	[tilespmem:s24+$0x14A00] =	vst v11;
	s23 =	spop (v2sf);
	s11 =	smul.f32 s3, s11;
	s2 =	sshll.u32 s22, $0x5  }
0x313: {  	[tilespmem:s24+$0x14B00] =	vst v9;
	v9 =	vpack.i.f32.bf16 v10, v13;
	s25 =	spop (v2sf);
	s3 =	smul.f32 $4.882812500e-04, s23;
	s18 =	sadd.s32 $0x0, s2  }
0x314: {  	[tilespmem:s24+$0x14A80] =	vst v9;
	s12 =	smul.f32 $4.882812500e-04, s25;
	s2 =	sor.u32 $0x300, s18  }
0x315: {  	s6 =	smul.f32 s10, s6;
	s26 =	sadd.f32 $9.999999740e-06, s3;
	s3 =	sor.u32 $0x380, s18;
	v11 =	vld [tilespmem:s2+$0x8A00]  }
0x316: {  	s12 =	sadd.f32 $9.999999740e-06, s12;
	s7 =	smul.f32 s11, s30;
	v12 =	vld [tilespmem:s3+$0x8A00]  }
0x317: {  	s28 =	sshra.s32 s26, $0x1;
	s14 =	smul.f32 $5.000000000e-01, s26  }
0x318: {  	s30 =	sshra.s32 s12, $0x1;
	s12 =	smul.f32 $5.000000000e-01, s12;
	s19 =	ssub.s32 $0x5F3759DF, s28  }
0x319: {  	s22 =	ssub.s32 $0x5F3759DF, s30;
	s31 =	smul.f32 s19, s14  }
0x31a: {  	v10 =	vmov s13;
	v9 =	vmov s1;
	v13, _, _ =	vpop (xrf2);
	s4 =	smul.f32 s22, s12  }
0x31b: {  	(v2sf) =	vpush v13, $0xF;
	v13, _, _ =	vpop (xrf2);
	s23 =	smul.f32 s19, s31;
	v11 =	vmul.f32 v11, v9;
	v12 =	vmul.f32 v12, v10  }
0x31c: {  	(v2sf) =	vpush v13, $0xF;
	s26 =	smul.f32 s22, s4  }
0x31d: {  	s6 =	smul.f32 s6, s10;
	s1 =	ssub.f32 $1.500000000e+00, s23;
	v11 =	vmul.f32 v11, v19;
	v12 =	vmul.f32 v12, v19  }
0x31e: {  	s7 =	smul.f32 s7, s11;
	s13 =	ssub.f32 $1.500000000e+00, s26  }
0x31f: {  	s1 =	smul.f32 s19, s1;
	v11 =	vpack.i.f32.bf16 v12, v11;
	s19 =	sadd.s32 $0xCA00, s20  }
0x320: {  	s13 =	smul.f32 s22, s13;
	s22 =	sadd.s32 $0xCA80, s20;
	[tilespmem:s24+$0x14B80] =	vst v11;
	s28 =	sor.u32 s21, s19  }
0x321: {  	s31 =	sor.u32 s21, s22;
	s30 =	smul.f32 s1, s14;
	v13 =	vld [tilespmem:s28+$0x0]  }
0x322: {  	s4 =	smul.f32 s13, s12;
	v14 =	vld [tilespmem:s31+$0x0]  }
0x323: {  	s6 =	ssub.f32 $1.500000000e+00, s6;
	s28 =	smul.f32 s30, s1  }
0x324: {  	s7 =	ssub.f32 $1.500000000e+00, s7;
	s30 =	smul.f32 s4, s13  }
0x325: {  	s6 =	smul.f32 s6, s10;
	s31 =	ssub.f32 $1.500000000e+00, s28  }
0x326: {  	s7 =	smul.f32 s7, s11;
	v12 =	vmov s9;
	v11 =	vmov s8;
	s4 =	ssub.f32 $1.500000000e+00, s30  }
0x327: {  	v13 =	vmul.f32 v13, v11;
	v14 =	vmul.f32 v14, v12;
	s8 =	smul.f32 s31, s1  }
0x328: {  	s9 =	smul.f32 s4, s13  }
0x329: {  	v13 =	vmul.f32 v13, v19;
	v14 =	vmul.f32 v14, v19;
	s10 =	smul.f32 s8, s14  }
0x32a: {  	s13 =	spop (v2sf);
	s11 =	smul.f32 s9, s12  }
0x32b: {  	s23 =	spop (v2sf);
	s14 =	smul.f32 $4.882812500e-04, s13;
	s13 =	sadd.s32 $0xCB00, s20;
	v13 =	vpack.i.f32.bf16 v14, v13  }
0x32c: {  	s1 =	sadd.s32 $0xCB80, s20;
	s25 =	smul.f32 $4.882812500e-04, s23;
	s26 =	sor.u32 s21, s13;
	[tilespmem:s24+$0x14C00] =	vst v13  }
0x32d: {  	s28 =	sor.u32 s21, s1;
	s10 =	smul.f32 s10, s8;
	s12 =	sadd.f32 $9.999999740e-06, s14;
	v15 =	vld [tilespmem:s26+$0x0]  }
0x32e: {  	s11 =	smul.f32 s11, s9;
	s14 =	sadd.f32 $9.999999740e-06, s25;
	v16 =	vld [tilespmem:s28+$0x0]  }
0x32f: {  	s30 =	sshra.s32 s12, $0x1;
	s12 =	smul.f32 $5.000000000e-01, s12  }
0x330: {  	s31 =	sshra.s32 s14, $0x1;
	s14 =	smul.f32 $5.000000000e-01, s14;
	s23 =	ssub.s32 $0x5F3759DF, s30  }
0x331: {  	s25 =	ssub.s32 $0x5F3759DF, s31;
	s4 =	smul.f32 s23, s12  }
0x332: {  	v14 =	vmov s7;
	v13 =	vmov s6;
	s28 =	smul.f32 s25, s14  }
0x333: {  	s10 =	ssub.f32 $1.500000000e+00, s10;
	s30 =	smul.f32 s23, s4;
	v15 =	vmul.f32 v15, v13;
	v16 =	vmul.f32 v16, v14  }
0x334: {  	s31 =	ssub.f32 $1.500000000e+00, s11;
	s4 =	smul.f32 s25, s28  }
0x335: {  	s8 =	smul.f32 s10, s8;
	s7 =	ssub.f32 $1.500000000e+00, s30;
	v15 =	vmul.f32 v15, v19;
	v16 =	vmul.f32 v16, v19  }
0x336: {  	s9 =	smul.f32 s31, s9;
	s11 =	ssub.f32 $1.500000000e+00, s4  }
0x337: {  	s6 =	sadd.s32 $0xCC00, s20;
	s26 =	smul.f32 s23, s7;
	v15 =	vpack.i.f32.bf16 v16, v15  }
0x338: {  	s28 =	sor.u32 s21, s6;
	s11 =	smul.f32 s25, s11;
	s7 =	sadd.s32 $0xCC80, s20;
	[tilespmem:s24+$0x14C80] =	vst v15  }
0x339: {  	s31 =	sor.u32 s21, s7;
	s30 =	smul.f32 s26, s12;
	v17 =	vld [tilespmem:s28+$0x0]  }
0x33a: {  	s4 =	smul.f32 s11, s14;
	v18 =	vld [tilespmem:s31+$0x0]  }
0x33b: {  	s24 =	smul.f32 s30, s26  }
0x33c: {  	s23 =	smul.f32 s4, s11  }
0x33d: {  	s24 =	ssub.f32 $1.500000000e+00, s24  }
0x33e: {  	v16 =	vmov s9;
	v15 =	vmov s8;
	s23 =	ssub.f32 $1.500000000e+00, s23  }
0x33f: {  	v17 =	vmul.f32 v17, v15;
	v18 =	vmul.f32 v18, v16;
	s10 =	smul.f32 s24, s26  }
0x340: {  	s11 =	smul.f32 s23, s11  }
0x341: {  	v17 =	vmul.f32 v17, v19;
	v18 =	vmul.f32 v18, v19;
	s26 =	smul.f32 s10, s12  }
0x342: {  	s28 =	smul.f32 s11, s14  }
0x343: {  	s8 =	sadd.s32 $0xCD00, s20;
	v17 =	vpack.i.f32.bf16 v18, v17;
	s12 =	smul.f32 s26, s10  }
0x344: {  	s9 =	sadd.s32 $0xCD80, s20;
	s30 =	sor.u32 s21, s8;
	s14 =	smul.f32 s28, s11;
	[tilespmem:s2+$0x14A00] =	vst v17  }
0x345: {  	s4 =	sor.u32 s21, s9;
	v20 =	vld [tilespmem:s30+$0x0];
	s31 =	ssub.f32 $1.500000000e+00, s12  }
0x346: {  	v21 =	vld [tilespmem:s4+$0x0];
	s14 =	ssub.f32 $1.500000000e+00, s14  }
0x347: {  	s2 =	smul.f32 s31, s10  }
0x348: {  	s12 =	smul.f32 s14, s11;
	_ =	sdelay $0x1  }
0x349: {  	v17 =	vmov s2;
	v18 =	vmov s12  }
0x34a: {  	v20 =	vmul.f32 v20, v17;
	v21 =	vmul.f32 v21, v18;
	_ =	sdelay $0x1  }
0x34b: {  	v20 =	vmul.f32 v20, v19;
	v19 =	vmul.f32 v21, v19;
	_ =	sdelay $0x1  }
0x34c: {  	s14 =	sor.u32 $0x10, s21;
	v19 =	vpack.i.f32.bf16 v19, v20  }
0x34d: {  	s23 =	sor.u32 s20, s14;
	[tilespmem:s3+$0x14A00] =	vst v19  }
0x34e: {  	v20 =	vld [tilespmem:s23+$0x8B80]  }
0x34f: {  	v21 =	vld [tilespmem:s23+$0x8C00]  }
0x350: {  	v22 =	vld [tilespmem:s23+$0x8C80]  }
0x351: {  	v23 =	vld [tilespmem:s23+$0x8A00]  }
0x352: {  	s21 =	sand.u32 $0x780, s15;
	v62 =	vld [tilespmem:s23+$0x8A80]  }
0x353: {  	s2 =	sor.u32 s14, s21;
	v63 =	vld [tilespmem:s23+$0x8B00]  }
0x354: {  	v19 =	vld [tilespmem:s2+$0x200];
	_ =	sdelay $0x1  }
0x355: {  	v20 =	vmul.f32 v20, v8;
	v21 =	vmul.f32 v21, v4  }
0x356: {  	v22 =	vmul.f32 v22, v3;
	v23 =	vmul.f32 v23, v5  }
0x357: {  	v24 =	vmul.f32 v62, v6;
	v25 =	vmul.f32 v63, v7  }
0x358: {  	v21 =	vmul.f32 v21, v19;
	v22 =	vmul.f32 v22, v19  }
0x359: {  	v23 =	vmul.f32 v23, v19;
	v24 =	vmul.f32 v24, v19  }
0x35a: {  	v20 =	vmul.f32 v20, v19;
	v21 =	vpack.i.f32.bf16 v22, v21;
	v22 =	vmul.f32 v25, v19  }
0x35b: {  	[tilespmem:s23+$0x14B00] =	vst v21;
	v21 =	vpack.i.f32.bf16 v24, v23  }
0x35c: {  	s24 =	sadd.s32 $0x10, s18;
	[tilespmem:s23+$0x14A00] =	vst v21;
	v20 =	vpack.i.f32.bf16 v20, v22  }
0x35d: {  	s2 =	sor.u32 $0x300, s24;
	[tilespmem:s23+$0x14A80] =	vst v20  }
0x35e: {  	s29 =	sor.u32 $0x380, s24;
	v20 =	vld [tilespmem:s2+$0x8A00]  }
0x35f: {  	v21 =	vld [tilespmem:s29+$0x8A00];
	_ =	sdelay $0x4  }
0x360: {  	v20 =	vmul.f32 v20, v9;
	v21 =	vmul.f32 v21, v10;
	_ =	sdelay $0x1  }
0x361: {  	v20 =	vmul.f32 v20, v19;
	v21 =	vmul.f32 v21, v19;
	_ =	sdelay $0x1  }
0x362: {  	v20 =	vpack.i.f32.bf16 v21, v20  }
0x363: {  	s25 =	sor.u32 s14, s19;
	[tilespmem:s23+$0x14B80] =	vst v20  }
0x364: {  	s26 =	sor.u32 s14, s22;
	v20 =	vld [tilespmem:s25+$0x0]  }
0x365: {  	v21 =	vld [tilespmem:s26+$0x0];
	_ =	sdelay $0x4  }
0x366: {  	v20 =	vmul.f32 v20, v11;
	v21 =	vmul.f32 v21, v12;
	_ =	sdelay $0x1  }
0x367: {  	v20 =	vmul.f32 v20, v19;
	v21 =	vmul.f32 v21, v19;
	_ =	sdelay $0x1  }
0x368: {  	v20 =	vpack.i.f32.bf16 v21, v20  }
0x369: {  	s28 =	sor.u32 s14, s13;
	[tilespmem:s23+$0x14C00] =	vst v20  }
0x36a: {  	s1 =	sor.u32 s14, s1;
	v20 =	vld [tilespmem:s28+$0x0]  }
0x36b: {  	v21 =	vld [tilespmem:s1+$0x0];
	_ =	sdelay $0x4  }
0x36c: {  	v20 =	vmul.f32 v20, v13;
	v21 =	vmul.f32 v21, v14;
	_ =	sdelay $0x1  }
0x36d: {  	v20 =	vmul.f32 v20, v19;
	v21 =	vmul.f32 v21, v19;
	_ =	sdelay $0x1  }
0x36e: {  	v20 =	vpack.i.f32.bf16 v21, v20  }
0x36f: {  	s30 =	sor.u32 s14, s6;
	[tilespmem:s23+$0x14C80] =	vst v20  }
0x370: {  	s18 =	simm.s32 $0x20;
	s31 =	sor.u32 s14, s7;
	v20 =	vld [tilespmem:s30+$0x0]  }
0x371: {  	s20 =	sor.u32 s14, s9;
	s19 =	simm.s32 $0x0;
	s21 =	sor.u32 s14, s8;
	v21 =	vld [tilespmem:s31+$0x0]  }
.LBB2_9:
0x372: {  	s15 =	sadd.s32 $0x100, s15;
	s19 =	sadd.s32 $0x1, s19;
	s17 =	sadd.s32 $0x20, s17  }
0x373: {  	p0 =	sne.s32 s18, $0x7E0;
	s26 =	smov.u32 s18;
	s18 =	sadd.s32 $0x20, s18  }
0x374: {  	_ = 	snop  }
0x375: {  	v20 =	vmul.f32 v20, v15  }
0x376: {  	v21 =	vmul.f32 v21, v16  }
0x377: {  	v20 =	vmul.f32 v20, v19  }
0x378: {  	v21 =	vmul.f32 v21, v19;
	_ =	sdelay $0x1  }
0x379: {  	v20 =	vpack.i.f32.bf16 v21, v20  }
0x37a: {  	[tilespmem:s2+$0x14A00] =	vst v20  }
0x37b: {  	v20 =	vld [tilespmem:s21+$0x0]  }
0x37c: {  	v21 =	vld [tilespmem:s20+$0x0];
	_ =	sdelay $0x3  }
0x37d: {  	v20 =	vmul.f32 v20, v17  }
0x37e: {  	v21 =	vmul.f32 v21, v18  }
0x37f: {  	v20 =	vmul.f32 v20, v19  }
0x380: {  	v19 =	vmul.f32 v21, v19;
	_ =	sdelay $0x1  }
0x381: {  	v19 =	vpack.i.f32.bf16 v19, v20  }
0x382: {  	s3 =	sand.u32 $0x60, s26;
	s28 =	sand.u32 $0x3C00, s15;
	[tilespmem:s29+$0x14A00] =	vst v19  }
0x383: {  	s1 =	sor.u32 s3, s28;
	s9 =	sadd.s32 $0xCB00, s28;
	s10 =	sadd.s32 $0xCB80, s28;
	v19 =	vld [tilespmem:s17+$0x0]  }
0x384: {  	s11 =	sadd.s32 $0xCC00, s28;
	s8 =	sor.u32 s3, s9;
	s7 =	sor.u32 s3, s10;
	v20 =	vld [tilespmem:s1+$0x8C80]  }
0x385: {  	s12 =	sadd.s32 $0xCC80, s28;
	s14 =	sor.u32 s3, s11;
	s20 =	sadd.s32 $0xCD00, s28;
	v21 =	vld [tilespmem:s1+$0x8C00]  }
0x386: {  	s6 =	sor.u32 s3, s12;
	s2 =	sor.u32 s3, s20;
	s29 =	sadd.s32 $0xCD80, s28;
	v22 =	vld [tilespmem:s1+$0x8A80]  }
0x387: {  	s30 =	sor.u32 $0x10, s3;
	s13 =	sor.u32 s3, s29;
	v23 =	vld [tilespmem:s1+$0x8A00]  }
0x388: {  	s25 =	sor.u32 s30, s9;
	s24 =	sor.u32 s30, s10;
	s22 =	sor.u32 s30, s11;
	v24 =	vld [tilespmem:s1+$0x8B80]  }
0x389: {  	s23 =	sor.u32 s30, s12;
	s21 =	sor.u32 s30, s20;
	s20 =	sor.u32 s30, s29;
	v25 =	vld [tilespmem:s1+$0x8B00];
	v20 =	vmul.f32 v20, v3  }
0x38a: {  	v21 =	vmul.f32 v21, v4  }
0x38b: {  	v22 =	vmul.f32 v22, v6;
	v20 =	vmul.f32 v20, v19  }
0x38c: {  	v23 =	vmul.f32 v23, v5;
	v21 =	vmul.f32 v21, v19  }
0x38d: {  	v22 =	vmul.f32 v22, v19;
	v24 =	vmul.f32 v24, v8  }
0x38e: {  	v23 =	vmul.f32 v23, v19;
	v25 =	vmul.f32 v25, v7;
	v20 =	vpack.i.f32.bf16 v20, v21  }
0x38f: {  	v21 =	vmul.f32 v24, v19  }
0x390: {  	s9 =	sand.u32 $0x3, s19;
	v22 =	vpack.i.f32.bf16 v22, v23;
	v23 =	vmul.f32 v25, v19;
	[tilespmem:s1+$0x14B00] =	vst v20  }
0x391: {  	s9 =	sshll.u32 s9, $0x5  }
0x392: {  	s9 =	sadd.s32 s9, s15;
	[tilespmem:s1+$0x14A00] =	vst v22;
	v20 =	vpack.i.f32.bf16 v21, v23  }
0x393: {  	s10 =	sor.u32 $0x300, s9;
	s29 =	sadd.s32 $0x10, s9;
	[tilespmem:s1+$0x14A80] =	vst v20  }
0x394: {  	s9 =	sor.u32 $0x380, s9;
	v20 =	vld [tilespmem:s10+$0x8A00]  }
0x395: {  	v21 =	vld [tilespmem:s9+$0x8A00];
	_ =	sdelay $0x3  }
0x396: {  	v20 =	vmul.f32 v20, v9  }
0x397: {  	v21 =	vmul.f32 v21, v10  }
0x398: {  	v20 =	vmul.f32 v20, v19  }
0x399: {  	v21 =	vmul.f32 v21, v19;
	_ =	sdelay $0x1  }
0x39a: {  	s11 =	sadd.s32 $0xCA00, s28;
	v20 =	vpack.i.f32.bf16 v21, v20  }
0x39b: {  	s4 =	sadd.s32 $0xCA80, s28;
	s12 =	sor.u32 s3, s11;
	s31 =	sor.u32 s30, s11;
	[tilespmem:s1+$0x14B80] =	vst v20  }
0x39c: {  	s11 =	sor.u32 s3, s4;
	s3 =	sor.u32 s30, s4;
	v20 =	vld [tilespmem:s12+$0x0]  }
0x39d: {  	v21 =	vld [tilespmem:s11+$0x0];
	_ =	sdelay $0x3  }
0x39e: {  	v20 =	vmul.f32 v20, v11  }
0x39f: {  	v21 =	vmul.f32 v21, v12  }
0x3a0: {  	v20 =	vmul.f32 v20, v19  }
0x3a1: {  	v21 =	vmul.f32 v21, v19;
	_ =	sdelay $0x1  }
0x3a2: {  	v20 =	vpack.i.f32.bf16 v21, v20  }
0x3a3: {  	[tilespmem:s1+$0x14C00] =	vst v20  }
0x3a4: {  	v20 =	vld [tilespmem:s8+$0x0]  }
0x3a5: {  	v21 =	vld [tilespmem:s7+$0x0];
	_ =	sdelay $0x3  }
0x3a6: {  	v20 =	vmul.f32 v20, v13  }
0x3a7: {  	v21 =	vmul.f32 v21, v14  }
0x3a8: {  	v20 =	vmul.f32 v20, v19  }
0x3a9: {  	v21 =	vmul.f32 v21, v19;
	_ =	sdelay $0x1  }
0x3aa: {  	v20 =	vpack.i.f32.bf16 v21, v20  }
0x3ab: {  	[tilespmem:s1+$0x14C80] =	vst v20  }
0x3ac: {  	v20 =	vld [tilespmem:s14+$0x0]  }
0x3ad: {  	v21 =	vld [tilespmem:s6+$0x0];
	_ =	sdelay $0x3  }
0x3ae: {  	v20 =	vmul.f32 v20, v15  }
0x3af: {  	v21 =	vmul.f32 v21, v16  }
0x3b0: {  	v20 =	vmul.f32 v20, v19  }
0x3b1: {  	v21 =	vmul.f32 v21, v19;
	_ =	sdelay $0x1  }
0x3b2: {  	v20 =	vpack.i.f32.bf16 v21, v20  }
0x3b3: {  	[tilespmem:s10+$0x14A00] =	vst v20  }
0x3b4: {  	v20 =	vld [tilespmem:s2+$0x0]  }
0x3b5: {  	v21 =	vld [tilespmem:s13+$0x0];
	_ =	sdelay $0x3  }
0x3b6: {  	v20 =	vmul.f32 v20, v17  }
0x3b7: {  	v21 =	vmul.f32 v21, v18  }
0x3b8: {  	v20 =	vmul.f32 v20, v19  }
0x3b9: {  	v19 =	vmul.f32 v21, v19;
	_ =	sdelay $0x1  }
0x3ba: {  	v19 =	vpack.i.f32.bf16 v19, v20  }
0x3bb: {  	s1 =	sor.u32 s28, s30;
	s2 =	sand.u32 $0x780, s26;
	[tilespmem:s9+$0x14A00] =	vst v19  }
0x3bc: {  	s2 =	sor.u32 s30, s2;
	v20 =	vld [tilespmem:s1+$0x8B80]  }
0x3bd: {  	v19 =	vld [tilespmem:s2+$0x200]  }
0x3be: {  	v21 =	vld [tilespmem:s1+$0x8C00]  }
0x3bf: {  	v22 =	vld [tilespmem:s1+$0x8C80]  }
0x3c0: {  	v23 =	vld [tilespmem:s1+$0x8A00]  }
0x3c1: {  	v24 =	vld [tilespmem:s1+$0x8A80];
	v20 =	vmul.f32 v20, v8  }
0x3c2: {  	v25 =	vld [tilespmem:s1+$0x8B00]  }
0x3c3: {  	v20 =	vmul.f32 v20, v19;
	v21 =	vmul.f32 v21, v4  }
0x3c4: {  	v22 =	vmul.f32 v22, v3  }
0x3c5: {  	v23 =	vmul.f32 v23, v5;
	v21 =	vmul.f32 v21, v19  }
0x3c6: {  	v24 =	vmul.f32 v24, v6;
	v22 =	vmul.f32 v22, v19  }
0x3c7: {  	v23 =	vmul.f32 v23, v19;
	v25 =	vmul.f32 v25, v7  }
0x3c8: {  	v24 =	vmul.f32 v24, v19;
	v21 =	vpack.i.f32.bf16 v22, v21  }
0x3c9: {  	v22 =	vmul.f32 v25, v19;
	[tilespmem:s1+$0x14B00] =	vst v21  }
0x3ca: {  	v21 =	vpack.i.f32.bf16 v24, v23  }
0x3cb: {  	[tilespmem:s1+$0x14A00] =	vst v21;
	v20 =	vpack.i.f32.bf16 v20, v22  }
0x3cc: {  	s2 =	sor.u32 $0x300, s29;
	[tilespmem:s1+$0x14A80] =	vst v20  }
0x3cd: {  	s29 =	sor.u32 $0x380, s29;
	v20 =	vld [tilespmem:s2+$0x8A00]  }
0x3ce: {  	v21 =	vld [tilespmem:s29+$0x8A00];
	_ =	sdelay $0x3  }
0x3cf: {  	v20 =	vmul.f32 v20, v9  }
0x3d0: {  	v21 =	vmul.f32 v21, v10  }
0x3d1: {  	v20 =	vmul.f32 v20, v19  }
0x3d2: {  	v21 =	vmul.f32 v21, v19;
	_ =	sdelay $0x1  }
0x3d3: {  	v20 =	vpack.i.f32.bf16 v21, v20  }
0x3d4: {  	[tilespmem:s1+$0x14B80] =	vst v20  }
0x3d5: {  	v20 =	vld [tilespmem:s31+$0x0]  }
0x3d6: {  	v21 =	vld [tilespmem:s3+$0x0];
	_ =	sdelay $0x3  }
0x3d7: {  	v20 =	vmul.f32 v20, v11  }
0x3d8: {  	v21 =	vmul.f32 v21, v12  }
0x3d9: {  	v20 =	vmul.f32 v20, v19  }
0x3da: {  	v21 =	vmul.f32 v21, v19;
	_ =	sdelay $0x1  }
0x3db: {  	v20 =	vpack.i.f32.bf16 v21, v20  }
0x3dc: {  	[tilespmem:s1+$0x14C00] =	vst v20  }
0x3dd: {  	v20 =	vld [tilespmem:s25+$0x0]  }
0x3de: {  	v21 =	vld [tilespmem:s24+$0x0];
	_ =	sdelay $0x3  }
0x3df: {  	v20 =	vmul.f32 v20, v13  }
0x3e0: {  	v21 =	vmul.f32 v21, v14  }
0x3e1: {  	v20 =	vmul.f32 v20, v19  }
0x3e2: {  	v21 =	vmul.f32 v21, v19  }
.Ltmp3:
0x3e3: {  	(pc) =	sbr.rel @p0 .LBB2_9-.Ltmp3, $4  }
0x3e4: {  	v20 =	vpack.i.f32.bf16 v21, v20  }
0x3e5: {  	[tilespmem:s1+$0x14C80] =	vst v20  }
0x3e6: {  	v20 =	vld [tilespmem:s22+$0x0]  }
0x3e7: {  	v21 =	vld [tilespmem:s23+$0x0]  }
0x3e8: {  	_ =	sdelay $0x3  }
0x3e9: {  	v3 =	vmul.f32 v20, v15;
	v4 =	vmul.f32 v21, v16;
	_ =	sdelay $0x1  }
0x3ea: {  	v3 =	vmul.f32 v3, v19;
	v4 =	vmul.f32 v4, v19;
	_ =	sdelay $0x1  }
0x3eb: {  	v3 =	vpack.i.f32.bf16 v4, v3  }
0x3ec: {  	[tilespmem:s2+$0x14A00] =	vst v3  }
0x3ed: {  	v3 =	vld [tilespmem:s21+$0x0]  }
0x3ee: {  	v63 =	vld [tilespmem:s20+$0x0];
	_ =	sdelay $0x4  }
0x3ef: {  	v3 =	vmul.f32 v3, v17;
	v4 =	vmul.f32 v63, v18;
	_ =	sdelay $0x1  }
0x3f0: {  	v3 =	vmul.f32 v3, v19;
	v4 =	vmul.f32 v4, v19  }
0x3f1: {  	s1 =	rddreg [dreg:$0x10]  }
0x3f2: {  	s26 =	rddreg [dreg:$0xd];
	s1 =	sshll.u32 s1, $0xB;
	v3 =	vpack.i.f32.bf16 v4, v3  }
0x3f3: {  	s28 =	simm.s32 $0x14A00;
	s1 =	sadd.s32 s1, s26;
	[tilespmem:s29+$0x14A00] =	vst v3  }
0x3f4: {  	[hbm4b:s1+s16] =	stream.strided.scatter [tilespmem:s28], [sflag:$0x4], $0x400, s5, s16, $0x38;
	[tilespmem:$0x18A00] =	vst v63  }
0x3f5: {  	s3 =	simm.s32 $0x14E00;
	s29 =	sadd.s32 $0x40, s1  }
0x3f6: {  	[hbm4b:s29+s16] =	stream.strided.scatter [tilespmem:s3], [sflag:$0x4], $0x400, s5, s16, $0x38;
	[tilespmem:$0x18A00] =	vst v63  }
0x3f7: {  	s31 =	simm.s32 $0x15200;
	s30 =	sadd.s32 $0x80, s1  }
0x3f8: {  	[hbm4b:s30+s16] =	stream.strided.scatter [tilespmem:s31], [sflag:$0x4], $0x400, s5, s16, $0x38;
	[tilespmem:$0x18A00] =	vst v63  }
0x3f9: {  	s6 =	simm.s32 $0x15600;
	s4 =	sadd.s32 $0xC0, s1  }
0x3fa: {  	[hbm4b:s4+s16] =	stream.strided.scatter [tilespmem:s6], [sflag:$0x4], $0x400, s5, s16, $0x38;
	[tilespmem:$0x18A00] =	vst v63  }
0x3fb: {  	s8 =	simm.s32 $0x15A00;
	s7 =	sadd.s32 $0x100, s1  }
0x3fc: {  	[hbm4b:s7+s16] =	stream.strided.scatter [tilespmem:s8], [sflag:$0x4], $0x400, s5, s16, $0x38;
	[tilespmem:$0x18A00] =	vst v63  }
0x3fd: {  	s10 =	simm.s32 $0x15E00;
	s9 =	sadd.s32 $0x140, s1  }
0x3fe: {  	[hbm4b:s9+s16] =	stream.strided.scatter [tilespmem:s10], [sflag:$0x4], $0x400, s5, s16, $0x38;
	[tilespmem:$0x18A00] =	vst v63  }
0x3ff: {  	s12 =	simm.s32 $0x16200;
	s11 =	sadd.s32 $0x180, s1  }
0x400: {  	[hbm4b:s11+s16] =	stream.strided.scatter [tilespmem:s12], [sflag:$0x4], $0x400, s5, s16, $0x38;
	[tilespmem:$0x18A00] =	vst v63  }
0x401: {  	s14 =	simm.s32 $0x16600;
	s13 =	sadd.s32 $0x1C0, s1  }
0x402: {  	[hbm4b:s13+s16] =	stream.strided.scatter [tilespmem:s14], [sflag:$0x4], $0x400, s5, s16, $0x38;
	[tilespmem:$0x18A00] =	vst v63  }
0x403: {  	s17 =	simm.s32 $0x16A00;
	s15 =	sadd.s32 $0x200, s1  }
0x404: {  	[hbm4b:s15+s16] =	stream.strided.scatter [tilespmem:s17], [sflag:$0x4], $0x400, s5, s16, $0x38;
	[tilespmem:$0x18A00] =	vst v63  }
0x405: {  	s19 =	simm.s32 $0x16E00;
	s18 =	sadd.s32 $0x240, s1  }
0x406: {  	[hbm4b:s18+s16] =	stream.strided.scatter [tilespmem:s19], [sflag:$0x4], $0x400, s5, s16, $0x38;
	[tilespmem:$0x18A00] =	vst v63  }
0x407: {  	s20 =	sadd.s32 $0x280, s1;
	s21 =	simm.s32 $0x17200  }
0x408: {  	[hbm4b:s20+s16] =	stream.strided.scatter [tilespmem:s21], [sflag:$0x4], $0x400, s5, s16, $0x38;
	[tilespmem:$0x18A00] =	vst v63  }
0x409: {  	s23 =	simm.s32 $0x17600;
	s22 =	sadd.s32 $0x2C0, s1  }
0x40a: {  	[hbm4b:s22+s16] =	stream.strided.scatter [tilespmem:s23], [sflag:$0x4], $0x400, s5, s16, $0x38;
	[tilespmem:$0x18A00] =	vst v63  }
0x40b: {  	s25 =	simm.s32 $0x17A00;
	s0 =	sadd.s32 $0x1, s0;
	s24 =	sadd.s32 $0x300, s1  }
0x40c: {  	[hbm4b:s24+s16] =	stream.strided.scatter [tilespmem:s25], [sflag:$0x4], $0x400, s5, s16, $0x38;
	[tilespmem:$0x18A00] =	vst v63  }
0x40d: {  	p0 =	sne.s32 s0, $0x10;
	s26 =	sadd.s32 $0x340, s1;
	s28 =	simm.s32 $0x17E00  }
0x40e: {  	[hbm4b:s26+s16] =	stream.strided.scatter [tilespmem:s28], [sflag:$0x4], $0x400, s5, s16, $0x38;
	[tilespmem:$0x18A00] =	vst v63  }
.Ltmp4:
0x40f: {  	_ = 	snop;
	(pc) =	sbr.rel @p0 .LBB2_2-.Ltmp4, $4  }
0x410: {  	s29 =	sadd.s32 $0x380, s1;
	s30 =	simm.s32 $0x18200  }
0x411: {  	[hbm4b:s29+s16] =	stream.strided.scatter [tilespmem:s30], [sflag:$0x4], $0x400, s5, s16, $0x38;
	[tilespmem:$0x18A00] =	vst v63  }
0x412: {  	s1 =	sadd.s32 $0x3C0, s1;
	s31 =	simm.s32 $0x18600;
	s4 =	rddreg [dreg:$0x1]  }
0x413: {  	[hbm4b:s1+s16] =	stream.strided.scatter [tilespmem:s31], [sflag:$0x4], $0x400, s5, s16, $0x38;
	[tilespmem:$0x18A00] =	vst v63  }
0x414: {  	s0 =	simm.s32 $0x3  }
0x415: {  	_ =	swait.ge [sflag:s0], $0x4000  }
0x416: {  	[sflag:s0] =	ssyncset.done $0x0  }
0x417: {  	s1 =	simm.s32 $0x4;
	[sflag:s0] =	ssyncadd.s32 $0xFFFFC000  }
0x418: {  	_ =	swait.ge [sflag:s1], $0x4000  }
0x419: {  	s2 =	rddreg [dreg:$0xf]  }
0x41a: {  	s31 =	rddreg [dreg:$0xe];
	s2 =	sadd.s32 $0x1, s2  }
0x41b: {  	p0 =	sne.s32 s2, s31  }
.Ltmp5:
0x41c: {  	_ = 	snop;
	(pc) =	sbr.rel @p0 .LBB2_1-.Ltmp5, $3  }
0x41d: {  	_ =	sdelay $0x1  }
0x41e: {  	[sflag:s1] =	ssyncset.done $0x0  }
0x41f: {  	[sflag:s1] =	ssyncadd.s32 $0xFFFFC000  }
0x420: {  	_ =	sfence.sel $0x180000  }
0x421: {  	[bflag:$0x0] =	sbarrier.arrive $0xFFFF  }
0x422: {  	_ =	strace $0x90000047  }
0x423: {  	s0 =	stileid.u32;
	[bflag:$0x2] =	sbarrier.arrive $0xFFFF  }
0x424: {  	p0 =	sne.s32 s0, $0x0;
	s0 =	rddreg [dreg:$0x4]  }
0x425: {  	s0 =	sadd.s32 @!p0 $0x100000, s0  }
0x426: {  	[sflag:s0] =	ssyncadd.tile.s32 @!p0 $0x1;
	_ =	shalt  }
.Lfunc_end2:
_tile_overlayer_lowered:
.L_overlay_start_2:
0x427: {  	(tag) =	ssettag $0x2  }
0x428: {  	s0 =	rddreg [dreg:$0x0];
	s2 =	stileid.u32  }
0x429: {  	s1 =	rddreg [dreg:$0x1];
	p0 =	sne.s32 s2, $0x0  }
0x42a: {  	s3 =	rddreg [dreg:$0x2];
	[bflag:$0x3] =	sbarrier.arrive $0xFFFF;
	s2 =	simm.s32 @!p0 $0x1C05  }
0x42b: {  	[timem:s3], [sflag:s2] =	dma.local @!p0 [hbm:s0], s1  }
0x42c: {  	s0 =	simm.s32 @!p0 $0x5  }
0x42d: {  	_ =	swait.ge @!p0 [sflag:s0], s1  }
0x42e: {  	s1 =	ssub.s32 @!p0 $0x0, s1;
	[sflag:s0] =	ssyncset.done @!p0 $0x0  }
0x42f: {  	[sflag:s0] =	ssyncadd.s32 @!p0 s1  }
0x430: {  	[bflag:$0x3] =	sbarrier.arrive $0xFFFF  }
0x431: {  	_ =	shalt  }

</sc_bundles>
